<compile_context>
chip_gen: v7x
topology: tpu7x:2x2x1
jax: 0.10.2.dev20260603
libtpu: 0.0.44.dev20260713+nightly
codegen_flags: <defaults>
</compile_context>

<pallas_src>
import functools

import jax
import jax.numpy as jnp
from jax import lax
from jax.experimental import pallas as pl
from jax.experimental.pallas import tpu as pltpu
from jax.experimental.pallas import tpu_sc as plsc

_N = 10000
_E = 320000
_D = 128
_K = 5000
_NC, _NS = 2, 16

_AROWS = _E // 128
_CROWS = 2560
_RPT = _CROWS // (_NC * _NS)
_NPAD = 10240
_AGGR = 10304
_ZSTR = _AGGR // _NS
_OSTR = _NPAD // _NS

_INT_MIN_PY = -2147483648

_sc_mesh = functools.partial(
    plsc.VectorSubcoreMesh, core_axis_name="c", subcore_axis_name="s",
    num_cores=_NC, num_subcores=_NS)


def _load_worker_rows(w, src_hbm, dst_hbm, srcb, dstb):
    @pl.when(w < 24)
    def _():
        start = 80 * w
        pltpu.sync_copy(src_hbm.at[pl.ds(start, 80)], srcb)
        pltpu.sync_copy(dst_hbm.at[pl.ds(start, 80)], dstb)

    @pl.when(w >= 24)
    def _():
        start = 1920 + 72 * (w - 24)
        pltpu.sync_copy(src_hbm.at[pl.ds(start, 72)], srcb.at[pl.ds(0, 72)])
        pltpu.sync_copy(dst_hbm.at[pl.ds(start, 72)], dstb.at[pl.ds(0, 72)])

    @pl.when(w == 31)
    def _():
        pltpu.sync_copy(src_hbm.at[pl.ds(2496, 4)], srcb.at[pl.ds(72, 4)])
        pltpu.sync_copy(dst_hbm.at[pl.ds(2496, 4)], dstb.at[pl.ds(72, 4)])

    return jnp.where(w < 24, 80, jnp.where(w == 31, 76, 72))


def _deg_body(src_hbm, dst_hbm, zero_hbm, dout_hbm, din_hbm,
              srcb, dstb, onesb, dout_sh, din_sh, sem):
    c = lax.axis_index("c")
    s = lax.axis_index("s")
    w = c * _NS + s
    pltpu.sync_copy(zero_hbm.at[pl.ds(s * _OSTR, _OSTR)],
                    dout_sh.at[pl.ds(s * _OSTR, _OSTR)])
    pltpu.sync_copy(zero_hbm.at[pl.ds(s * _OSTR, _OSTR)],
                    din_sh.at[pl.ds(s * _OSTR, _OSTR)])
    for k in range(8):
        onesb[pl.ds(16 * k, 16)] = jnp.full((16,), 1.0, jnp.float32)
    cnt = _load_worker_rows(w, src_hbm, dst_hbm, srcb, dstb)
    plsc.subcore_barrier()

    def body(r, _):
        pltpu.async_copy(onesb, dout_sh.at[srcb.at[r]], sem, add=True)
        pltpu.async_copy(onesb, din_sh.at[dstb.at[r]], sem, add=True)
        return 0
    lax.fori_loop(0, cnt, body, 0)

    def drain(r, _):
        pltpu.make_async_copy(onesb, dout_sh.at[srcb.at[0]], sem).wait()
        return 0
    lax.fori_loop(0, 2 * cnt, drain, 0)
    plsc.subcore_barrier()
    pltpu.sync_copy(dout_sh.at[pl.ds(s * _OSTR, _OSTR)],
                    dout_hbm.at[pl.ds(c * _NPAD + s * _OSTR, _OSTR)])
    pltpu.sync_copy(din_sh.at[pl.ds(s * _OSTR, _OSTR)],
                    din_hbm.at[pl.ds(c * _NPAD + s * _OSTR, _OSTR)])


@functools.cache
def _deg_call():
    return pl.kernel(
        _deg_body,
        out_type=[jax.ShapeDtypeStruct((_NC * _NPAD,), jnp.float32),
                  jax.ShapeDtypeStruct((_NC * _NPAD,), jnp.float32)],
        mesh=_sc_mesh(),
        scratch_types=[
            pltpu.VMEM((80, 128), jnp.int32),
            pltpu.VMEM((80, 128), jnp.int32),
            pltpu.VMEM((128,), jnp.float32),
            pltpu.VMEM_SHARED((_NPAD,), jnp.float32),
            pltpu.VMEM_SHARED((_NPAD,), jnp.float32),
            pltpu.SemaphoreType.DMA,
        ])


def _conv_body(src_hbm, dst_hbm, h_hbm, zero_hbm, agg0_hbm, agg1_hbm,
               srcb, dstb, msgA, msgB, agg_sh, semA, semB):
    c = lax.axis_index("c")
    s = lax.axis_index("s")
    base = (c * _NS + s) * _RPT
    pltpu.sync_copy(zero_hbm.at[pl.ds(s * 640, 640)],
                    agg_sh.at[pl.ds(s * 640, 640)])

    @pl.when(s == 0)
    def _():
        pltpu.sync_copy(zero_hbm.at[pl.ds(10240, 64)],
                        agg_sh.at[pl.ds(10240, 64)])

    plsc.subcore_barrier()

    def blk(bi, _):
        b0 = base + 16 * bi
        pltpu.sync_copy(src_hbm.at[pl.ds(b0, 16)], srcb)
        pltpu.sync_copy(dst_hbm.at[pl.ds(b0, 16)], dstb)
        pltpu.async_copy(h_hbm.at[srcb.at[0]], msgA, semA)

        def pair(i, _):
            j = 2 * i
            pltpu.async_copy(h_hbm.at[srcb.at[j + 1]], msgB, semB)
            pltpu.make_async_copy(h_hbm.at[srcb.at[0]], msgA, semA).wait()
            pltpu.sync_copy(msgA, agg_sh.at[dstb.at[j]], add=True)

            @pl.when(j + 2 < 16)
            def _():
                pltpu.async_copy(h_hbm.at[srcb.at[j + 2]], msgA, semA)

            pltpu.make_async_copy(h_hbm.at[srcb.at[0]], msgB, semB).wait()
            pltpu.sync_copy(msgB, agg_sh.at[dstb.at[j + 1]], add=True)
            return 0
        lax.fori_loop(0, 8, pair, 0)
        return 0
    lax.fori_loop(0, _RPT // 16, blk, 0)

    plsc.subcore_barrier()

    @pl.when(c == 0)
    def _():
        pltpu.sync_copy(agg_sh.at[pl.ds(s * _OSTR, _OSTR)],
                        agg0_hbm.at[pl.ds(s * _OSTR, _OSTR)])

    @pl.when(c == 1)
    def _():
        pltpu.sync_copy(agg_sh.at[pl.ds(s * _OSTR, _OSTR)],
                        agg1_hbm.at[pl.ds(s * _OSTR, _OSTR)])


@functools.cache
def _conv_call():
    return pl.kernel(
        _conv_body,
        out_type=[jax.ShapeDtypeStruct((_NPAD, _D), jnp.float32),
                  jax.ShapeDtypeStruct((_NPAD, _D), jnp.float32)],
        mesh=_sc_mesh(),
        scratch_types=[
            pltpu.VMEM((16, 128), jnp.int32),
            pltpu.VMEM((16, 128), jnp.int32),
            pltpu.VMEM((128, _D), jnp.float32),
            pltpu.VMEM((128, _D), jnp.float32),
            pltpu.VMEM_SHARED((_AGGR, _D), jnp.float32),
            pltpu.SemaphoreType.DMA,
            pltpu.SemaphoreType.DMA,
        ])


def _score_body(src_hbm, dst_hbm, s1n_hbm, zero_hbm, sagg_hbm,
                srcb, dstb, valb, sagg_sh, semg, sems):
    c = lax.axis_index("c")
    s = lax.axis_index("s")
    w = c * _NS + s
    pltpu.sync_copy(zero_hbm.at[pl.ds(s * _OSTR, _OSTR)],
                    sagg_sh.at[pl.ds(s * _OSTR, _OSTR)])
    cnt = _load_worker_rows(w, src_hbm, dst_hbm, srcb, dstb)
    plsc.subcore_barrier()

    pltpu.async_copy(s1n_hbm.at[srcb.at[0]], valb.at[0], semg)

    def body(r, _):
        @pl.when(r + 1 < cnt)
        def _():
            pltpu.async_copy(s1n_hbm.at[srcb.at[r + 1]], valb.at[r + 1], semg)
        pltpu.make_async_copy(s1n_hbm.at[srcb.at[0]], valb.at[0], semg).wait()
        pltpu.async_copy(valb.at[r], sagg_sh.at[dstb.at[r]], sems, add=True)
        return 0
    lax.fori_loop(0, cnt, body, 0)

    def drain(r, _):
        pltpu.make_async_copy(valb.at[0], sagg_sh.at[dstb.at[0]], sems).wait()
        return 0
    lax.fori_loop(0, cnt, drain, 0)
    plsc.subcore_barrier()
    pltpu.sync_copy(sagg_sh.at[pl.ds(s * _OSTR, _OSTR)],
                    sagg_hbm.at[pl.ds(c * _NPAD + s * _OSTR, _OSTR)])


@functools.cache
def _score_call():
    return pl.kernel(
        _score_body,
        out_type=jax.ShapeDtypeStruct((_NC * _NPAD,), jnp.float32),
        mesh=_sc_mesh(),
        scratch_types=[
            pltpu.VMEM((80, 128), jnp.int32),
            pltpu.VMEM((80, 128), jnp.int32),
            pltpu.VMEM((80, 128), jnp.float32),
            pltpu.VMEM_SHARED((_NPAD,), jnp.float32),
            pltpu.SemaphoreType.DMA,
            pltpu.SemaphoreType.DMA,
        ])


def _h1n_body(x_ref, w_ref, d0_ref, d1_ref, out_ref):
    deg = d0_ref[...] + d1_ref[...]
    nsrc = jnp.where(deg > 0, lax.rsqrt(jnp.maximum(deg, 1.0)), 0.0)
    h1 = jnp.dot(x_ref[...], w_ref[...], preferred_element_type=jnp.float32)
    out_ref[...] = h1 * nsrc


def _hsn_body(agg0, agg1, x_ref, di0, di1, do0, do1, bg, gm, bt, ws,
              h_out, s1n_out):
    a = agg0[pl.ds(0, _N), :] + agg1[pl.ds(0, _N), :]
    degi = di0[...] + di1[...]
    ndst = jnp.where(degi > 0, lax.rsqrt(jnp.maximum(degi, 1.0)), 0.0)
    a = a * ndst + bg[...]
    mean = jnp.sum(a, axis=0, keepdims=True) * (1.0 / _N)
    d = a - mean
    var = jnp.sum(d * d, axis=0, keepdims=True) * (1.0 / _N)
    hn = d * lax.rsqrt(var + 1e-5) * gm[...] + bt[...]
    h = x_ref[...] + jnp.maximum(hn, 0.0)
    h_out[...] = h
    dego = do0[...] + do1[...]
    nsrc = jnp.where(dego > 0, lax.rsqrt(jnp.maximum(dego, 1.0)), 0.0)
    s1 = jnp.dot(h, ws[...], preferred_element_type=jnp.float32)
    s1n_out[...] = s1 * nsrc


def _sel_body(sg0, sg1, di0, di1, bs, wm_out, wt_out, m_out):
    degi = di0[...] + di1[...]
    ndst = jnp.where(degi > 0, lax.rsqrt(jnp.maximum(degi, 1.0)), 0.0)
    score = (sg0[...] + sg1[...]) * ndst + bs[0, 0]
    rid = lax.broadcasted_iota(jnp.int32, (80, 128), 0)
    cid = lax.broadcasted_iota(jnp.int32, (80, 128), 1)
    nid = rid * 128 + cid
    valid = nid < _N
    int_min = jnp.int32(_INT_MIN_PY)
    si = lax.bitcast_convert_type(score, jnp.int32)
    mkey = jnp.where(si >= 0, si, si ^ jnp.int32(0x7FFFFFFF))
    mkey = jnp.where(valid, mkey, int_min)

    def bit_body(i, p):
        b = 31 - i
        cand = p | (jnp.int32(1) << b)
        cand_s = cand ^ int_min
        cnt = jnp.sum(jnp.where(mkey >= cand_s, 1, 0))
        return jnp.where(cnt >= _K, cand, p)
    p = lax.fori_loop(0, 32, bit_body, jnp.int32(0))
    v_s = p ^ int_min
    c_gt = jnp.sum(jnp.where(mkey > v_s, 1, 0))
    need = _K - c_gt
    tie = mkey == v_s

    def idx_body(i, xacc):
        b = 13 - i
        t = xacc + (jnp.int32(1) << b) - 1
        cnt = jnp.sum(jnp.where(tie & (nid <= t), 1, 0))
        return jnp.where(cnt >= need, xacc, xacc + (jnp.int32(1) << b))
    xthr = lax.fori_loop(0, 14, idx_body, jnp.int32(0))
    sel = (mkey > v_s) | (tie & (nid <= xthr))
    th = jnp.tanh(score)
    wt = jnp.where(sel, th, 0.0)
    wt_out[...] = wt
    wm_out[...] = wt * (1.0 / _K)
    m_out[...] = jnp.where(sel, 1.0, 0.0)


def _readout_body(h_ref, wm, wt, m, w0, b0_, w1, b1_, w2, b2_, y_out):
    hv = h_ref[...]
    mean = lax.dot_general(wm[...], hv, (((0,), (0,)), ((), ())),
                           preferred_element_type=jnp.float32)
    neg = jnp.float32(-3.0e38)
    mx = jnp.max(jnp.where(m[...] > 0, hv * wt[...], neg),
                 axis=0, keepdims=True)
    hg = jnp.concatenate([mean, mx], axis=1)
    y = jnp.dot(hg, w0[...], preferred_element_type=jnp.float32) + b0_[...]
    y = jnp.maximum(y, 0.0)
    y = jnp.dot(y, w1[...], preferred_element_type=jnp.float32) + b1_[...]
    y = jnp.maximum(y, 0.0)
    y_out[...] = jnp.dot(y, w2[...], preferred_element_type=jnp.float32) + b2_[...]


def _sds(shape):
    return jax.ShapeDtypeStruct(shape, jnp.float32)


def kernel(x, edge_index, W_gcn, b_gcn, gamma, beta, W_score, b_score,
           W0, b0, W1, b1, W2, b2):
    src = edge_index[0]
    dst = edge_index[1]
    src2d = src.reshape(_AROWS, 128)
    dst2d = dst.reshape(_AROWS, 128)
    padn = _CROWS * 128 - _E
    pad_src = (jnp.arange(padn, dtype=jnp.int32) % _N)
    pad_dst = _NPAD + (jnp.arange(padn, dtype=jnp.int32) % 64)
    src_p = jnp.concatenate([src, pad_src]).reshape(_CROWS, 128)
    dst_p = jnp.concatenate([dst, pad_dst]).reshape(_CROWS, 128)
    z1 = jnp.zeros((_NPAD,), jnp.float32)
    z2 = jnp.zeros((_AGGR, _D), jnp.float32)

    dout_f, din_f = _deg_call()(src2d, dst2d, z1)
    dout_p = dout_f.reshape(_NC, _NPAD)
    din_p = din_f.reshape(_NC, _NPAD)
    col = lambda a: a.reshape(-1, 1)[:_N]
    do0, do1 = col(dout_p[0]), col(dout_p[1])
    di0, di1 = col(din_p[0]), col(din_p[1])

    h1n = pl.pallas_call(
        _h1n_body, out_shape=_sds((_N, _D)),
    )(x, W_gcn, do0, do1)

    agg0, agg1 = _conv_call()(src_p, dst_p, h1n, z2)

    h, s1n = pl.pallas_call(
        _hsn_body, out_shape=[_sds((_N, _D)), _sds((_N, 1))],
    )(agg0, agg1, x, di0, di1, do0, do1, b_gcn.reshape(1, -1),
      gamma.reshape(1, -1), beta.reshape(1, -1), W_score)

    sagg = _score_call()(src2d, dst2d, s1n.reshape(-1), z1).reshape(_NC, _NPAD)

    lane = lambda a: a.reshape(80, 128)
    wm, wt, m = pl.pallas_call(
        _sel_body, out_shape=[_sds((80, 128))] * 3,
    )(lane(sagg[0]), lane(sagg[1]), lane(din_p[0]), lane(din_p[1]),
      b_score.reshape(1, 1))

    y = pl.pallas_call(
        _readout_body, out_shape=_sds((1, 10)),
    )(h, col(wm), col(wt), col(m), W0, b0.reshape(1, -1), W1,
      b1.reshape(1, -1), W2, b2.reshape(1, -1))
    return y

# --- scband reference (transcript-rebuilt; emitter-appended) ---
"""Pipeline reference for scband-sagpool-readout-4045859193612 (READ-ONLY COPY).

The authoritative reference and input builder live on the scoring server;
editing this copy changes nothing except your own understanding.
"""

import jax, jax.numpy as jnp
import numpy as np
import math

N = 10000
E = 320000
IN_DIM = 128
OUT_DIM = 128
N_CLASSES = 10
RATIO = 0.5


def _glorot(k, shape):
    lim = math.sqrt(6.0 / (shape[0] + shape[1]))
    return jax.random.uniform(k, shape, jnp.float32, -lim, lim)


def setup_inputs(seed: int = 0) -> dict:
    key = jax.random.key(seed)
    ks = jax.random.split(key, 8)
    x = jax.random.normal(ks[0], (N, IN_DIM), dtype=jnp.float32)
    edge_index = jax.random.randint(ks[1], (2, E), 0, N, dtype=jnp.int32)
    W_gcn = _glorot(ks[2], (IN_DIM, OUT_DIM))
    b_gcn = jnp.zeros((OUT_DIM,), jnp.float32)
    gamma = jnp.ones((OUT_DIM,), jnp.float32)
    beta = jnp.zeros((OUT_DIM,), jnp.float32)
    W_score = _glorot(ks[3], (OUT_DIM, 1))
    b_score = jnp.zeros((1,), jnp.float32)
    W0 = _glorot(ks[4], (2 * OUT_DIM, OUT_DIM))
    b0 = jnp.zeros((OUT_DIM,), jnp.float32)
    W1 = _glorot(ks[5], (OUT_DIM, OUT_DIM // 2))
    b1 = jnp.zeros((OUT_DIM // 2,), jnp.float32)
    W2 = _glorot(ks[6], (OUT_DIM // 2, N_CLASSES))
    b2 = jnp.zeros((N_CLASSES,), jnp.float32)
    return dict(x=x, edge_index=edge_index, W_gcn=W_gcn, b_gcn=b_gcn,
                gamma=gamma, beta=beta, W_score=W_score, b_score=b_score,
                W0=W0, b0=b0, W1=W1, b1=b1, W2=W2, b2=b2)


def _graph_conv(x, src, dst, W, b, n):
    # DGL GraphConv with norm='both': D^{-1/2} A D^{-1/2} X W + b
    deg_out = jnp.zeros((n,), x.dtype).at[src].add(1.0)
    deg_in = jnp.zeros((n,), x.dtype).at[dst].add(1.0)
    norm_src = jnp.where(deg_out > 0, jax.lax.rsqrt(jnp.maximum(deg_out, 1.0)), 0.0)
    norm_dst = jnp.where(deg_in > 0, jax.lax.rsqrt(jnp.maximum(deg_in, 1.0)), 0.0)
    h = x @ W
    h = h * norm_src[:, None]
    msg = jnp.take(h, src, axis=0)
    agg = jnp.zeros((n, h.shape[1]), x.dtype).at[dst].add(msg)
    agg = agg * norm_dst[:, None]
    return agg + b


def reference(x, edge_index, W_gcn, b_gcn, gamma, beta, W_score, b_score,
              W0, b0, W1, b1, W2, b2):
    src = edge_index[0]
    dst = edge_index[1]
    n = x.shape[0]
    # GCNLayer: GraphConv -> batchnorm -> relu -> residual (dropout=0)
    h = _graph_conv(x, src, dst, W_gcn, b_gcn, n)
    mean = jnp.mean(h, axis=0)
    var = jnp.var(h, axis=0)
    h = (h - mean) * jax.lax.rsqrt(var + 1e-5) * gamma + beta
    h = jax.nn.relu(h)
    h = x + h  # residual (in_dim == out_dim)
    # SAGPool: score via GraphConv(out_dim -> 1), top-k selection (single batched graph)
    score = _graph_conv(h, src, dst, W_score, b_score, n)[:, 0]
    k = int(math.ceil(RATIO * n))
    topv, perm = jax.lax.top_k(score, k)
    feat = jnp.take(h, perm, axis=0) * jnp.tanh(topv)[:, None]
    # Readout: mean || max over remaining nodes
    hg = jnp.concatenate([jnp.mean(feat, axis=0), jnp.max(feat, axis=0)], axis=-1)[None, :]
    # MLPReadout (L=2): 256 -> 128 -> 64 -> n_classes
    y = jax.nn.relu(hg @ W0 + b0)
    y = jax.nn.relu(y @ W1 + b1)
    y = y @ W2 + b2
    return y


if False:  # reference __main__ guard neutralized (emitter)
    out = reference(**setup_inputs())
    print(out.shape)

if __name__ == "__main__":
    import jax
    _d = setup_inputs()
    print(jax.jit(kernel)(*tuple(_d.values())))

</pallas_src>

<mosaic_0001>
#map = affine_map<(d0, d1) -> (0, 0)>
module attributes {stable_mosaic.version = 14 : i64} {
  func.func @_conv_body(%arg0: i32, %arg1: i32, %arg2: memref<2560x128xi32, #tpu.memory_space<hbm>>, %arg3: memref<2560x128xi32, #tpu.memory_space<hbm>>, %arg4: memref<10000x128xf32, #tpu.memory_space<hbm>>, %arg5: memref<10304x128xf32, #tpu.memory_space<hbm>>, %arg6: memref<10240x128xf32, #tpu.memory_space<hbm>>, %arg7: memref<10240x128xf32, #tpu.memory_space<hbm>>, %arg8: memref<16x128xi32, #tpu.memory_space<vmem>>, %arg9: memref<16x128xi32, #tpu.memory_space<vmem>>, %arg10: memref<128x128xf32, #tpu.memory_space<vmem>>, %arg11: memref<128x128xf32, #tpu.memory_space<vmem>>, %arg12: memref<10304x128xf32, #tpu.memory_space<vmem_shared>>, %arg13: memref<!tpu.dma_semaphore, #tpu.memory_space<semaphore_mem>>, %arg14: memref<!tpu.dma_semaphore, #tpu.memory_space<semaphore_mem>>) attributes {dimension_semantics = [#tpu.dimension_semantics<core_parallel>, #tpu.dimension_semantics<subcore_parallel>], iteration_bounds = array<i64: 2, 16>, scalar_prefetch = 0 : i64, scratch_operands = 7 : i64, tpu.core_type = #tpu.core_type<sc_vector_subcore>, window_params = [{transform_indices = #map}, {transform_indices = #map}, {transform_indices = #map}, {transform_indices = #map}, {transform_indices = #map}, {transform_indices = #map}]} {
    %mul3A = arith.constant 16 : i32
    %mul3A_0 = arith.muli %arg0, %mul3A : i32
    %add3A = arith.addi %mul3A_0, %arg1 : i32
    %mul3A_1 = arith.constant 80 : i32
    %mul3A_2 = arith.muli %add3A, %mul3A_1 : i32
    %mul3A_3 = arith.constant 640 : i32
    %mul3A_4 = arith.muli %arg1, %mul3A_3 : i32
    %mul3A_5 = arith.constant 640 : i32
    %mul3A_6 = arith.muli %arg1, %mul3A_5 : i32
    "tpu.region"() ({
      %run_scoped3A = tpu.sem_alloc : memref<!tpu.dma_semaphore, #tpu.memory_space<semaphore_mem>>
      %dma_start3A = arith.constant 0 : i32
      %dma_start3A_26 = tpu.memref_slice %arg12[%mul3A_6, %dma_start3A] : memref<10304x128xf32, #tpu.memory_space<vmem_shared>> -> memref<640x128xf32, #tpu.memory_space<vmem_shared>>
      %dma_start3A_27 = arith.constant 0 : i32
      %dma_start3A_28 = tpu.memref_slice %arg5[%mul3A_4, %dma_start3A_27] : memref<10304x128xf32, #tpu.memory_space<hbm>> -> memref<640x128xf32, #tpu.memory_space<hbm>>
      tpu.enqueue_dma source(%dma_start3A_28 : memref<640x128xf32, #tpu.memory_space<hbm>>) target(%dma_start3A_26 : memref<640x128xf32, #tpu.memory_space<vmem_shared>>) target_semaphore(%run_scoped3A : memref<!tpu.dma_semaphore, #tpu.memory_space<semaphore_mem>>)
      %dma_wait3A = arith.constant 0 : i32
      %dma_wait3A_29 = tpu.memref_slice %arg12[%mul3A_6, %dma_wait3A] : memref<10304x128xf32, #tpu.memory_space<vmem_shared>> -> memref<640x128xf32, #tpu.memory_space<vmem_shared>>
      %dma_wait3A_30 = arith.constant 0 : i32
      %dma_wait3A_31 = tpu.memref_slice %arg5[%mul3A_4, %dma_wait3A_30] : memref<10304x128xf32, #tpu.memory_space<hbm>> -> memref<640x128xf32, #tpu.memory_space<hbm>>
      tpu.wait_dma2 semaphore(%run_scoped3A : memref<!tpu.dma_semaphore, #tpu.memory_space<semaphore_mem>>) src(%dma_wait3A_31 : memref<640x128xf32, #tpu.memory_space<hbm>>) dst(%dma_wait3A_29 : memref<640x128xf32, #tpu.memory_space<vmem_shared>>)
      tpu.yield
    }) : () -> ()
    %eq3A = arith.constant 0 : i32
    %eq3A_7 = arith.cmpi eq, %arg1, %eq3A : i32
    %convert_element_type3A = arith.extui %eq3A_7 : i1 to i32
    %cond3A = arith.constant 0 : i32
    %cond3A_8 = arith.cmpi ne, %convert_element_type3A, %cond3A : i32
    scf.if %cond3A_8 {
      "tpu.region"() ({
        %run_scoped3A = tpu.sem_alloc : memref<!tpu.dma_semaphore, #tpu.memory_space<semaphore_mem>>
        %dma_start3A = arith.constant 10240 : i32
        %dma_start3A_26 = arith.constant 0 : i32
        %dma_start3A_27 = tpu.memref_slice %arg12[%dma_start3A, %dma_start3A_26] : memref<10304x128xf32, #tpu.memory_space<vmem_shared>> -> memref<64x128xf32, #tpu.memory_space<vmem_shared>>
        %dma_start3A_28 = arith.constant 10240 : i32
        %dma_start3A_29 = arith.constant 0 : i32
        %dma_start3A_30 = tpu.memref_slice %arg5[%dma_start3A_28, %dma_start3A_29] : memref<10304x128xf32, #tpu.memory_space<hbm>> -> memref<64x128xf32, #tpu.memory_space<hbm>>
        tpu.enqueue_dma source(%dma_start3A_30 : memref<64x128xf32, #tpu.memory_space<hbm>>) target(%dma_start3A_27 : memref<64x128xf32, #tpu.memory_space<vmem_shared>>) target_semaphore(%run_scoped3A : memref<!tpu.dma_semaphore, #tpu.memory_space<semaphore_mem>>)
        %dma_wait3A = arith.constant 10240 : i32
        %dma_wait3A_31 = arith.constant 0 : i32
        %dma_wait3A_32 = tpu.memref_slice %arg12[%dma_wait3A, %dma_wait3A_31] : memref<10304x128xf32, #tpu.memory_space<vmem_shared>> -> memref<64x128xf32, #tpu.memory_space<vmem_shared>>
        %dma_wait3A_33 = arith.constant 10240 : i32
        %dma_wait3A_34 = arith.constant 0 : i32
        %dma_wait3A_35 = tpu.memref_slice %arg5[%dma_wait3A_33, %dma_wait3A_34] : memref<10304x128xf32, #tpu.memory_space<hbm>> -> memref<64x128xf32, #tpu.memory_space<hbm>>
        tpu.wait_dma2 semaphore(%run_scoped3A : memref<!tpu.dma_semaphore, #tpu.memory_space<semaphore_mem>>) src(%dma_wait3A_35 : memref<64x128xf32, #tpu.memory_space<hbm>>) dst(%dma_wait3A_32 : memref<64x128xf32, #tpu.memory_space<vmem_shared>>)
        tpu.yield
      }) : () -> ()
    } else {
    }
    %barrier3A = arith.constant 0 : index
    tpu.barrier barrier_id(%barrier3A)
    %scan3A = arith.constant 0 : i32
    %scan3A_9 = arith.constant 0 : i32
    %scan3A_10 = arith.constant 5 : i32
    %scan3A_11 = arith.addi %scan3A_9, %scan3A_10 : i32
    %scan3A_12 = arith.constant 1 : i32
    %scan3A_13 = scf.for %scan3A_26 = %scan3A_9 to %scan3A_11 step %scan3A_12 iter_args(%scan3A_27 = %scan3A) -> (i32)  : i32 {
      %mul3A_28 = arith.constant 16 : i32
      %mul3A_29 = arith.muli %mul3A_28, %scan3A_26 : i32
      %add3A_30 = arith.addi %mul3A_2, %mul3A_29 : i32
      "tpu.region"() ({
        %run_scoped3A = tpu.sem_alloc : memref<!tpu.dma_semaphore, #tpu.memory_space<semaphore_mem>>
        %dma_start3A_45 = arith.constant 0 : i32
        %dma_start3A_46 = tpu.memref_slice %arg2[%add3A_30, %dma_start3A_45] : memref<2560x128xi32, #tpu.memory_space<hbm>> -> memref<16x128xi32, #tpu.memory_space<hbm>>
        %dma_start3A_47 = arith.constant 0 : i32
        %dma_start3A_48 = tpu.memref_slice %arg2[%add3A_30, %dma_start3A_47] : memref<2560x128xi32, #tpu.memory_space<hbm>> -> memref<16x128xi32, #tpu.memory_space<hbm>>
        tpu.enqueue_dma source(%dma_start3A_48 : memref<16x128xi32, #tpu.memory_space<hbm>>) target(%arg8 : memref<16x128xi32, #tpu.memory_space<vmem>>) target_semaphore(%run_scoped3A : memref<!tpu.dma_semaphore, #tpu.memory_space<semaphore_mem>>)
        %dma_wait3A = arith.constant 0 : i32
        %dma_wait3A_49 = tpu.memref_slice %arg2[%add3A_30, %dma_wait3A] : memref<2560x128xi32, #tpu.memory_space<hbm>> -> memref<16x128xi32, #tpu.memory_space<hbm>>
        %dma_wait3A_50 = arith.constant 0 : i32
        %dma_wait3A_51 = tpu.memref_slice %arg2[%add3A_30, %dma_wait3A_50] : memref<2560x128xi32, #tpu.memory_space<hbm>> -> memref<16x128xi32, #tpu.memory_space<hbm>>
        tpu.wait_dma2 semaphore(%run_scoped3A : memref<!tpu.dma_semaphore, #tpu.memory_space<semaphore_mem>>) src(%dma_wait3A_51 : memref<16x128xi32, #tpu.memory_space<hbm>>) dst(%arg8 : memref<16x128xi32, #tpu.memory_space<vmem>>)
        tpu.yield
      }) : () -> ()
      "tpu.region"() ({
        %run_scoped3A = tpu.sem_alloc : memref<!tpu.dma_semaphore, #tpu.memory_space<semaphore_mem>>
        %dma_start3A_45 = arith.constant 0 : i32
        %dma_start3A_46 = tpu.memref_slice %arg3[%add3A_30, %dma_start3A_45] : memref<2560x128xi32, #tpu.memory_space<hbm>> -> memref<16x128xi32, #tpu.memory_space<hbm>>
        %dma_start3A_47 = arith.constant 0 : i32
        %dma_start3A_48 = tpu.memref_slice %arg3[%add3A_30, %dma_start3A_47] : memref<2560x128xi32, #tpu.memory_space<hbm>> -> memref<16x128xi32, #tpu.memory_space<hbm>>
        tpu.enqueue_dma source(%dma_start3A_48 : memref<16x128xi32, #tpu.memory_space<hbm>>) target(%arg9 : memref<16x128xi32, #tpu.memory_space<vmem>>) target_semaphore(%run_scoped3A : memref<!tpu.dma_semaphore, #tpu.memory_space<semaphore_mem>>)
        %dma_wait3A = arith.constant 0 : i32
        %dma_wait3A_49 = tpu.memref_slice %arg3[%add3A_30, %dma_wait3A] : memref<2560x128xi32, #tpu.memory_space<hbm>> -> memref<16x128xi32, #tpu.memory_space<hbm>>
        %dma_wait3A_50 = arith.constant 0 : i32
        %dma_wait3A_51 = tpu.memref_slice %arg3[%add3A_30, %dma_wait3A_50] : memref<2560x128xi32, #tpu.memory_space<hbm>> -> memref<16x128xi32, #tpu.memory_space<hbm>>
        tpu.wait_dma2 semaphore(%run_scoped3A : memref<!tpu.dma_semaphore, #tpu.memory_space<semaphore_mem>>) src(%dma_wait3A_51 : memref<16x128xi32, #tpu.memory_space<hbm>>) dst(%arg9 : memref<16x128xi32, #tpu.memory_space<vmem>>)
        tpu.yield
      }) : () -> ()
      %dma_start3A = arith.constant 0 : i32
      %dma_start3A_31 = arith.constant 0 : i32
      %dma_start3A_32 = tpu.memref_slice %arg8[%dma_start3A, %dma_start3A_31] : memref<16x128xi32, #tpu.memory_space<vmem>> -> memref<1x128xi32, #tpu.memory_space<vmem>>
      %dma_start3A_33 = tpu.memref_squeeze %dma_start3A_32 : memref<1x128xi32, #tpu.memory_space<vmem>> -> memref<128xi32, #tpu.memory_space<vmem>>
      %dma_start3A_34 = arith.constant 0 : i32
      %dma_start3A_35 = arith.constant 0 : i32
      %dma_start3A_36 = tpu.memref_slice %arg4[%dma_start3A_34, %dma_start3A_35] : memref<10000x128xf32, #tpu.memory_space<hbm>> -> memref<10000x128xf32, #tpu.memory_space<hbm>>
      tpu.enqueue_indirect_dma source(%dma_start3A_36 : memref<10000x128xf32, #tpu.memory_space<hbm>>) target(%arg10 : memref<128x128xf32, #tpu.memory_space<vmem>>) offsets(%dma_start3A_33 : memref<128xi32, #tpu.memory_space<vmem>>) semaphore(%arg13 : memref<!tpu.dma_semaphore, #tpu.memory_space<semaphore_mem>>)
      %scan3A_37 = arith.constant 0 : i32
      %scan3A_38 = arith.constant 0 : i32
      %scan3A_39 = arith.constant 8 : i32
      %scan3A_40 = arith.addi %scan3A_38, %scan3A_39 : i32
      %scan3A_41 = arith.constant 1 : i32
      %scan3A_42 = scf.for %scan3A_45 = %scan3A_38 to %scan3A_40 step %scan3A_41 iter_args(%scan3A_46 = %scan3A_37) -> (i32)  : i32 {
        %mul3A_47 = arith.constant 2 : i32
        %mul3A_48 = arith.muli %mul3A_47, %scan3A_45 : i32
        %add3A_49 = arith.constant 1 : i32
        %add3A_50 = arith.addi %mul3A_48, %add3A_49 : i32
        %dma_start3A_51 = arith.constant 0 : i32
        %dma_start3A_52 = tpu.memref_slice %arg8[%add3A_50, %dma_start3A_51] : memref<16x128xi32, #tpu.memory_space<vmem>> -> memref<1x128xi32, #tpu.memory_space<vmem>>
        %dma_start3A_53 = tpu.memref_squeeze %dma_start3A_52 : memref<1x128xi32, #tpu.memory_space<vmem>> -> memref<128xi32, #tpu.memory_space<vmem>>
        %dma_start3A_54 = arith.constant 0 : i32
        %dma_start3A_55 = arith.constant 0 : i32
        %dma_start3A_56 = tpu.memref_slice %arg4[%dma_start3A_54, %dma_start3A_55] : memref<10000x128xf32, #tpu.memory_space<hbm>> -> memref<10000x128xf32, #tpu.memory_space<hbm>>
        tpu.enqueue_indirect_dma source(%dma_start3A_56 : memref<10000x128xf32, #tpu.memory_space<hbm>>) target(%arg11 : memref<128x128xf32, #tpu.memory_space<vmem>>) offsets(%dma_start3A_53 : memref<128xi32, #tpu.memory_space<vmem>>) semaphore(%arg14 : memref<!tpu.dma_semaphore, #tpu.memory_space<semaphore_mem>>)
        %dma_wait3A = arith.constant 0 : i32
        %dma_wait3A_57 = arith.constant 0 : i32
        %dma_wait3A_58 = tpu.memref_slice %arg8[%dma_wait3A, %dma_wait3A_57] : memref<16x128xi32, #tpu.memory_space<vmem>> -> memref<1x128xi32, #tpu.memory_space<vmem>>
        %dma_wait3A_59 = tpu.memref_squeeze %dma_wait3A_58 : memref<1x128xi32, #tpu.memory_space<vmem>> -> memref<128xi32, #tpu.memory_space<vmem>>
        %dma_wait3A_60 = arith.constant 0 : i32
        %dma_wait3A_61 = arith.constant 0 : i32
        %dma_wait3A_62 = tpu.memref_slice %arg4[%dma_wait3A_60, %dma_wait3A_61] : memref<10000x128xf32, #tpu.memory_space<hbm>> -> memref<10000x128xf32, #tpu.memory_space<hbm>>
        tpu.wait_indirect_dma semaphore(%arg13 : memref<!tpu.dma_semaphore, #tpu.memory_space<semaphore_mem>>) src(%dma_wait3A_62 : memref<10000x128xf32, #tpu.memory_space<hbm>>) dst(%arg10 : memref<128x128xf32, #tpu.memory_space<vmem>>)
        "tpu.region"() ({
          %run_scoped3A = tpu.sem_alloc : memref<!tpu.dma_semaphore, #tpu.memory_space<semaphore_mem>>
          %dma_start3A_79 = arith.constant 0 : i32
          %dma_start3A_80 = tpu.memref_slice %arg9[%mul3A_48, %dma_start3A_79] : memref<16x128xi32, #tpu.memory_space<vmem>> -> memref<1x128xi32, #tpu.memory_space<vmem>>
          %dma_start3A_81 = tpu.memref_squeeze %dma_start3A_80 : memref<1x128xi32, #tpu.memory_space<vmem>> -> memref<128xi32, #tpu.memory_space<vmem>>
          %dma_start3A_82 = arith.constant 0 : i32
          %dma_start3A_83 = arith.constant 0 : i32
          %dma_start3A_84 = tpu.memref_slice %arg12[%dma_start3A_82, %dma_start3A_83] : memref<10304x128xf32, #tpu.memory_space<vmem_shared>> -> memref<10304x128xf32, #tpu.memory_space<vmem_shared>>
          tpu.enqueue_indirect_dma source(%arg10 : memref<128x128xf32, #tpu.memory_space<vmem>>) target(%dma_start3A_84 : memref<10304x128xf32, #tpu.memory_space<vmem_shared>>) offsets(%dma_start3A_81 : memref<128xi32, #tpu.memory_space<vmem>>) semaphore(%run_scoped3A : memref<!tpu.dma_semaphore, #tpu.memory_space<semaphore_mem>>) {add = true}
          %dma_wait3A_85 = arith.constant 0 : i32
          %dma_wait3A_86 = tpu.memref_slice %arg9[%mul3A_48, %dma_wait3A_85] : memref<16x128xi32, #tpu.memory_space<vmem>> -> memref<1x128xi32, #tpu.memory_space<vmem>>
          %dma_wait3A_87 = tpu.memref_squeeze %dma_wait3A_86 : memref<1x128xi32, #tpu.memory_space<vmem>> -> memref<128xi32, #tpu.memory_space<vmem>>
          %dma_wait3A_88 = arith.constant 0 : i32
          %dma_wait3A_89 = arith.constant 0 : i32
          %dma_wait3A_90 = tpu.memref_slice %arg12[%dma_wait3A_88, %dma_wait3A_89] : memref<10304x128xf32, #tpu.memory_space<vmem_shared>> -> memref<10304x128xf32, #tpu.memory_space<vmem_shared>>
          tpu.wait_indirect_dma semaphore(%run_scoped3A : memref<!tpu.dma_semaphore, #tpu.memory_space<semaphore_mem>>) src(%arg10 : memref<128x128xf32, #tpu.memory_space<vmem>>) dst(%dma_wait3A_90 : memref<10304x128xf32, #tpu.memory_space<vmem_shared>>)
          tpu.yield
        }) : () -> ()
        %add3A_63 = arith.constant 2 : i32
        %add3A_64 = arith.addi %mul3A_48, %add3A_63 : i32
        %lt3A = arith.constant 16 : i32
        %lt3A_65 = arith.cmpi slt, %add3A_64, %lt3A : i32
        %convert_element_type3A_66 = arith.extui %lt3A_65 : i1 to i32
        %cond3A_67 = arith.constant 0 : i32
        %cond3A_68 = arith.cmpi ne, %convert_element_type3A_66, %cond3A_67 : i32
        scf.if %cond3A_68 {
          %add3A_79 = arith.constant 2 : i32
          %add3A_80 = arith.addi %mul3A_48, %add3A_79 : i32
          %dma_start3A_81 = arith.constant 0 : i32
          %dma_start3A_82 = tpu.memref_slice %arg8[%add3A_80, %dma_start3A_81] : memref<16x128xi32, #tpu.memory_space<vmem>> -> memref<1x128xi32, #tpu.memory_space<vmem>>
          %dma_start3A_83 = tpu.memref_squeeze %dma_start3A_82 : memref<1x128xi32, #tpu.memory_space<vmem>> -> memref<128xi32, #tpu.memory_space<vmem>>
          %dma_start3A_84 = arith.constant 0 : i32
          %dma_start3A_85 = arith.constant 0 : i32
          %dma_start3A_86 = tpu.memref_slice %arg4[%dma_start3A_84, %dma_start3A_85] : memref<10000x128xf32, #tpu.memory_space<hbm>> -> memref<10000x128xf32, #tpu.memory_space<hbm>>
          tpu.enqueue_indirect_dma source(%dma_start3A_86 : memref<10000x128xf32, #tpu.memory_space<hbm>>) target(%arg10 : memref<128x128xf32, #tpu.memory_space<vmem>>) offsets(%dma_start3A_83 : memref<128xi32, #tpu.memory_space<vmem>>) semaphore(%arg13 : memref<!tpu.dma_semaphore, #tpu.memory_space<semaphore_mem>>)
        } else {
        }
        %dma_wait3A_69 = arith.constant 0 : i32
        %dma_wait3A_70 = arith.constant 0 : i32
        %dma_wait3A_71 = tpu.memref_slice %arg8[%dma_wait3A_69, %dma_wait3A_70] : memref<16x128xi32, #tpu.memory_space<vmem>> -> memref<1x128xi32, #tpu.memory_space<vmem>>
        %dma_wait3A_72 = tpu.memref_squeeze %dma_wait3A_71 : memref<1x128xi32, #tpu.memory_space<vmem>> -> memref<128xi32, #tpu.memory_space<vmem>>
        %dma_wait3A_73 = arith.constant 0 : i32
        %dma_wait3A_74 = arith.constant 0 : i32
        %dma_wait3A_75 = tpu.memref_slice %arg4[%dma_wait3A_73, %dma_wait3A_74] : memref<10000x128xf32, #tpu.memory_space<hbm>> -> memref<10000x128xf32, #tpu.memory_space<hbm>>
        tpu.wait_indirect_dma semaphore(%arg14 : memref<!tpu.dma_semaphore, #tpu.memory_space<semaphore_mem>>) src(%dma_wait3A_75 : memref<10000x128xf32, #tpu.memory_space<hbm>>) dst(%arg11 : memref<128x128xf32, #tpu.memory_space<vmem>>)
        %add3A_76 = arith.constant 1 : i32
        %add3A_77 = arith.addi %mul3A_48, %add3A_76 : i32
        "tpu.region"() ({
          %run_scoped3A = tpu.sem_alloc : memref<!tpu.dma_semaphore, #tpu.memory_space<semaphore_mem>>
          %dma_start3A_79 = arith.constant 0 : i32
          %dma_start3A_80 = tpu.memref_slice %arg9[%add3A_77, %dma_start3A_79] : memref<16x128xi32, #tpu.memory_space<vmem>> -> memref<1x128xi32, #tpu.memory_space<vmem>>
          %dma_start3A_81 = tpu.memref_squeeze %dma_start3A_80 : memref<1x128xi32, #tpu.memory_space<vmem>> -> memref<128xi32, #tpu.memory_space<vmem>>
          %dma_start3A_82 = arith.constant 0 : i32
          %dma_start3A_83 = arith.constant 0 : i32
          %dma_start3A_84 = tpu.memref_slice %arg12[%dma_start3A_82, %dma_start3A_83] : memref<10304x128xf32, #tpu.memory_space<vmem_shared>> -> memref<10304x128xf32, #tpu.memory_space<vmem_shared>>
          tpu.enqueue_indirect_dma source(%arg11 : memref<128x128xf32, #tpu.memory_space<vmem>>) target(%dma_start3A_84 : memref<10304x128xf32, #tpu.memory_space<vmem_shared>>) offsets(%dma_start3A_81 : memref<128xi32, #tpu.memory_space<vmem>>) semaphore(%run_scoped3A : memref<!tpu.dma_semaphore, #tpu.memory_space<semaphore_mem>>) {add = true}
          %dma_wait3A_85 = arith.constant 0 : i32
          %dma_wait3A_86 = tpu.memref_slice %arg9[%add3A_77, %dma_wait3A_85] : memref<16x128xi32, #tpu.memory_space<vmem>> -> memref<1x128xi32, #tpu.memory_space<vmem>>
          %dma_wait3A_87 = tpu.memref_squeeze %dma_wait3A_86 : memref<1x128xi32, #tpu.memory_space<vmem>> -> memref<128xi32, #tpu.memory_space<vmem>>
          %dma_wait3A_88 = arith.constant 0 : i32
          %dma_wait3A_89 = arith.constant 0 : i32
          %dma_wait3A_90 = tpu.memref_slice %arg12[%dma_wait3A_88, %dma_wait3A_89] : memref<10304x128xf32, #tpu.memory_space<vmem_shared>> -> memref<10304x128xf32, #tpu.memory_space<vmem_shared>>
          tpu.wait_indirect_dma semaphore(%run_scoped3A : memref<!tpu.dma_semaphore, #tpu.memory_space<semaphore_mem>>) src(%arg11 : memref<128x128xf32, #tpu.memory_space<vmem>>) dst(%dma_wait3A_90 : memref<10304x128xf32, #tpu.memory_space<vmem_shared>>)
          tpu.yield
        }) : () -> ()
        %scan3A_78 = arith.constant 0 : i32
        scf.yield %scan3A_78 : i32
      }
      %scan3A_43 = arith.constant 8 : i32
      %scan3A_44 = arith.constant 0 : i32
      scf.yield %scan3A_44 : i32
    }
    %scan3A_14 = arith.constant 5 : i32
    %barrier3A_15 = arith.constant 0 : index
    tpu.barrier barrier_id(%barrier3A_15)
    %eq3A_16 = arith.constant 0 : i32
    %eq3A_17 = arith.cmpi eq, %arg0, %eq3A_16 : i32
    %convert_element_type3A_18 = arith.extui %eq3A_17 : i1 to i32
    %cond3A_19 = arith.constant 0 : i32
    %cond3A_20 = arith.cmpi ne, %convert_element_type3A_18, %cond3A_19 : i32
    scf.if %cond3A_20 {
      %mul3A_26 = arith.constant 640 : i32
      %mul3A_27 = arith.muli %arg1, %mul3A_26 : i32
      %mul3A_28 = arith.constant 640 : i32
      %mul3A_29 = arith.muli %arg1, %mul3A_28 : i32
      "tpu.region"() ({
        %run_scoped3A = tpu.sem_alloc : memref<!tpu.dma_semaphore, #tpu.memory_space<semaphore_mem>>
        %dma_start3A = arith.constant 0 : i32
        %dma_start3A_30 = tpu.memref_slice %arg6[%mul3A_29, %dma_start3A] : memref<10240x128xf32, #tpu.memory_space<hbm>> -> memref<640x128xf32, #tpu.memory_space<hbm>>
        %dma_start3A_31 = arith.constant 0 : i32
        %dma_start3A_32 = tpu.memref_slice %arg12[%mul3A_27, %dma_start3A_31] : memref<10304x128xf32, #tpu.memory_space<vmem_shared>> -> memref<640x128xf32, #tpu.memory_space<vmem_shared>>
        tpu.enqueue_dma source(%dma_start3A_32 : memref<640x128xf32, #tpu.memory_space<vmem_shared>>) target(%dma_start3A_30 : memref<640x128xf32, #tpu.memory_space<hbm>>) target_semaphore(%run_scoped3A : memref<!tpu.dma_semaphore, #tpu.memory_space<semaphore_mem>>)
        %dma_wait3A = arith.constant 0 : i32
        %dma_wait3A_33 = tpu.memref_slice %arg6[%mul3A_29, %dma_wait3A] : memref<10240x128xf32, #tpu.memory_space<hbm>> -> memref<640x128xf32, #tpu.memory_space<hbm>>
        %dma_wait3A_34 = arith.constant 0 : i32
        %dma_wait3A_35 = tpu.memref_slice %arg12[%mul3A_27, %dma_wait3A_34] : memref<10304x128xf32, #tpu.memory_space<vmem_shared>> -> memref<640x128xf32, #tpu.memory_space<vmem_shared>>
        tpu.wait_dma2 semaphore(%run_scoped3A : memref<!tpu.dma_semaphore, #tpu.memory_space<semaphore_mem>>) src(%dma_wait3A_35 : memref<640x128xf32, #tpu.memory_space<vmem_shared>>) dst(%dma_wait3A_33 : memref<640x128xf32, #tpu.memory_space<hbm>>)
        tpu.yield
      }) : () -> ()
    } else {
    }
    %eq3A_21 = arith.constant 1 : i32
    %eq3A_22 = arith.cmpi eq, %arg0, %eq3A_21 : i32
    %convert_element_type3A_23 = arith.extui %eq3A_22 : i1 to i32
    %cond3A_24 = arith.constant 0 : i32
    %cond3A_25 = arith.cmpi ne, %convert_element_type3A_23, %cond3A_24 : i32
    scf.if %cond3A_25 {
      %mul3A_26 = arith.constant 640 : i32
      %mul3A_27 = arith.muli %arg1, %mul3A_26 : i32
      %mul3A_28 = arith.constant 640 : i32
      %mul3A_29 = arith.muli %arg1, %mul3A_28 : i32
      "tpu.region"() ({
        %run_scoped3A = tpu.sem_alloc : memref<!tpu.dma_semaphore, #tpu.memory_space<semaphore_mem>>
        %dma_start3A = arith.constant 0 : i32
        %dma_start3A_30 = tpu.memref_slice %arg7[%mul3A_29, %dma_start3A] : memref<10240x128xf32, #tpu.memory_space<hbm>> -> memref<640x128xf32, #tpu.memory_space<hbm>>
        %dma_start3A_31 = arith.constant 0 : i32
        %dma_start3A_32 = tpu.memref_slice %arg12[%mul3A_27, %dma_start3A_31] : memref<10304x128xf32, #tpu.memory_space<vmem_shared>> -> memref<640x128xf32, #tpu.memory_space<vmem_shared>>
        tpu.enqueue_dma source(%dma_start3A_32 : memref<640x128xf32, #tpu.memory_space<vmem_shared>>) target(%dma_start3A_30 : memref<640x128xf32, #tpu.memory_space<hbm>>) target_semaphore(%run_scoped3A : memref<!tpu.dma_semaphore, #tpu.memory_space<semaphore_mem>>)
        %dma_wait3A = arith.constant 0 : i32
        %dma_wait3A_33 = tpu.memref_slice %arg7[%mul3A_29, %dma_wait3A] : memref<10240x128xf32, #tpu.memory_space<hbm>> -> memref<640x128xf32, #tpu.memory_space<hbm>>
        %dma_wait3A_34 = arith.constant 0 : i32
        %dma_wait3A_35 = tpu.memref_slice %arg12[%mul3A_27, %dma_wait3A_34] : memref<10304x128xf32, #tpu.memory_space<vmem_shared>> -> memref<640x128xf32, #tpu.memory_space<vmem_shared>>
        tpu.wait_dma2 semaphore(%run_scoped3A : memref<!tpu.dma_semaphore, #tpu.memory_space<semaphore_mem>>) src(%dma_wait3A_35 : memref<640x128xf32, #tpu.memory_space<vmem_shared>>) dst(%dma_wait3A_33 : memref<640x128xf32, #tpu.memory_space<hbm>>)
        tpu.yield
      }) : () -> ()
    } else {
    }
    return
  }
}

#map = affine_map<(d0, d1) -> (0, 0)>
#map1 = affine_map<(d0, d1) -> (0)>
module attributes {stable_mosaic.version = 14 : i64} {
  func.func @_deg_body(%arg0: i32, %arg1: i32, %arg2: memref<2500x128xi32, #tpu.memory_space<hbm>>, %arg3: memref<2500x128xi32, #tpu.memory_space<hbm>>, %arg4: memref<10240xf32, #tpu.memory_space<hbm>>, %arg5: memref<20480xf32, #tpu.memory_space<hbm>>, %arg6: memref<20480xf32, #tpu.memory_space<hbm>>, %arg7: memref<80x128xi32, #tpu.memory_space<vmem>>, %arg8: memref<80x128xi32, #tpu.memory_space<vmem>>, %arg9: memref<128xf32, #tpu.memory_space<vmem>>, %arg10: memref<10240xf32, #tpu.memory_space<vmem_shared>>, %arg11: memref<10240xf32, #tpu.memory_space<vmem_shared>>, %arg12: memref<!tpu.dma_semaphore, #tpu.memory_space<semaphore_mem>>) attributes {dimension_semantics = [#tpu.dimension_semantics<core_parallel>, #tpu.dimension_semantics<subcore_parallel>], iteration_bounds = array<i64: 2, 16>, scalar_prefetch = 0 : i64, scratch_operands = 6 : i64, tpu.core_type = #tpu.core_type<sc_vector_subcore>, window_params = [{transform_indices = #map}, {transform_indices = #map}, {transform_indices = #map1}, {transform_indices = #map1}, {transform_indices = #map1}]} {
    %mul3A = arith.constant 16 : i32
    %mul3A_0 = arith.muli %arg0, %mul3A : i32
    %add3A = arith.addi %mul3A_0, %arg1 : i32
    %mul3A_1 = arith.constant 640 : i32
    %mul3A_2 = arith.muli %arg1, %mul3A_1 : i32
    %mul3A_3 = arith.constant 640 : i32
    %mul3A_4 = arith.muli %arg1, %mul3A_3 : i32
    "tpu.region"() ({
      %run_scoped3A = tpu.sem_alloc : memref<!tpu.dma_semaphore, #tpu.memory_space<semaphore_mem>>
      %dma_start3A = tpu.memref_slice %arg10[%mul3A_4] : memref<10240xf32, #tpu.memory_space<vmem_shared>> -> memref<640xf32, #tpu.memory_space<vmem_shared>>
      %dma_start3A_112 = tpu.memref_slice %arg4[%mul3A_2] : memref<10240xf32, #tpu.memory_space<hbm>> -> memref<640xf32, #tpu.memory_space<hbm>>
      tpu.enqueue_dma source(%dma_start3A_112 : memref<640xf32, #tpu.memory_space<hbm>>) target(%dma_start3A : memref<640xf32, #tpu.memory_space<vmem_shared>>) target_semaphore(%run_scoped3A : memref<!tpu.dma_semaphore, #tpu.memory_space<semaphore_mem>>)
      %dma_wait3A = tpu.memref_slice %arg10[%mul3A_4] : memref<10240xf32, #tpu.memory_space<vmem_shared>> -> memref<640xf32, #tpu.memory_space<vmem_shared>>
      %dma_wait3A_113 = tpu.memref_slice %arg4[%mul3A_2] : memref<10240xf32, #tpu.memory_space<hbm>> -> memref<640xf32, #tpu.memory_space<hbm>>
      tpu.wait_dma2 semaphore(%run_scoped3A : memref<!tpu.dma_semaphore, #tpu.memory_space<semaphore_mem>>) src(%dma_wait3A_113 : memref<640xf32, #tpu.memory_space<hbm>>) dst(%dma_wait3A : memref<640xf32, #tpu.memory_space<vmem_shared>>)
      tpu.yield
    }) : () -> ()
    %mul3A_5 = arith.constant 640 : i32
    %mul3A_6 = arith.muli %arg1, %mul3A_5 : i32
    %mul3A_7 = arith.constant 640 : i32
    %mul3A_8 = arith.muli %arg1, %mul3A_7 : i32
    "tpu.region"() ({
      %run_scoped3A = tpu.sem_alloc : memref<!tpu.dma_semaphore, #tpu.memory_space<semaphore_mem>>
      %dma_start3A = tpu.memref_slice %arg11[%mul3A_8] : memref<10240xf32, #tpu.memory_space<vmem_shared>> -> memref<640xf32, #tpu.memory_space<vmem_shared>>
      %dma_start3A_112 = tpu.memref_slice %arg4[%mul3A_6] : memref<10240xf32, #tpu.memory_space<hbm>> -> memref<640xf32, #tpu.memory_space<hbm>>
      tpu.enqueue_dma source(%dma_start3A_112 : memref<640xf32, #tpu.memory_space<hbm>>) target(%dma_start3A : memref<640xf32, #tpu.memory_space<vmem_shared>>) target_semaphore(%run_scoped3A : memref<!tpu.dma_semaphore, #tpu.memory_space<semaphore_mem>>)
      %dma_wait3A = tpu.memref_slice %arg11[%mul3A_8] : memref<10240xf32, #tpu.memory_space<vmem_shared>> -> memref<640xf32, #tpu.memory_space<vmem_shared>>
      %dma_wait3A_113 = tpu.memref_slice %arg4[%mul3A_6] : memref<10240xf32, #tpu.memory_space<hbm>> -> memref<640xf32, #tpu.memory_space<hbm>>
      tpu.wait_dma2 semaphore(%run_scoped3A : memref<!tpu.dma_semaphore, #tpu.memory_space<semaphore_mem>>) src(%dma_wait3A_113 : memref<640xf32, #tpu.memory_space<hbm>>) dst(%dma_wait3A : memref<640xf32, #tpu.memory_space<vmem_shared>>)
      tpu.yield
    }) : () -> ()
    %broadcast_in_dim3A = arith.constant 1.000000e+00 : f32
    %broadcast_in_dim3A_9 = vector.broadcast %broadcast_in_dim3A : f32 to vector<16xf32>
    %swap3A = arith.constant 0 : index
    %swap3A_10 = tpu.vector_load %arg9[%swap3A] {strides = array<i32>} : memref<128xf32, #tpu.memory_space<vmem>>, vector<16xf32>,
    %swap3A_11 = vector.shape_cast %swap3A_10 : vector<16xf32> to vector<16xf32>
    %swap3A_12 = vector.shape_cast %broadcast_in_dim3A_9 : vector<16xf32> to vector<16xf32>
    tpu.vector_store %arg9[%swap3A], %swap3A_12 {strides = array<i32>} : memref<128xf32, #tpu.memory_space<vmem>>, vector<16xf32>,
    %broadcast_in_dim3A_13 = arith.constant 1.000000e+00 : f32
    %broadcast_in_dim3A_14 = vector.broadcast %broadcast_in_dim3A_13 : f32 to vector<16xf32>
    %swap3A_15 = arith.constant 16 : index
    %swap3A_16 = tpu.vector_load %arg9[%swap3A_15] {strides = array<i32>} : memref<128xf32, #tpu.memory_space<vmem>>, vector<16xf32>,
    %swap3A_17 = vector.shape_cast %swap3A_16 : vector<16xf32> to vector<16xf32>
    %swap3A_18 = vector.shape_cast %broadcast_in_dim3A_14 : vector<16xf32> to vector<16xf32>
    tpu.vector_store %arg9[%swap3A_15], %swap3A_18 {strides = array<i32>} : memref<128xf32, #tpu.memory_space<vmem>>, vector<16xf32>,
    %broadcast_in_dim3A_19 = arith.constant 1.000000e+00 : f32
    %broadcast_in_dim3A_20 = vector.broadcast %broadcast_in_dim3A_19 : f32 to vector<16xf32>
    %swap3A_21 = arith.constant 32 : index
    %swap3A_22 = tpu.vector_load %arg9[%swap3A_21] {strides = array<i32>} : memref<128xf32, #tpu.memory_space<vmem>>, vector<16xf32>,
    %swap3A_23 = vector.shape_cast %swap3A_22 : vector<16xf32> to vector<16xf32>
    %swap3A_24 = vector.shape_cast %broadcast_in_dim3A_20 : vector<16xf32> to vector<16xf32>
    tpu.vector_store %arg9[%swap3A_21], %swap3A_24 {strides = array<i32>} : memref<128xf32, #tpu.memory_space<vmem>>, vector<16xf32>,
    %broadcast_in_dim3A_25 = arith.constant 1.000000e+00 : f32
    %broadcast_in_dim3A_26 = vector.broadcast %broadcast_in_dim3A_25 : f32 to vector<16xf32>
    %swap3A_27 = arith.constant 48 : index
    %swap3A_28 = tpu.vector_load %arg9[%swap3A_27] {strides = array<i32>} : memref<128xf32, #tpu.memory_space<vmem>>, vector<16xf32>,
    %swap3A_29 = vector.shape_cast %swap3A_28 : vector<16xf32> to vector<16xf32>
    %swap3A_30 = vector.shape_cast %broadcast_in_dim3A_26 : vector<16xf32> to vector<16xf32>
    tpu.vector_store %arg9[%swap3A_27], %swap3A_30 {strides = array<i32>} : memref<128xf32, #tpu.memory_space<vmem>>, vector<16xf32>,
    %broadcast_in_dim3A_31 = arith.constant 1.000000e+00 : f32
    %broadcast_in_dim3A_32 = vector.broadcast %broadcast_in_dim3A_31 : f32 to vector<16xf32>
    %swap3A_33 = arith.constant 64 : index
    %swap3A_34 = tpu.vector_load %arg9[%swap3A_33] {strides = array<i32>} : memref<128xf32, #tpu.memory_space<vmem>>, vector<16xf32>,
    %swap3A_35 = vector.shape_cast %swap3A_34 : vector<16xf32> to vector<16xf32>
    %swap3A_36 = vector.shape_cast %broadcast_in_dim3A_32 : vector<16xf32> to vector<16xf32>
    tpu.vector_store %arg9[%swap3A_33], %swap3A_36 {strides = array<i32>} : memref<128xf32, #tpu.memory_space<vmem>>, vector<16xf32>,
    %broadcast_in_dim3A_37 = arith.constant 1.000000e+00 : f32
    %broadcast_in_dim3A_38 = vector.broadcast %broadcast_in_dim3A_37 : f32 to vector<16xf32>
    %swap3A_39 = arith.constant 80 : index
    %swap3A_40 = tpu.vector_load %arg9[%swap3A_39] {strides = array<i32>} : memref<128xf32, #tpu.memory_space<vmem>>, vector<16xf32>,
    %swap3A_41 = vector.shape_cast %swap3A_40 : vector<16xf32> to vector<16xf32>
    %swap3A_42 = vector.shape_cast %broadcast_in_dim3A_38 : vector<16xf32> to vector<16xf32>
    tpu.vector_store %arg9[%swap3A_39], %swap3A_42 {strides = array<i32>} : memref<128xf32, #tpu.memory_space<vmem>>, vector<16xf32>,
    %broadcast_in_dim3A_43 = arith.constant 1.000000e+00 : f32
    %broadcast_in_dim3A_44 = vector.broadcast %broadcast_in_dim3A_43 : f32 to vector<16xf32>
    %swap3A_45 = arith.constant 96 : index
    %swap3A_46 = tpu.vector_load %arg9[%swap3A_45] {strides = array<i32>} : memref<128xf32, #tpu.memory_space<vmem>>, vector<16xf32>,
    %swap3A_47 = vector.shape_cast %swap3A_46 : vector<16xf32> to vector<16xf32>
    %swap3A_48 = vector.shape_cast %broadcast_in_dim3A_44 : vector<16xf32> to vector<16xf32>
    tpu.vector_store %arg9[%swap3A_45], %swap3A_48 {strides = array<i32>} : memref<128xf32, #tpu.memory_space<vmem>>, vector<16xf32>,
    %broadcast_in_dim3A_49 = arith.constant 1.000000e+00 : f32
    %broadcast_in_dim3A_50 = vector.broadcast %broadcast_in_dim3A_49 : f32 to vector<16xf32>
    %swap3A_51 = arith.constant 112 : index
    %swap3A_52 = tpu.vector_load %arg9[%swap3A_51] {strides = array<i32>} : memref<128xf32, #tpu.memory_space<vmem>>, vector<16xf32>,
    %swap3A_53 = vector.shape_cast %swap3A_52 : vector<16xf32> to vector<16xf32>
    %swap3A_54 = vector.shape_cast %broadcast_in_dim3A_50 : vector<16xf32> to vector<16xf32>
    tpu.vector_store %arg9[%swap3A_51], %swap3A_54 {strides = array<i32>} : memref<128xf32, #tpu.memory_space<vmem>>, vector<16xf32>,
    %lt3A = arith.constant 24 : i32
    %lt3A_55 = arith.cmpi slt, %add3A, %lt3A : i32
    %convert_element_type3A = arith.extui %lt3A_55 : i1 to i32
    %cond3A = arith.constant 0 : i32
    %cond3A_56 = arith.cmpi ne, %convert_element_type3A, %cond3A : i32
    scf.if %cond3A_56 {
      %mul3A_112 = arith.constant 80 : i32
      %mul3A_113 = arith.muli %mul3A_112, %add3A : i32
      "tpu.region"() ({
        %run_scoped3A = tpu.sem_alloc : memref<!tpu.dma_semaphore, #tpu.memory_space<semaphore_mem>>
        %dma_start3A = arith.constant 0 : i32
        %dma_start3A_114 = tpu.memref_slice %arg2[%mul3A_113, %dma_start3A] : memref<2500x128xi32, #tpu.memory_space<hbm>> -> memref<80x128xi32, #tpu.memory_space<hbm>>
        %dma_start3A_115 = arith.constant 0 : i32
        %dma_start3A_116 = tpu.memref_slice %arg2[%mul3A_113, %dma_start3A_115] : memref<2500x128xi32, #tpu.memory_space<hbm>> -> memref<80x128xi32, #tpu.memory_space<hbm>>
        tpu.enqueue_dma source(%dma_start3A_116 : memref<80x128xi32, #tpu.memory_space<hbm>>) target(%arg7 : memref<80x128xi32, #tpu.memory_space<vmem>>) target_semaphore(%run_scoped3A : memref<!tpu.dma_semaphore, #tpu.memory_space<semaphore_mem>>)
        %dma_wait3A = arith.constant 0 : i32
        %dma_wait3A_117 = tpu.memref_slice %arg2[%mul3A_113, %dma_wait3A] : memref<2500x128xi32, #tpu.memory_space<hbm>> -> memref<80x128xi32, #tpu.memory_space<hbm>>
        %dma_wait3A_118 = arith.constant 0 : i32
        %dma_wait3A_119 = tpu.memref_slice %arg2[%mul3A_113, %dma_wait3A_118] : memref<2500x128xi32, #tpu.memory_space<hbm>> -> memref<80x128xi32, #tpu.memory_space<hbm>>
        tpu.wait_dma2 semaphore(%run_scoped3A : memref<!tpu.dma_semaphore, #tpu.memory_space<semaphore_mem>>) src(%dma_wait3A_119 : memref<80x128xi32, #tpu.memory_space<hbm>>) dst(%arg7 : memref<80x128xi32, #tpu.memory_space<vmem>>)
        tpu.yield
      }) : () -> ()
      "tpu.region"() ({
        %run_scoped3A = tpu.sem_alloc : memref<!tpu.dma_semaphore, #tpu.memory_space<semaphore_mem>>
        %dma_start3A = arith.constant 0 : i32
        %dma_start3A_114 = tpu.memref_slice %arg3[%mul3A_113, %dma_start3A] : memref<2500x128xi32, #tpu.memory_space<hbm>> -> memref<80x128xi32, #tpu.memory_space<hbm>>
        %dma_start3A_115 = arith.constant 0 : i32
        %dma_start3A_116 = tpu.memref_slice %arg3[%mul3A_113, %dma_start3A_115] : memref<2500x128xi32, #tpu.memory_space<hbm>> -> memref<80x128xi32, #tpu.memory_space<hbm>>
        tpu.enqueue_dma source(%dma_start3A_116 : memref<80x128xi32, #tpu.memory_space<hbm>>) target(%arg8 : memref<80x128xi32, #tpu.memory_space<vmem>>) target_semaphore(%run_scoped3A : memref<!tpu.dma_semaphore, #tpu.memory_space<semaphore_mem>>)
        %dma_wait3A = arith.constant 0 : i32
        %dma_wait3A_117 = tpu.memref_slice %arg3[%mul3A_113, %dma_wait3A] : memref<2500x128xi32, #tpu.memory_space<hbm>> -> memref<80x128xi32, #tpu.memory_space<hbm>>
        %dma_wait3A_118 = arith.constant 0 : i32
        %dma_wait3A_119 = tpu.memref_slice %arg3[%mul3A_113, %dma_wait3A_118] : memref<2500x128xi32, #tpu.memory_space<hbm>> -> memref<80x128xi32, #tpu.memory_space<hbm>>
        tpu.wait_dma2 semaphore(%run_scoped3A : memref<!tpu.dma_semaphore, #tpu.memory_space<semaphore_mem>>) src(%dma_wait3A_119 : memref<80x128xi32, #tpu.memory_space<hbm>>) dst(%arg8 : memref<80x128xi32, #tpu.memory_space<vmem>>)
        tpu.yield
      }) : () -> ()
    } else {
    }
    %ge3A = arith.constant 24 : i32
    %ge3A_57 = arith.cmpi sge, %add3A, %ge3A : i32
    %convert_element_type3A_58 = arith.extui %ge3A_57 : i1 to i32
    %cond3A_59 = arith.constant 0 : i32
    %cond3A_60 = arith.cmpi ne, %convert_element_type3A_58, %cond3A_59 : i32
    scf.if %cond3A_60 {
      %sub3A = arith.constant 24 : i32
      %sub3A_112 = arith.subi %add3A, %sub3A : i32
      %mul3A_113 = arith.constant 72 : i32
      %mul3A_114 = arith.muli %mul3A_113, %sub3A_112 : i32
      %add3A_115 = arith.constant 1920 : i32
      %add3A_116 = arith.addi %add3A_115, %mul3A_114 : i32
      "tpu.region"() ({
        %run_scoped3A = tpu.sem_alloc : memref<!tpu.dma_semaphore, #tpu.memory_space<semaphore_mem>>
        %dma_start3A = arith.constant 0 : i32
        %dma_start3A_117 = arith.constant 0 : i32
        %dma_start3A_118 = tpu.memref_slice %arg7[%dma_start3A, %dma_start3A_117] : memref<80x128xi32, #tpu.memory_space<vmem>> -> memref<72x128xi32, #tpu.memory_space<vmem>>
        %dma_start3A_119 = arith.constant 0 : i32
        %dma_start3A_120 = tpu.memref_slice %arg2[%add3A_116, %dma_start3A_119] : memref<2500x128xi32, #tpu.memory_space<hbm>> -> memref<72x128xi32, #tpu.memory_space<hbm>>
        %dma_start3A_121 = arith.constant 0 : i32
        %dma_start3A_122 = arith.constant 0 : i32
        %dma_start3A_123 = tpu.memref_slice %arg7[%dma_start3A_121, %dma_start3A_122] : memref<80x128xi32, #tpu.memory_space<vmem>> -> memref<72x128xi32, #tpu.memory_space<vmem>>
        %dma_start3A_124 = arith.constant 0 : i32
        %dma_start3A_125 = tpu.memref_slice %arg2[%add3A_116, %dma_start3A_124] : memref<2500x128xi32, #tpu.memory_space<hbm>> -> memref<72x128xi32, #tpu.memory_space<hbm>>
        tpu.enqueue_dma source(%dma_start3A_125 : memref<72x128xi32, #tpu.memory_space<hbm>>) target(%dma_start3A_123 : memref<72x128xi32, #tpu.memory_space<vmem>>) target_semaphore(%run_scoped3A : memref<!tpu.dma_semaphore, #tpu.memory_space<semaphore_mem>>)
        %dma_wait3A = arith.constant 0 : i32
        %dma_wait3A_126 = arith.constant 0 : i32
        %dma_wait3A_127 = tpu.memref_slice %arg7[%dma_wait3A, %dma_wait3A_126] : memref<80x128xi32, #tpu.memory_space<vmem>> -> memref<72x128xi32, #tpu.memory_space<vmem>>
        %dma_wait3A_128 = arith.constant 0 : i32
        %dma_wait3A_129 = tpu.memref_slice %arg2[%add3A_116, %dma_wait3A_128] : memref<2500x128xi32, #tpu.memory_space<hbm>> -> memref<72x128xi32, #tpu.memory_space<hbm>>
        %dma_wait3A_130 = arith.constant 0 : i32
        %dma_wait3A_131 = arith.constant 0 : i32
        %dma_wait3A_132 = tpu.memref_slice %arg7[%dma_wait3A_130, %dma_wait3A_131] : memref<80x128xi32, #tpu.memory_space<vmem>> -> memref<72x128xi32, #tpu.memory_space<vmem>>
        %dma_wait3A_133 = arith.constant 0 : i32
        %dma_wait3A_134 = tpu.memref_slice %arg2[%add3A_116, %dma_wait3A_133] : memref<2500x128xi32, #tpu.memory_space<hbm>> -> memref<72x128xi32, #tpu.memory_space<hbm>>
        tpu.wait_dma2 semaphore(%run_scoped3A : memref<!tpu.dma_semaphore, #tpu.memory_space<semaphore_mem>>) src(%dma_wait3A_134 : memref<72x128xi32, #tpu.memory_space<hbm>>) dst(%dma_wait3A_132 : memref<72x128xi32, #tpu.memory_space<vmem>>)
        tpu.yield
      }) : () -> ()
      "tpu.region"() ({
        %run_scoped3A = tpu.sem_alloc : memref<!tpu.dma_semaphore, #tpu.memory_space<semaphore_mem>>
        %dma_start3A = arith.constant 0 : i32
        %dma_start3A_117 = arith.constant 0 : i32
        %dma_start3A_118 = tpu.memref_slice %arg8[%dma_start3A, %dma_start3A_117] : memref<80x128xi32, #tpu.memory_space<vmem>> -> memref<72x128xi32, #tpu.memory_space<vmem>>
        %dma_start3A_119 = arith.constant 0 : i32
        %dma_start3A_120 = tpu.memref_slice %arg3[%add3A_116, %dma_start3A_119] : memref<2500x128xi32, #tpu.memory_space<hbm>> -> memref<72x128xi32, #tpu.memory_space<hbm>>
        %dma_start3A_121 = arith.constant 0 : i32
        %dma_start3A_122 = arith.constant 0 : i32
        %dma_start3A_123 = tpu.memref_slice %arg8[%dma_start3A_121, %dma_start3A_122] : memref<80x128xi32, #tpu.memory_space<vmem>> -> memref<72x128xi32, #tpu.memory_space<vmem>>
        %dma_start3A_124 = arith.constant 0 : i32
        %dma_start3A_125 = tpu.memref_slice %arg3[%add3A_116, %dma_start3A_124] : memref<2500x128xi32, #tpu.memory_space<hbm>> -> memref<72x128xi32, #tpu.memory_space<hbm>>
        tpu.enqueue_dma source(%dma_start3A_125 : memref<72x128xi32, #tpu.memory_space<hbm>>) target(%dma_start3A_123 : memref<72x128xi32, #tpu.memory_space<vmem>>) target_semaphore(%run_scoped3A : memref<!tpu.dma_semaphore, #tpu.memory_space<semaphore_mem>>)
        %dma_wait3A = arith.constant 0 : i32
        %dma_wait3A_126 = arith.constant 0 : i32
        %dma_wait3A_127 = tpu.memref_slice %arg8[%dma_wait3A, %dma_wait3A_126] : memref<80x128xi32, #tpu.memory_space<vmem>> -> memref<72x128xi32, #tpu.memory_space<vmem>>
        %dma_wait3A_128 = arith.constant 0 : i32
        %dma_wait3A_129 = tpu.memref_slice %arg3[%add3A_116, %dma_wait3A_128] : memref<2500x128xi32, #tpu.memory_space<hbm>> -> memref<72x128xi32, #tpu.memory_space<hbm>>
        %dma_wait3A_130 = arith.constant 0 : i32
        %dma_wait3A_131 = arith.constant 0 : i32
        %dma_wait3A_132 = tpu.memref_slice %arg8[%dma_wait3A_130, %dma_wait3A_131] : memref<80x128xi32, #tpu.memory_space<vmem>> -> memref<72x128xi32, #tpu.memory_space<vmem>>
        %dma_wait3A_133 = arith.constant 0 : i32
        %dma_wait3A_134 = tpu.memref_slice %arg3[%add3A_116, %dma_wait3A_133] : memref<2500x128xi32, #tpu.memory_space<hbm>> -> memref<72x128xi32, #tpu.memory_space<hbm>>
        tpu.wait_dma2 semaphore(%run_scoped3A : memref<!tpu.dma_semaphore, #tpu.memory_space<semaphore_mem>>) src(%dma_wait3A_134 : memref<72x128xi32, #tpu.memory_space<hbm>>) dst(%dma_wait3A_132 : memref<72x128xi32, #tpu.memory_space<vmem>>)
        tpu.yield
      }) : () -> ()
    } else {
    }
    %eq3A = arith.constant 31 : i32
    %eq3A_61 = arith.cmpi eq, %add3A, %eq3A : i32
    %convert_element_type3A_62 = arith.extui %eq3A_61 : i1 to i32
    %cond3A_63 = arith.constant 0 : i32
    %cond3A_64 = arith.cmpi ne, %convert_element_type3A_62, %cond3A_63 : i32
    scf.if %cond3A_64 {
      "tpu.region"() ({
        %run_scoped3A = tpu.sem_alloc : memref<!tpu.dma_semaphore, #tpu.memory_space<semaphore_mem>>
        %dma_start3A = arith.constant 72 : i32
        %dma_start3A_112 = arith.constant 0 : i32
        %dma_start3A_113 = tpu.memref_slice %arg7[%dma_start3A, %dma_start3A_112] : memref<80x128xi32, #tpu.memory_space<vmem>> -> memref<4x128xi32, #tpu.memory_space<vmem>>
        %dma_start3A_114 = arith.constant 2496 : i32
        %dma_start3A_115 = arith.constant 0 : i32
        %dma_start3A_116 = tpu.memref_slice %arg2[%dma_start3A_114, %dma_start3A_115] : memref<2500x128xi32, #tpu.memory_space<hbm>> -> memref<4x128xi32, #tpu.memory_space<hbm>>
        %dma_start3A_117 = arith.constant 72 : i32
        %dma_start3A_118 = arith.constant 0 : i32
        %dma_start3A_119 = tpu.memref_slice %arg7[%dma_start3A_117, %dma_start3A_118] : memref<80x128xi32, #tpu.memory_space<vmem>> -> memref<4x128xi32, #tpu.memory_space<vmem>>
        %dma_start3A_120 = arith.constant 2496 : i32
        %dma_start3A_121 = arith.constant 0 : i32
        %dma_start3A_122 = tpu.memref_slice %arg2[%dma_start3A_120, %dma_start3A_121] : memref<2500x128xi32, #tpu.memory_space<hbm>> -> memref<4x128xi32, #tpu.memory_space<hbm>>
        tpu.enqueue_dma source(%dma_start3A_122 : memref<4x128xi32, #tpu.memory_space<hbm>>) target(%dma_start3A_119 : memref<4x128xi32, #tpu.memory_space<vmem>>) target_semaphore(%run_scoped3A : memref<!tpu.dma_semaphore, #tpu.memory_space<semaphore_mem>>)
        %dma_wait3A = arith.constant 72 : i32
        %dma_wait3A_123 = arith.constant 0 : i32
        %dma_wait3A_124 = tpu.memref_slice %arg7[%dma_wait3A, %dma_wait3A_123] : memref<80x128xi32, #tpu.memory_space<vmem>> -> memref<4x128xi32, #tpu.memory_space<vmem>>
        %dma_wait3A_125 = arith.constant 2496 : i32
        %dma_wait3A_126 = arith.constant 0 : i32
        %dma_wait3A_127 = tpu.memref_slice %arg2[%dma_wait3A_125, %dma_wait3A_126] : memref<2500x128xi32, #tpu.memory_space<hbm>> -> memref<4x128xi32, #tpu.memory_space<hbm>>
        %dma_wait3A_128 = arith.constant 72 : i32
        %dma_wait3A_129 = arith.constant 0 : i32
        %dma_wait3A_130 = tpu.memref_slice %arg7[%dma_wait3A_128, %dma_wait3A_129] : memref<80x128xi32, #tpu.memory_space<vmem>> -> memref<4x128xi32, #tpu.memory_space<vmem>>
        %dma_wait3A_131 = arith.constant 2496 : i32
        %dma_wait3A_132 = arith.constant 0 : i32
        %dma_wait3A_133 = tpu.memref_slice %arg2[%dma_wait3A_131, %dma_wait3A_132] : memref<2500x128xi32, #tpu.memory_space<hbm>> -> memref<4x128xi32, #tpu.memory_space<hbm>>
        tpu.wait_dma2 semaphore(%run_scoped3A : memref<!tpu.dma_semaphore, #tpu.memory_space<semaphore_mem>>) src(%dma_wait3A_133 : memref<4x128xi32, #tpu.memory_space<hbm>>) dst(%dma_wait3A_130 : memref<4x128xi32, #tpu.memory_space<vmem>>)
        tpu.yield
      }) : () -> ()
      "tpu.region"() ({
        %run_scoped3A = tpu.sem_alloc : memref<!tpu.dma_semaphore, #tpu.memory_space<semaphore_mem>>
        %dma_start3A = arith.constant 72 : i32
        %dma_start3A_112 = arith.constant 0 : i32
        %dma_start3A_113 = tpu.memref_slice %arg8[%dma_start3A, %dma_start3A_112] : memref<80x128xi32, #tpu.memory_space<vmem>> -> memref<4x128xi32, #tpu.memory_space<vmem>>
        %dma_start3A_114 = arith.constant 2496 : i32
        %dma_start3A_115 = arith.constant 0 : i32
        %dma_start3A_116 = tpu.memref_slice %arg3[%dma_start3A_114, %dma_start3A_115] : memref<2500x128xi32, #tpu.memory_space<hbm>> -> memref<4x128xi32, #tpu.memory_space<hbm>>
        %dma_start3A_117 = arith.constant 72 : i32
        %dma_start3A_118 = arith.constant 0 : i32
        %dma_start3A_119 = tpu.memref_slice %arg8[%dma_start3A_117, %dma_start3A_118] : memref<80x128xi32, #tpu.memory_space<vmem>> -> memref<4x128xi32, #tpu.memory_space<vmem>>
        %dma_start3A_120 = arith.constant 2496 : i32
        %dma_start3A_121 = arith.constant 0 : i32
        %dma_start3A_122 = tpu.memref_slice %arg3[%dma_start3A_120, %dma_start3A_121] : memref<2500x128xi32, #tpu.memory_space<hbm>> -> memref<4x128xi32, #tpu.memory_space<hbm>>
        tpu.enqueue_dma source(%dma_start3A_122 : memref<4x128xi32, #tpu.memory_space<hbm>>) target(%dma_start3A_119 : memref<4x128xi32, #tpu.memory_space<vmem>>) target_semaphore(%run_scoped3A : memref<!tpu.dma_semaphore, #tpu.memory_space<semaphore_mem>>)
        %dma_wait3A = arith.constant 72 : i32
        %dma_wait3A_123 = arith.constant 0 : i32
        %dma_wait3A_124 = tpu.memref_slice %arg8[%dma_wait3A, %dma_wait3A_123] : memref<80x128xi32, #tpu.memory_space<vmem>> -> memref<4x128xi32, #tpu.memory_space<vmem>>
        %dma_wait3A_125 = arith.constant 2496 : i32
        %dma_wait3A_126 = arith.constant 0 : i32
        %dma_wait3A_127 = tpu.memref_slice %arg3[%dma_wait3A_125, %dma_wait3A_126] : memref<2500x128xi32, #tpu.memory_space<hbm>> -> memref<4x128xi32, #tpu.memory_space<hbm>>
        %dma_wait3A_128 = arith.constant 72 : i32
        %dma_wait3A_129 = arith.constant 0 : i32
        %dma_wait3A_130 = tpu.memref_slice %arg8[%dma_wait3A_128, %dma_wait3A_129] : memref<80x128xi32, #tpu.memory_space<vmem>> -> memref<4x128xi32, #tpu.memory_space<vmem>>
        %dma_wait3A_131 = arith.constant 2496 : i32
        %dma_wait3A_132 = arith.constant 0 : i32
        %dma_wait3A_133 = tpu.memref_slice %arg3[%dma_wait3A_131, %dma_wait3A_132] : memref<2500x128xi32, #tpu.memory_space<hbm>> -> memref<4x128xi32, #tpu.memory_space<hbm>>
        tpu.wait_dma2 semaphore(%run_scoped3A : memref<!tpu.dma_semaphore, #tpu.memory_space<semaphore_mem>>) src(%dma_wait3A_133 : memref<4x128xi32, #tpu.memory_space<hbm>>) dst(%dma_wait3A_130 : memref<4x128xi32, #tpu.memory_space<vmem>>)
        tpu.yield
      }) : () -> ()
    } else {
    }
    %lt3A_65 = arith.constant 24 : i32
    %lt3A_66 = arith.cmpi slt, %add3A, %lt3A_65 : i32
    %eq3A_67 = arith.constant 31 : i32
    %eq3A_68 = arith.cmpi eq, %add3A, %eq3A_67 : i32
    %jit3A = arith.constant 76 : i32
    %jit3A_69 = arith.constant 72 : i32
    %select_n3A = arith.select %eq3A_68, %jit3A, %jit3A_69 : i32
    %jit3A_70 = arith.constant 80 : i32
    %select_n3A_71 = arith.select %lt3A_66, %jit3A_70, %select_n3A : i32
    %barrier3A = arith.constant 0 : index
    tpu.barrier barrier_id(%barrier3A)
    %while3A = arith.constant 0 : i32
    %while3A_72 = arith.constant 0 : i32
    %while3A_73 = arith.subi %select_n3A_71, %while3A : i32
    %while3A_74 = arith.addi %while3A, %while3A_73 : i32
    %while3A_75 = arith.constant 1 : i32
    %while3A_76 = arith.divsi %while3A_73, %while3A_75 : i32
    %while3A_77 = arith.muli %while3A_76, %while3A_75 : i32
    %while3A_78 = arith.addi %while3A, %while3A_77 : i32
    %while3A_79 = arith.constant 1 : i32
    %while3A_80 = scf.for %while3A_112 = %while3A to %while3A_78 step %while3A_79 iter_args(%while3A_113 = %while3A_72) -> (i32)  : i32 {
      %dma_start3A = arith.constant 0 : i32
      %dma_start3A_114 = tpu.memref_slice %arg7[%while3A_112, %dma_start3A] : memref<80x128xi32, #tpu.memory_space<vmem>> -> memref<1x128xi32, #tpu.memory_space<vmem>>
      %dma_start3A_115 = tpu.memref_squeeze %dma_start3A_114 : memref<1x128xi32, #tpu.memory_space<vmem>> -> memref<128xi32, #tpu.memory_space<vmem>>
      %dma_start3A_116 = arith.constant 0 : i32
      %dma_start3A_117 = tpu.memref_slice %arg10[%dma_start3A_116] : memref<10240xf32, #tpu.memory_space<vmem_shared>> -> memref<10240xf32, #tpu.memory_space<vmem_shared>>
      tpu.enqueue_indirect_dma source(%arg9 : memref<128xf32, #tpu.memory_space<vmem>>) target(%dma_start3A_117 : memref<10240xf32, #tpu.memory_space<vmem_shared>>) offsets(%dma_start3A_115 : memref<128xi32, #tpu.memory_space<vmem>>) semaphore(%arg12 : memref<!tpu.dma_semaphore, #tpu.memory_space<semaphore_mem>>) {add = true}
      %dma_start3A_118 = arith.constant 0 : i32
      %dma_start3A_119 = tpu.memref_slice %arg8[%while3A_112, %dma_start3A_118] : memref<80x128xi32, #tpu.memory_space<vmem>> -> memref<1x128xi32, #tpu.memory_space<vmem>>
      %dma_start3A_120 = tpu.memref_squeeze %dma_start3A_119 : memref<1x128xi32, #tpu.memory_space<vmem>> -> memref<128xi32, #tpu.memory_space<vmem>>
      %dma_start3A_121 = arith.constant 0 : i32
      %dma_start3A_122 = tpu.memref_slice %arg11[%dma_start3A_121] : memref<10240xf32, #tpu.memory_space<vmem_shared>> -> memref<10240xf32, #tpu.memory_space<vmem_shared>>
      tpu.enqueue_indirect_dma source(%arg9 : memref<128xf32, #tpu.memory_space<vmem>>) target(%dma_start3A_122 : memref<10240xf32, #tpu.memory_space<vmem_shared>>) offsets(%dma_start3A_120 : memref<128xi32, #tpu.memory_space<vmem>>) semaphore(%arg12 : memref<!tpu.dma_semaphore, #tpu.memory_space<semaphore_mem>>) {add = true}
      %while3A_123 = arith.constant 0 : i32
      scf.yield %while3A_123 : i32
    }
    %while3A_81 = arith.constant 1 : i32
    %while3A_82 = scf.for %while3A_112 = %while3A_78 to %while3A_74 step %while3A_81 iter_args(%while3A_113 = %while3A_80) -> (i32)  : i32 {
      %dma_start3A = arith.constant 0 : i32
      %dma_start3A_114 = tpu.memref_slice %arg7[%while3A_112, %dma_start3A] : memref<80x128xi32, #tpu.memory_space<vmem>> -> memref<1x128xi32, #tpu.memory_space<vmem>>
      %dma_start3A_115 = tpu.memref_squeeze %dma_start3A_114 : memref<1x128xi32, #tpu.memory_space<vmem>> -> memref<128xi32, #tpu.memory_space<vmem>>
      %dma_start3A_116 = arith.constant 0 : i32
      %dma_start3A_117 = tpu.memref_slice %arg10[%dma_start3A_116] : memref<10240xf32, #tpu.memory_space<vmem_shared>> -> memref<10240xf32, #tpu.memory_space<vmem_shared>>
      tpu.enqueue_indirect_dma source(%arg9 : memref<128xf32, #tpu.memory_space<vmem>>) target(%dma_start3A_117 : memref<10240xf32, #tpu.memory_space<vmem_shared>>) offsets(%dma_start3A_115 : memref<128xi32, #tpu.memory_space<vmem>>) semaphore(%arg12 : memref<!tpu.dma_semaphore, #tpu.memory_space<semaphore_mem>>) {add = true}
      %dma_start3A_118 = arith.constant 0 : i32
      %dma_start3A_119 = tpu.memref_slice %arg8[%while3A_112, %dma_start3A_118] : memref<80x128xi32, #tpu.memory_space<vmem>> -> memref<1x128xi32, #tpu.memory_space<vmem>>
      %dma_start3A_120 = tpu.memref_squeeze %dma_start3A_119 : memref<1x128xi32, #tpu.memory_space<vmem>> -> memref<128xi32, #tpu.memory_space<vmem>>
      %dma_start3A_121 = arith.constant 0 : i32
      %dma_start3A_122 = tpu.memref_slice %arg11[%dma_start3A_121] : memref<10240xf32, #tpu.memory_space<vmem_shared>> -> memref<10240xf32, #tpu.memory_space<vmem_shared>>
      tpu.enqueue_indirect_dma source(%arg9 : memref<128xf32, #tpu.memory_space<vmem>>) target(%dma_start3A_122 : memref<10240xf32, #tpu.memory_space<vmem_shared>>) offsets(%dma_start3A_120 : memref<128xi32, #tpu.memory_space<vmem>>) semaphore(%arg12 : memref<!tpu.dma_semaphore, #tpu.memory_space<semaphore_mem>>) {add = true}
      %while3A_123 = arith.constant 0 : i32
      scf.yield %while3A_123 : i32
    }
    %mul3A_83 = arith.constant 2 : i32
    %mul3A_84 = arith.muli %mul3A_83, %select_n3A_71 : i32
    %while3A_85 = arith.constant 0 : i32
    %while3A_86 = arith.constant 0 : i32
    %while3A_87 = arith.subi %mul3A_84, %while3A_85 : i32
    %while3A_88 = arith.addi %while3A_85, %while3A_87 : i32
    %while3A_89 = arith.constant 1 : i32
    %while3A_90 = arith.divsi %while3A_87, %while3A_89 : i32
    %while3A_91 = arith.muli %while3A_90, %while3A_89 : i32
    %while3A_92 = arith.addi %while3A_85, %while3A_91 : i32
    %while3A_93 = arith.constant 1 : i32
    %while3A_94 = scf.for %while3A_112 = %while3A_85 to %while3A_92 step %while3A_93 iter_args(%while3A_113 = %while3A_86) -> (i32)  : i32 {
      %dma_wait3A = arith.constant 0 : i32
      %dma_wait3A_114 = arith.constant 0 : i32
      %dma_wait3A_115 = tpu.memref_slice %arg7[%dma_wait3A, %dma_wait3A_114] : memref<80x128xi32, #tpu.memory_space<vmem>> -> memref<1x128xi32, #tpu.memory_space<vmem>>
      %dma_wait3A_116 = tpu.memref_squeeze %dma_wait3A_115 : memref<1x128xi32, #tpu.memory_space<vmem>> -> memref<128xi32, #tpu.memory_space<vmem>>
      %dma_wait3A_117 = arith.constant 0 : i32
      %dma_wait3A_118 = tpu.memref_slice %arg10[%dma_wait3A_117] : memref<10240xf32, #tpu.memory_space<vmem_shared>> -> memref<10240xf32, #tpu.memory_space<vmem_shared>>
      tpu.wait_indirect_dma semaphore(%arg12 : memref<!tpu.dma_semaphore, #tpu.memory_space<semaphore_mem>>) src(%arg9 : memref<128xf32, #tpu.memory_space<vmem>>) dst(%dma_wait3A_118 : memref<10240xf32, #tpu.memory_space<vmem_shared>>)
      %while3A_119 = arith.constant 0 : i32
      scf.yield %while3A_119 : i32
    }
    %while3A_95 = arith.constant 1 : i32
    %while3A_96 = scf.for %while3A_112 = %while3A_92 to %while3A_88 step %while3A_95 iter_args(%while3A_113 = %while3A_94) -> (i32)  : i32 {
      %dma_wait3A = arith.constant 0 : i32
      %dma_wait3A_114 = arith.constant 0 : i32
      %dma_wait3A_115 = tpu.memref_slice %arg7[%dma_wait3A, %dma_wait3A_114] : memref<80x128xi32, #tpu.memory_space<vmem>> -> memref<1x128xi32, #tpu.memory_space<vmem>>
      %dma_wait3A_116 = tpu.memref_squeeze %dma_wait3A_115 : memref<1x128xi32, #tpu.memory_space<vmem>> -> memref<128xi32, #tpu.memory_space<vmem>>
      %dma_wait3A_117 = arith.constant 0 : i32
      %dma_wait3A_118 = tpu.memref_slice %arg10[%dma_wait3A_117] : memref<10240xf32, #tpu.memory_space<vmem_shared>> -> memref<10240xf32, #tpu.memory_space<vmem_shared>>
      tpu.wait_indirect_dma semaphore(%arg12 : memref<!tpu.dma_semaphore, #tpu.memory_space<semaphore_mem>>) src(%arg9 : memref<128xf32, #tpu.memory_space<vmem>>) dst(%dma_wait3A_118 : memref<10240xf32, #tpu.memory_space<vmem_shared>>)
      %while3A_119 = arith.constant 0 : i32
      scf.yield %while3A_119 : i32
    }
    %barrier3A_97 = arith.constant 0 : index
    tpu.barrier barrier_id(%barrier3A_97)
    %mul3A_98 = arith.constant 640 : i32
    %mul3A_99 = arith.muli %arg1, %mul3A_98 : i32
    %mul3A_100 = arith.constant 10240 : i32
    %mul3A_101 = arith.muli %arg0, %mul3A_100 : i32
    %mul3A_102 = arith.constant 640 : i32
    %mul3A_103 = arith.muli %arg1, %mul3A_102 : i32
    %add3A_104 = arith.addi %mul3A_101, %mul3A_103 : i32
    "tpu.region"() ({
      %run_scoped3A = tpu.sem_alloc : memref<!tpu.dma_semaphore, #tpu.memory_space<semaphore_mem>>
      %dma_start3A = tpu.memref_slice %arg5[%add3A_104] : memref<20480xf32, #tpu.memory_space<hbm>> -> memref<640xf32, #tpu.memory_space<hbm>>
      %dma_start3A_112 = tpu.memref_slice %arg10[%mul3A_99] : memref<10240xf32, #tpu.memory_space<vmem_shared>> -> memref<640xf32, #tpu.memory_space<vmem_shared>>
      tpu.enqueue_dma source(%dma_start3A_112 : memref<640xf32, #tpu.memory_space<vmem_shared>>) target(%dma_start3A : memref<640xf32, #tpu.memory_space<hbm>>) target_semaphore(%run_scoped3A : memref<!tpu.dma_semaphore, #tpu.memory_space<semaphore_mem>>)
      %dma_wait3A = tpu.memref_slice %arg5[%add3A_104] : memref<20480xf32, #tpu.memory_space<hbm>> -> memref<640xf32, #tpu.memory_space<hbm>>
      %dma_wait3A_113 = tpu.memref_slice %arg10[%mul3A_99] : memref<10240xf32, #tpu.memory_space<vmem_shared>> -> memref<640xf32, #tpu.memory_space<vmem_shared>>
      tpu.wait_dma2 semaphore(%run_scoped3A : memref<!tpu.dma_semaphore, #tpu.memory_space<semaphore_mem>>) src(%dma_wait3A_113 : memref<640xf32, #tpu.memory_space<vmem_shared>>) dst(%dma_wait3A : memref<640xf32, #tpu.memory_space<hbm>>)
      tpu.yield
    }) : () -> ()
    %mul3A_105 = arith.constant 640 : i32
    %mul3A_106 = arith.muli %arg1, %mul3A_105 : i32
    %mul3A_107 = arith.constant 10240 : i32
    %mul3A_108 = arith.muli %arg0, %mul3A_107 : i32
    %mul3A_109 = arith.constant 640 : i32
    %mul3A_110 = arith.muli %arg1, %mul3A_109 : i32
    %add3A_111 = arith.addi %mul3A_108, %mul3A_110 : i32
    "tpu.region"() ({
      %run_scoped3A = tpu.sem_alloc : memref<!tpu.dma_semaphore, #tpu.memory_space<semaphore_mem>>
      %dma_start3A = tpu.memref_slice %arg6[%add3A_111] : memref<20480xf32, #tpu.memory_space<hbm>> -> memref<640xf32, #tpu.memory_space<hbm>>
      %dma_start3A_112 = tpu.memref_slice %arg11[%mul3A_106] : memref<10240xf32, #tpu.memory_space<vmem_shared>> -> memref<640xf32, #tpu.memory_space<vmem_shared>>
      tpu.enqueue_dma source(%dma_start3A_112 : memref<640xf32, #tpu.memory_space<vmem_shared>>) target(%dma_start3A : memref<640xf32, #tpu.memory_space<hbm>>) target_semaphore(%run_scoped3A : memref<!tpu.dma_semaphore, #tpu.memory_space<semaphore_mem>>)
      %dma_wait3A = tpu.memref_slice %arg6[%add3A_111] : memref<20480xf32, #tpu.memory_space<hbm>> -> memref<640xf32, #tpu.memory_space<hbm>>
      %dma_wait3A_113 = tpu.memref_slice %arg11[%mul3A_106] : memref<10240xf32, #tpu.memory_space<vmem_shared>> -> memref<640xf32, #tpu.memory_space<vmem_shared>>
      tpu.wait_dma2 semaphore(%run_scoped3A : memref<!tpu.dma_semaphore, #tpu.memory_space<semaphore_mem>>) src(%dma_wait3A_113 : memref<640xf32, #tpu.memory_space<vmem_shared>>) dst(%dma_wait3A : memref<640xf32, #tpu.memory_space<hbm>>)
      tpu.yield
    }) : () -> ()
    return
  }
}

#map = affine_map<(d0, d1) -> (0, 0)>
#map1 = affine_map<(d0, d1) -> (0)>
module attributes {stable_mosaic.version = 14 : i64} {
  func.func @_score_body(%arg0: i32, %arg1: i32, %arg2: memref<2500x128xi32, #tpu.memory_space<hbm>>, %arg3: memref<2500x128xi32, #tpu.memory_space<hbm>>, %arg4: memref<10000xf32, #tpu.memory_space<hbm>>, %arg5: memref<10240xf32, #tpu.memory_space<hbm>>, %arg6: memref<20480xf32, #tpu.memory_space<hbm>>, %arg7: memref<80x128xi32, #tpu.memory_space<vmem>>, %arg8: memref<80x128xi32, #tpu.memory_space<vmem>>, %arg9: memref<80x128xf32, #tpu.memory_space<vmem>>, %arg10: memref<10240xf32, #tpu.memory_space<vmem_shared>>, %arg11: memref<!tpu.dma_semaphore, #tpu.memory_space<semaphore_mem>>, %arg12: memref<!tpu.dma_semaphore, #tpu.memory_space<semaphore_mem>>) attributes {dimension_semantics = [#tpu.dimension_semantics<core_parallel>, #tpu.dimension_semantics<subcore_parallel>], iteration_bounds = array<i64: 2, 16>, scalar_prefetch = 0 : i64, scratch_operands = 6 : i64, tpu.core_type = #tpu.core_type<sc_vector_subcore>, window_params = [{transform_indices = #map}, {transform_indices = #map}, {transform_indices = #map1}, {transform_indices = #map1}, {transform_indices = #map1}]} {
    %mul3A = arith.constant 16 : i32
    %mul3A_0 = arith.muli %arg0, %mul3A : i32
    %add3A = arith.addi %mul3A_0, %arg1 : i32
    %mul3A_1 = arith.constant 640 : i32
    %mul3A_2 = arith.muli %arg1, %mul3A_1 : i32
    %mul3A_3 = arith.constant 640 : i32
    %mul3A_4 = arith.muli %arg1, %mul3A_3 : i32
    "tpu.region"() ({
      %run_scoped3A = tpu.sem_alloc : memref<!tpu.dma_semaphore, #tpu.memory_space<semaphore_mem>>
      %dma_start3A_62 = tpu.memref_slice %arg10[%mul3A_4] : memref<10240xf32, #tpu.memory_space<vmem_shared>> -> memref<640xf32, #tpu.memory_space<vmem_shared>>
      %dma_start3A_63 = tpu.memref_slice %arg5[%mul3A_2] : memref<10240xf32, #tpu.memory_space<hbm>> -> memref<640xf32, #tpu.memory_space<hbm>>
      tpu.enqueue_dma source(%dma_start3A_63 : memref<640xf32, #tpu.memory_space<hbm>>) target(%dma_start3A_62 : memref<640xf32, #tpu.memory_space<vmem_shared>>) target_semaphore(%run_scoped3A : memref<!tpu.dma_semaphore, #tpu.memory_space<semaphore_mem>>)
      %dma_wait3A = tpu.memref_slice %arg10[%mul3A_4] : memref<10240xf32, #tpu.memory_space<vmem_shared>> -> memref<640xf32, #tpu.memory_space<vmem_shared>>
      %dma_wait3A_64 = tpu.memref_slice %arg5[%mul3A_2] : memref<10240xf32, #tpu.memory_space<hbm>> -> memref<640xf32, #tpu.memory_space<hbm>>
      tpu.wait_dma2 semaphore(%run_scoped3A : memref<!tpu.dma_semaphore, #tpu.memory_space<semaphore_mem>>) src(%dma_wait3A_64 : memref<640xf32, #tpu.memory_space<hbm>>) dst(%dma_wait3A : memref<640xf32, #tpu.memory_space<vmem_shared>>)
      tpu.yield
    }) : () -> ()
    %lt3A = arith.constant 24 : i32
    %lt3A_5 = arith.cmpi slt, %add3A, %lt3A : i32
    %convert_element_type3A = arith.extui %lt3A_5 : i1 to i32
    %cond3A = arith.constant 0 : i32
    %cond3A_6 = arith.cmpi ne, %convert_element_type3A, %cond3A : i32
    scf.if %cond3A_6 {
      %mul3A_62 = arith.constant 80 : i32
      %mul3A_63 = arith.muli %mul3A_62, %add3A : i32
      "tpu.region"() ({
        %run_scoped3A = tpu.sem_alloc : memref<!tpu.dma_semaphore, #tpu.memory_space<semaphore_mem>>
        %dma_start3A_64 = arith.constant 0 : i32
        %dma_start3A_65 = tpu.memref_slice %arg2[%mul3A_63, %dma_start3A_64] : memref<2500x128xi32, #tpu.memory_space<hbm>> -> memref<80x128xi32, #tpu.memory_space<hbm>>
        %dma_start3A_66 = arith.constant 0 : i32
        %dma_start3A_67 = tpu.memref_slice %arg2[%mul3A_63, %dma_start3A_66] : memref<2500x128xi32, #tpu.memory_space<hbm>> -> memref<80x128xi32, #tpu.memory_space<hbm>>
        tpu.enqueue_dma source(%dma_start3A_67 : memref<80x128xi32, #tpu.memory_space<hbm>>) target(%arg7 : memref<80x128xi32, #tpu.memory_space<vmem>>) target_semaphore(%run_scoped3A : memref<!tpu.dma_semaphore, #tpu.memory_space<semaphore_mem>>)
        %dma_wait3A = arith.constant 0 : i32
        %dma_wait3A_68 = tpu.memref_slice %arg2[%mul3A_63, %dma_wait3A] : memref<2500x128xi32, #tpu.memory_space<hbm>> -> memref<80x128xi32, #tpu.memory_space<hbm>>
        %dma_wait3A_69 = arith.constant 0 : i32
        %dma_wait3A_70 = tpu.memref_slice %arg2[%mul3A_63, %dma_wait3A_69] : memref<2500x128xi32, #tpu.memory_space<hbm>> -> memref<80x128xi32, #tpu.memory_space<hbm>>
        tpu.wait_dma2 semaphore(%run_scoped3A : memref<!tpu.dma_semaphore, #tpu.memory_space<semaphore_mem>>) src(%dma_wait3A_70 : memref<80x128xi32, #tpu.memory_space<hbm>>) dst(%arg7 : memref<80x128xi32, #tpu.memory_space<vmem>>)
        tpu.yield
      }) : () -> ()
      "tpu.region"() ({
        %run_scoped3A = tpu.sem_alloc : memref<!tpu.dma_semaphore, #tpu.memory_space<semaphore_mem>>
        %dma_start3A_64 = arith.constant 0 : i32
        %dma_start3A_65 = tpu.memref_slice %arg3[%mul3A_63, %dma_start3A_64] : memref<2500x128xi32, #tpu.memory_space<hbm>> -> memref<80x128xi32, #tpu.memory_space<hbm>>
        %dma_start3A_66 = arith.constant 0 : i32
        %dma_start3A_67 = tpu.memref_slice %arg3[%mul3A_63, %dma_start3A_66] : memref<2500x128xi32, #tpu.memory_space<hbm>> -> memref<80x128xi32, #tpu.memory_space<hbm>>
        tpu.enqueue_dma source(%dma_start3A_67 : memref<80x128xi32, #tpu.memory_space<hbm>>) target(%arg8 : memref<80x128xi32, #tpu.memory_space<vmem>>) target_semaphore(%run_scoped3A : memref<!tpu.dma_semaphore, #tpu.memory_space<semaphore_mem>>)
        %dma_wait3A = arith.constant 0 : i32
        %dma_wait3A_68 = tpu.memref_slice %arg3[%mul3A_63, %dma_wait3A] : memref<2500x128xi32, #tpu.memory_space<hbm>> -> memref<80x128xi32, #tpu.memory_space<hbm>>
        %dma_wait3A_69 = arith.constant 0 : i32
        %dma_wait3A_70 = tpu.memref_slice %arg3[%mul3A_63, %dma_wait3A_69] : memref<2500x128xi32, #tpu.memory_space<hbm>> -> memref<80x128xi32, #tpu.memory_space<hbm>>
        tpu.wait_dma2 semaphore(%run_scoped3A : memref<!tpu.dma_semaphore, #tpu.memory_space<semaphore_mem>>) src(%dma_wait3A_70 : memref<80x128xi32, #tpu.memory_space<hbm>>) dst(%arg8 : memref<80x128xi32, #tpu.memory_space<vmem>>)
        tpu.yield
      }) : () -> ()
    } else {
    }
    %ge3A = arith.constant 24 : i32
    %ge3A_7 = arith.cmpi sge, %add3A, %ge3A : i32
    %convert_element_type3A_8 = arith.extui %ge3A_7 : i1 to i32
    %cond3A_9 = arith.constant 0 : i32
    %cond3A_10 = arith.cmpi ne, %convert_element_type3A_8, %cond3A_9 : i32
    scf.if %cond3A_10 {
      %sub3A = arith.constant 24 : i32
      %sub3A_62 = arith.subi %add3A, %sub3A : i32
      %mul3A_63 = arith.constant 72 : i32
      %mul3A_64 = arith.muli %mul3A_63, %sub3A_62 : i32
      %add3A_65 = arith.constant 1920 : i32
      %add3A_66 = arith.addi %add3A_65, %mul3A_64 : i32
      "tpu.region"() ({
        %run_scoped3A = tpu.sem_alloc : memref<!tpu.dma_semaphore, #tpu.memory_space<semaphore_mem>>
        %dma_start3A_67 = arith.constant 0 : i32
        %dma_start3A_68 = arith.constant 0 : i32
        %dma_start3A_69 = tpu.memref_slice %arg7[%dma_start3A_67, %dma_start3A_68] : memref<80x128xi32, #tpu.memory_space<vmem>> -> memref<72x128xi32, #tpu.memory_space<vmem>>
        %dma_start3A_70 = arith.constant 0 : i32
        %dma_start3A_71 = tpu.memref_slice %arg2[%add3A_66, %dma_start3A_70] : memref<2500x128xi32, #tpu.memory_space<hbm>> -> memref<72x128xi32, #tpu.memory_space<hbm>>
        %dma_start3A_72 = arith.constant 0 : i32
        %dma_start3A_73 = arith.constant 0 : i32
        %dma_start3A_74 = tpu.memref_slice %arg7[%dma_start3A_72, %dma_start3A_73] : memref<80x128xi32, #tpu.memory_space<vmem>> -> memref<72x128xi32, #tpu.memory_space<vmem>>
        %dma_start3A_75 = arith.constant 0 : i32
        %dma_start3A_76 = tpu.memref_slice %arg2[%add3A_66, %dma_start3A_75] : memref<2500x128xi32, #tpu.memory_space<hbm>> -> memref<72x128xi32, #tpu.memory_space<hbm>>
        tpu.enqueue_dma source(%dma_start3A_76 : memref<72x128xi32, #tpu.memory_space<hbm>>) target(%dma_start3A_74 : memref<72x128xi32, #tpu.memory_space<vmem>>) target_semaphore(%run_scoped3A : memref<!tpu.dma_semaphore, #tpu.memory_space<semaphore_mem>>)
        %dma_wait3A = arith.constant 0 : i32
        %dma_wait3A_77 = arith.constant 0 : i32
        %dma_wait3A_78 = tpu.memref_slice %arg7[%dma_wait3A, %dma_wait3A_77] : memref<80x128xi32, #tpu.memory_space<vmem>> -> memref<72x128xi32, #tpu.memory_space<vmem>>
        %dma_wait3A_79 = arith.constant 0 : i32
        %dma_wait3A_80 = tpu.memref_slice %arg2[%add3A_66, %dma_wait3A_79] : memref<2500x128xi32, #tpu.memory_space<hbm>> -> memref<72x128xi32, #tpu.memory_space<hbm>>
        %dma_wait3A_81 = arith.constant 0 : i32
        %dma_wait3A_82 = arith.constant 0 : i32
        %dma_wait3A_83 = tpu.memref_slice %arg7[%dma_wait3A_81, %dma_wait3A_82] : memref<80x128xi32, #tpu.memory_space<vmem>> -> memref<72x128xi32, #tpu.memory_space<vmem>>
        %dma_wait3A_84 = arith.constant 0 : i32
        %dma_wait3A_85 = tpu.memref_slice %arg2[%add3A_66, %dma_wait3A_84] : memref<2500x128xi32, #tpu.memory_space<hbm>> -> memref<72x128xi32, #tpu.memory_space<hbm>>
        tpu.wait_dma2 semaphore(%run_scoped3A : memref<!tpu.dma_semaphore, #tpu.memory_space<semaphore_mem>>) src(%dma_wait3A_85 : memref<72x128xi32, #tpu.memory_space<hbm>>) dst(%dma_wait3A_83 : memref<72x128xi32, #tpu.memory_space<vmem>>)
        tpu.yield
      }) : () -> ()
      "tpu.region"() ({
        %run_scoped3A = tpu.sem_alloc : memref<!tpu.dma_semaphore, #tpu.memory_space<semaphore_mem>>
        %dma_start3A_67 = arith.constant 0 : i32
        %dma_start3A_68 = arith.constant 0 : i32
        %dma_start3A_69 = tpu.memref_slice %arg8[%dma_start3A_67, %dma_start3A_68] : memref<80x128xi32, #tpu.memory_space<vmem>> -> memref<72x128xi32, #tpu.memory_space<vmem>>
        %dma_start3A_70 = arith.constant 0 : i32
        %dma_start3A_71 = tpu.memref_slice %arg3[%add3A_66, %dma_start3A_70] : memref<2500x128xi32, #tpu.memory_space<hbm>> -> memref<72x128xi32, #tpu.memory_space<hbm>>
        %dma_start3A_72 = arith.constant 0 : i32
        %dma_start3A_73 = arith.constant 0 : i32
        %dma_start3A_74 = tpu.memref_slice %arg8[%dma_start3A_72, %dma_start3A_73] : memref<80x128xi32, #tpu.memory_space<vmem>> -> memref<72x128xi32, #tpu.memory_space<vmem>>
        %dma_start3A_75 = arith.constant 0 : i32
        %dma_start3A_76 = tpu.memref_slice %arg3[%add3A_66, %dma_start3A_75] : memref<2500x128xi32, #tpu.memory_space<hbm>> -> memref<72x128xi32, #tpu.memory_space<hbm>>
        tpu.enqueue_dma source(%dma_start3A_76 : memref<72x128xi32, #tpu.memory_space<hbm>>) target(%dma_start3A_74 : memref<72x128xi32, #tpu.memory_space<vmem>>) target_semaphore(%run_scoped3A : memref<!tpu.dma_semaphore, #tpu.memory_space<semaphore_mem>>)
        %dma_wait3A = arith.constant 0 : i32
        %dma_wait3A_77 = arith.constant 0 : i32
        %dma_wait3A_78 = tpu.memref_slice %arg8[%dma_wait3A, %dma_wait3A_77] : memref<80x128xi32, #tpu.memory_space<vmem>> -> memref<72x128xi32, #tpu.memory_space<vmem>>
        %dma_wait3A_79 = arith.constant 0 : i32
        %dma_wait3A_80 = tpu.memref_slice %arg3[%add3A_66, %dma_wait3A_79] : memref<2500x128xi32, #tpu.memory_space<hbm>> -> memref<72x128xi32, #tpu.memory_space<hbm>>
        %dma_wait3A_81 = arith.constant 0 : i32
        %dma_wait3A_82 = arith.constant 0 : i32
        %dma_wait3A_83 = tpu.memref_slice %arg8[%dma_wait3A_81, %dma_wait3A_82] : memref<80x128xi32, #tpu.memory_space<vmem>> -> memref<72x128xi32, #tpu.memory_space<vmem>>
        %dma_wait3A_84 = arith.constant 0 : i32
        %dma_wait3A_85 = tpu.memref_slice %arg3[%add3A_66, %dma_wait3A_84] : memref<2500x128xi32, #tpu.memory_space<hbm>> -> memref<72x128xi32, #tpu.memory_space<hbm>>
        tpu.wait_dma2 semaphore(%run_scoped3A : memref<!tpu.dma_semaphore, #tpu.memory_space<semaphore_mem>>) src(%dma_wait3A_85 : memref<72x128xi32, #tpu.memory_space<hbm>>) dst(%dma_wait3A_83 : memref<72x128xi32, #tpu.memory_space<vmem>>)
        tpu.yield
      }) : () -> ()
    } else {
    }
    %eq3A = arith.constant 31 : i32
    %eq3A_11 = arith.cmpi eq, %add3A, %eq3A : i32
    %convert_element_type3A_12 = arith.extui %eq3A_11 : i1 to i32
    %cond3A_13 = arith.constant 0 : i32
    %cond3A_14 = arith.cmpi ne, %convert_element_type3A_12, %cond3A_13 : i32
    scf.if %cond3A_14 {
      "tpu.region"() ({
        %run_scoped3A = tpu.sem_alloc : memref<!tpu.dma_semaphore, #tpu.memory_space<semaphore_mem>>
        %dma_start3A_62 = arith.constant 72 : i32
        %dma_start3A_63 = arith.constant 0 : i32
        %dma_start3A_64 = tpu.memref_slice %arg7[%dma_start3A_62, %dma_start3A_63] : memref<80x128xi32, #tpu.memory_space<vmem>> -> memref<4x128xi32, #tpu.memory_space<vmem>>
        %dma_start3A_65 = arith.constant 2496 : i32
        %dma_start3A_66 = arith.constant 0 : i32
        %dma_start3A_67 = tpu.memref_slice %arg2[%dma_start3A_65, %dma_start3A_66] : memref<2500x128xi32, #tpu.memory_space<hbm>> -> memref<4x128xi32, #tpu.memory_space<hbm>>
        %dma_start3A_68 = arith.constant 72 : i32
        %dma_start3A_69 = arith.constant 0 : i32
        %dma_start3A_70 = tpu.memref_slice %arg7[%dma_start3A_68, %dma_start3A_69] : memref<80x128xi32, #tpu.memory_space<vmem>> -> memref<4x128xi32, #tpu.memory_space<vmem>>
        %dma_start3A_71 = arith.constant 2496 : i32
        %dma_start3A_72 = arith.constant 0 : i32
        %dma_start3A_73 = tpu.memref_slice %arg2[%dma_start3A_71, %dma_start3A_72] : memref<2500x128xi32, #tpu.memory_space<hbm>> -> memref<4x128xi32, #tpu.memory_space<hbm>>
        tpu.enqueue_dma source(%dma_start3A_73 : memref<4x128xi32, #tpu.memory_space<hbm>>) target(%dma_start3A_70 : memref<4x128xi32, #tpu.memory_space<vmem>>) target_semaphore(%run_scoped3A : memref<!tpu.dma_semaphore, #tpu.memory_space<semaphore_mem>>)
        %dma_wait3A = arith.constant 72 : i32
        %dma_wait3A_74 = arith.constant 0 : i32
        %dma_wait3A_75 = tpu.memref_slice %arg7[%dma_wait3A, %dma_wait3A_74] : memref<80x128xi32, #tpu.memory_space<vmem>> -> memref<4x128xi32, #tpu.memory_space<vmem>>
        %dma_wait3A_76 = arith.constant 2496 : i32
        %dma_wait3A_77 = arith.constant 0 : i32
        %dma_wait3A_78 = tpu.memref_slice %arg2[%dma_wait3A_76, %dma_wait3A_77] : memref<2500x128xi32, #tpu.memory_space<hbm>> -> memref<4x128xi32, #tpu.memory_space<hbm>>
        %dma_wait3A_79 = arith.constant 72 : i32
        %dma_wait3A_80 = arith.constant 0 : i32
        %dma_wait3A_81 = tpu.memref_slice %arg7[%dma_wait3A_79, %dma_wait3A_80] : memref<80x128xi32, #tpu.memory_space<vmem>> -> memref<4x128xi32, #tpu.memory_space<vmem>>
        %dma_wait3A_82 = arith.constant 2496 : i32
        %dma_wait3A_83 = arith.constant 0 : i32
        %dma_wait3A_84 = tpu.memref_slice %arg2[%dma_wait3A_82, %dma_wait3A_83] : memref<2500x128xi32, #tpu.memory_space<hbm>> -> memref<4x128xi32, #tpu.memory_space<hbm>>
        tpu.wait_dma2 semaphore(%run_scoped3A : memref<!tpu.dma_semaphore, #tpu.memory_space<semaphore_mem>>) src(%dma_wait3A_84 : memref<4x128xi32, #tpu.memory_space<hbm>>) dst(%dma_wait3A_81 : memref<4x128xi32, #tpu.memory_space<vmem>>)
        tpu.yield
      }) : () -> ()
      "tpu.region"() ({
        %run_scoped3A = tpu.sem_alloc : memref<!tpu.dma_semaphore, #tpu.memory_space<semaphore_mem>>
        %dma_start3A_62 = arith.constant 72 : i32
        %dma_start3A_63 = arith.constant 0 : i32
        %dma_start3A_64 = tpu.memref_slice %arg8[%dma_start3A_62, %dma_start3A_63] : memref<80x128xi32, #tpu.memory_space<vmem>> -> memref<4x128xi32, #tpu.memory_space<vmem>>
        %dma_start3A_65 = arith.constant 2496 : i32
        %dma_start3A_66 = arith.constant 0 : i32
        %dma_start3A_67 = tpu.memref_slice %arg3[%dma_start3A_65, %dma_start3A_66] : memref<2500x128xi32, #tpu.memory_space<hbm>> -> memref<4x128xi32, #tpu.memory_space<hbm>>
        %dma_start3A_68 = arith.constant 72 : i32
        %dma_start3A_69 = arith.constant 0 : i32
        %dma_start3A_70 = tpu.memref_slice %arg8[%dma_start3A_68, %dma_start3A_69] : memref<80x128xi32, #tpu.memory_space<vmem>> -> memref<4x128xi32, #tpu.memory_space<vmem>>
        %dma_start3A_71 = arith.constant 2496 : i32
        %dma_start3A_72 = arith.constant 0 : i32
        %dma_start3A_73 = tpu.memref_slice %arg3[%dma_start3A_71, %dma_start3A_72] : memref<2500x128xi32, #tpu.memory_space<hbm>> -> memref<4x128xi32, #tpu.memory_space<hbm>>
        tpu.enqueue_dma source(%dma_start3A_73 : memref<4x128xi32, #tpu.memory_space<hbm>>) target(%dma_start3A_70 : memref<4x128xi32, #tpu.memory_space<vmem>>) target_semaphore(%run_scoped3A : memref<!tpu.dma_semaphore, #tpu.memory_space<semaphore_mem>>)
        %dma_wait3A = arith.constant 72 : i32
        %dma_wait3A_74 = arith.constant 0 : i32
        %dma_wait3A_75 = tpu.memref_slice %arg8[%dma_wait3A, %dma_wait3A_74] : memref<80x128xi32, #tpu.memory_space<vmem>> -> memref<4x128xi32, #tpu.memory_space<vmem>>
        %dma_wait3A_76 = arith.constant 2496 : i32
        %dma_wait3A_77 = arith.constant 0 : i32
        %dma_wait3A_78 = tpu.memref_slice %arg3[%dma_wait3A_76, %dma_wait3A_77] : memref<2500x128xi32, #tpu.memory_space<hbm>> -> memref<4x128xi32, #tpu.memory_space<hbm>>
        %dma_wait3A_79 = arith.constant 72 : i32
        %dma_wait3A_80 = arith.constant 0 : i32
        %dma_wait3A_81 = tpu.memref_slice %arg8[%dma_wait3A_79, %dma_wait3A_80] : memref<80x128xi32, #tpu.memory_space<vmem>> -> memref<4x128xi32, #tpu.memory_space<vmem>>
        %dma_wait3A_82 = arith.constant 2496 : i32
        %dma_wait3A_83 = arith.constant 0 : i32
        %dma_wait3A_84 = tpu.memref_slice %arg3[%dma_wait3A_82, %dma_wait3A_83] : memref<2500x128xi32, #tpu.memory_space<hbm>> -> memref<4x128xi32, #tpu.memory_space<hbm>>
        tpu.wait_dma2 semaphore(%run_scoped3A : memref<!tpu.dma_semaphore, #tpu.memory_space<semaphore_mem>>) src(%dma_wait3A_84 : memref<4x128xi32, #tpu.memory_space<hbm>>) dst(%dma_wait3A_81 : memref<4x128xi32, #tpu.memory_space<vmem>>)
        tpu.yield
      }) : () -> ()
    } else {
    }
    %lt3A_15 = arith.constant 24 : i32
    %lt3A_16 = arith.cmpi slt, %add3A, %lt3A_15 : i32
    %eq3A_17 = arith.constant 31 : i32
    %eq3A_18 = arith.cmpi eq, %add3A, %eq3A_17 : i32
    %jit3A = arith.constant 76 : i32
    %jit3A_19 = arith.constant 72 : i32
    %select_n3A = arith.select %eq3A_18, %jit3A, %jit3A_19 : i32
    %jit3A_20 = arith.constant 80 : i32
    %select_n3A_21 = arith.select %lt3A_16, %jit3A_20, %select_n3A : i32
    %barrier3A = arith.constant 0 : index
    tpu.barrier barrier_id(%barrier3A)
    %dma_start3A = arith.constant 0 : i32
    %dma_start3A_22 = arith.constant 0 : i32
    %dma_start3A_23 = arith.constant 0 : i32
    %dma_start3A_24 = tpu.memref_slice %arg9[%dma_start3A_22, %dma_start3A_23] : memref<80x128xf32, #tpu.memory_space<vmem>> -> memref<1x128xf32, #tpu.memory_space<vmem>>
    %dma_start3A_25 = tpu.memref_squeeze %dma_start3A_24 : memref<1x128xf32, #tpu.memory_space<vmem>> -> memref<128xf32, #tpu.memory_space<vmem>>
    %dma_start3A_26 = arith.constant 0 : i32
    %dma_start3A_27 = tpu.memref_slice %arg7[%dma_start3A, %dma_start3A_26] : memref<80x128xi32, #tpu.memory_space<vmem>> -> memref<1x128xi32, #tpu.memory_space<vmem>>
    %dma_start3A_28 = tpu.memref_squeeze %dma_start3A_27 : memref<1x128xi32, #tpu.memory_space<vmem>> -> memref<128xi32, #tpu.memory_space<vmem>>
    %dma_start3A_29 = arith.constant 0 : i32
    %dma_start3A_30 = tpu.memref_slice %arg4[%dma_start3A_29] : memref<10000xf32, #tpu.memory_space<hbm>> -> memref<10000xf32, #tpu.memory_space<hbm>>
    tpu.enqueue_indirect_dma source(%dma_start3A_30 : memref<10000xf32, #tpu.memory_space<hbm>>) target(%dma_start3A_25 : memref<128xf32, #tpu.memory_space<vmem>>) offsets(%dma_start3A_28 : memref<128xi32, #tpu.memory_space<vmem>>) semaphore(%arg11 : memref<!tpu.dma_semaphore, #tpu.memory_space<semaphore_mem>>)
    %while3A = arith.constant 0 : i32
    %while3A_31 = arith.constant 0 : i32
    %while3A_32 = arith.subi %select_n3A_21, %while3A : i32
    %while3A_33 = arith.addi %while3A, %while3A_32 : i32
    %while3A_34 = arith.constant 1 : i32
    %while3A_35 = arith.divsi %while3A_32, %while3A_34 : i32
    %while3A_36 = arith.muli %while3A_35, %while3A_34 : i32
    %while3A_37 = arith.addi %while3A, %while3A_36 : i32
    %while3A_38 = arith.constant 1 : i32
    %while3A_39 = scf.for %while3A_62 = %while3A to %while3A_37 step %while3A_38 iter_args(%while3A_63 = %while3A_31) -> (i32)  : i32 {
      %add3A_64 = arith.constant 1 : i32
      %add3A_65 = arith.addi %while3A_62, %add3A_64 : i32
      %lt3A_66 = arith.cmpi slt, %add3A_65, %select_n3A_21 : i32
      %convert_element_type3A_67 = arith.extui %lt3A_66 : i1 to i32
      %cond3A_68 = arith.constant 0 : i32
      %cond3A_69 = arith.cmpi ne, %convert_element_type3A_67, %cond3A_68 : i32
      scf.if %cond3A_69 {
        %add3A_88 = arith.constant 1 : i32
        %add3A_89 = arith.addi %while3A_62, %add3A_88 : i32
        %add3A_90 = arith.constant 1 : i32
        %add3A_91 = arith.addi %while3A_62, %add3A_90 : i32
        %dma_start3A_92 = arith.constant 0 : i32
        %dma_start3A_93 = tpu.memref_slice %arg9[%add3A_91, %dma_start3A_92] : memref<80x128xf32, #tpu.memory_space<vmem>> -> memref<1x128xf32, #tpu.memory_space<vmem>>
        %dma_start3A_94 = tpu.memref_squeeze %dma_start3A_93 : memref<1x128xf32, #tpu.memory_space<vmem>> -> memref<128xf32, #tpu.memory_space<vmem>>
        %dma_start3A_95 = arith.constant 0 : i32
        %dma_start3A_96 = tpu.memref_slice %arg7[%add3A_89, %dma_start3A_95] : memref<80x128xi32, #tpu.memory_space<vmem>> -> memref<1x128xi32, #tpu.memory_space<vmem>>
        %dma_start3A_97 = tpu.memref_squeeze %dma_start3A_96 : memref<1x128xi32, #tpu.memory_space<vmem>> -> memref<128xi32, #tpu.memory_space<vmem>>
        %dma_start3A_98 = arith.constant 0 : i32
        %dma_start3A_99 = tpu.memref_slice %arg4[%dma_start3A_98] : memref<10000xf32, #tpu.memory_space<hbm>> -> memref<10000xf32, #tpu.memory_space<hbm>>
        tpu.enqueue_indirect_dma source(%dma_start3A_99 : memref<10000xf32, #tpu.memory_space<hbm>>) target(%dma_start3A_94 : memref<128xf32, #tpu.memory_space<vmem>>) offsets(%dma_start3A_97 : memref<128xi32, #tpu.memory_space<vmem>>) semaphore(%arg11 : memref<!tpu.dma_semaphore, #tpu.memory_space<semaphore_mem>>)
      } else {
      }
      %dma_wait3A = arith.constant 0 : i32
      %dma_wait3A_70 = arith.constant 0 : i32
      %dma_wait3A_71 = arith.constant 0 : i32
      %dma_wait3A_72 = tpu.memref_slice %arg9[%dma_wait3A_70, %dma_wait3A_71] : memref<80x128xf32, #tpu.memory_space<vmem>> -> memref<1x128xf32, #tpu.memory_space<vmem>>
      %dma_wait3A_73 = tpu.memref_squeeze %dma_wait3A_72 : memref<1x128xf32, #tpu.memory_space<vmem>> -> memref<128xf32, #tpu.memory_space<vmem>>
      %dma_wait3A_74 = arith.constant 0 : i32
      %dma_wait3A_75 = tpu.memref_slice %arg7[%dma_wait3A, %dma_wait3A_74] : memref<80x128xi32, #tpu.memory_space<vmem>> -> memref<1x128xi32, #tpu.memory_space<vmem>>
      %dma_wait3A_76 = tpu.memref_squeeze %dma_wait3A_75 : memref<1x128xi32, #tpu.memory_space<vmem>> -> memref<128xi32, #tpu.memory_space<vmem>>
      %dma_wait3A_77 = arith.constant 0 : i32
      %dma_wait3A_78 = tpu.memref_slice %arg4[%dma_wait3A_77] : memref<10000xf32, #tpu.memory_space<hbm>> -> memref<10000xf32, #tpu.memory_space<hbm>>
      tpu.wait_indirect_dma semaphore(%arg11 : memref<!tpu.dma_semaphore, #tpu.memory_space<semaphore_mem>>) src(%dma_wait3A_78 : memref<10000xf32, #tpu.memory_space<hbm>>) dst(%dma_wait3A_73 : memref<128xf32, #tpu.memory_space<vmem>>)
      %dma_start3A_79 = arith.constant 0 : i32
      %dma_start3A_80 = tpu.memref_slice %arg9[%while3A_62, %dma_start3A_79] : memref<80x128xf32, #tpu.memory_space<vmem>> -> memref<1x128xf32, #tpu.memory_space<vmem>>
      %dma_start3A_81 = tpu.memref_squeeze %dma_start3A_80 : memref<1x128xf32, #tpu.memory_space<vmem>> -> memref<128xf32, #tpu.memory_space<vmem>>
      %dma_start3A_82 = arith.constant 0 : i32
      %dma_start3A_83 = tpu.memref_slice %arg8[%while3A_62, %dma_start3A_82] : memref<80x128xi32, #tpu.memory_space<vmem>> -> memref<1x128xi32, #tpu.memory_space<vmem>>
      %dma_start3A_84 = tpu.memref_squeeze %dma_start3A_83 : memref<1x128xi32, #tpu.memory_space<vmem>> -> memref<128xi32, #tpu.memory_space<vmem>>
      %dma_start3A_85 = arith.constant 0 : i32
      %dma_start3A_86 = tpu.memref_slice %arg10[%dma_start3A_85] : memref<10240xf32, #tpu.memory_space<vmem_shared>> -> memref<10240xf32, #tpu.memory_space<vmem_shared>>
      tpu.enqueue_indirect_dma source(%dma_start3A_81 : memref<128xf32, #tpu.memory_space<vmem>>) target(%dma_start3A_86 : memref<10240xf32, #tpu.memory_space<vmem_shared>>) offsets(%dma_start3A_84 : memref<128xi32, #tpu.memory_space<vmem>>) semaphore(%arg12 : memref<!tpu.dma_semaphore, #tpu.memory_space<semaphore_mem>>) {add = true}
      %while3A_87 = arith.constant 0 : i32
      scf.yield %while3A_87 : i32
    }
    %while3A_40 = arith.constant 1 : i32
    %while3A_41 = scf.for %while3A_62 = %while3A_37 to %while3A_33 step %while3A_40 iter_args(%while3A_63 = %while3A_39) -> (i32)  : i32 {
      %add3A_64 = arith.constant 1 : i32
      %add3A_65 = arith.addi %while3A_62, %add3A_64 : i32
      %lt3A_66 = arith.cmpi slt, %add3A_65, %select_n3A_21 : i32
      %convert_element_type3A_67 = arith.extui %lt3A_66 : i1 to i32
      %cond3A_68 = arith.constant 0 : i32
      %cond3A_69 = arith.cmpi ne, %convert_element_type3A_67, %cond3A_68 : i32
      scf.if %cond3A_69 {
        %add3A_88 = arith.constant 1 : i32
        %add3A_89 = arith.addi %while3A_62, %add3A_88 : i32
        %add3A_90 = arith.constant 1 : i32
        %add3A_91 = arith.addi %while3A_62, %add3A_90 : i32
        %dma_start3A_92 = arith.constant 0 : i32
        %dma_start3A_93 = tpu.memref_slice %arg9[%add3A_91, %dma_start3A_92] : memref<80x128xf32, #tpu.memory_space<vmem>> -> memref<1x128xf32, #tpu.memory_space<vmem>>
        %dma_start3A_94 = tpu.memref_squeeze %dma_start3A_93 : memref<1x128xf32, #tpu.memory_space<vmem>> -> memref<128xf32, #tpu.memory_space<vmem>>
        %dma_start3A_95 = arith.constant 0 : i32
        %dma_start3A_96 = tpu.memref_slice %arg7[%add3A_89, %dma_start3A_95] : memref<80x128xi32, #tpu.memory_space<vmem>> -> memref<1x128xi32, #tpu.memory_space<vmem>>
        %dma_start3A_97 = tpu.memref_squeeze %dma_start3A_96 : memref<1x128xi32, #tpu.memory_space<vmem>> -> memref<128xi32, #tpu.memory_space<vmem>>
        %dma_start3A_98 = arith.constant 0 : i32
        %dma_start3A_99 = tpu.memref_slice %arg4[%dma_start3A_98] : memref<10000xf32, #tpu.memory_space<hbm>> -> memref<10000xf32, #tpu.memory_space<hbm>>
        tpu.enqueue_indirect_dma source(%dma_start3A_99 : memref<10000xf32, #tpu.memory_space<hbm>>) target(%dma_start3A_94 : memref<128xf32, #tpu.memory_space<vmem>>) offsets(%dma_start3A_97 : memref<128xi32, #tpu.memory_space<vmem>>) semaphore(%arg11 : memref<!tpu.dma_semaphore, #tpu.memory_space<semaphore_mem>>)
      } else {
      }
      %dma_wait3A = arith.constant 0 : i32
      %dma_wait3A_70 = arith.constant 0 : i32
      %dma_wait3A_71 = arith.constant 0 : i32
      %dma_wait3A_72 = tpu.memref_slice %arg9[%dma_wait3A_70, %dma_wait3A_71] : memref<80x128xf32, #tpu.memory_space<vmem>> -> memref<1x128xf32, #tpu.memory_space<vmem>>
      %dma_wait3A_73 = tpu.memref_squeeze %dma_wait3A_72 : memref<1x128xf32, #tpu.memory_space<vmem>> -> memref<128xf32, #tpu.memory_space<vmem>>
      %dma_wait3A_74 = arith.constant 0 : i32
      %dma_wait3A_75 = tpu.memref_slice %arg7[%dma_wait3A, %dma_wait3A_74] : memref<80x128xi32, #tpu.memory_space<vmem>> -> memref<1x128xi32, #tpu.memory_space<vmem>>
      %dma_wait3A_76 = tpu.memref_squeeze %dma_wait3A_75 : memref<1x128xi32, #tpu.memory_space<vmem>> -> memref<128xi32, #tpu.memory_space<vmem>>
      %dma_wait3A_77 = arith.constant 0 : i32
      %dma_wait3A_78 = tpu.memref_slice %arg4[%dma_wait3A_77] : memref<10000xf32, #tpu.memory_space<hbm>> -> memref<10000xf32, #tpu.memory_space<hbm>>
      tpu.wait_indirect_dma semaphore(%arg11 : memref<!tpu.dma_semaphore, #tpu.memory_space<semaphore_mem>>) src(%dma_wait3A_78 : memref<10000xf32, #tpu.memory_space<hbm>>) dst(%dma_wait3A_73 : memref<128xf32, #tpu.memory_space<vmem>>)
      %dma_start3A_79 = arith.constant 0 : i32
      %dma_start3A_80 = tpu.memref_slice %arg9[%while3A_62, %dma_start3A_79] : memref<80x128xf32, #tpu.memory_space<vmem>> -> memref<1x128xf32, #tpu.memory_space<vmem>>
      %dma_start3A_81 = tpu.memref_squeeze %dma_start3A_80 : memref<1x128xf32, #tpu.memory_space<vmem>> -> memref<128xf32, #tpu.memory_space<vmem>>
      %dma_start3A_82 = arith.constant 0 : i32
      %dma_start3A_83 = tpu.memref_slice %arg8[%while3A_62, %dma_start3A_82] : memref<80x128xi32, #tpu.memory_space<vmem>> -> memref<1x128xi32, #tpu.memory_space<vmem>>
      %dma_start3A_84 = tpu.memref_squeeze %dma_start3A_83 : memref<1x128xi32, #tpu.memory_space<vmem>> -> memref<128xi32, #tpu.memory_space<vmem>>
      %dma_start3A_85 = arith.constant 0 : i32
      %dma_start3A_86 = tpu.memref_slice %arg10[%dma_start3A_85] : memref<10240xf32, #tpu.memory_space<vmem_shared>> -> memref<10240xf32, #tpu.memory_space<vmem_shared>>
      tpu.enqueue_indirect_dma source(%dma_start3A_81 : memref<128xf32, #tpu.memory_space<vmem>>) target(%dma_start3A_86 : memref<10240xf32, #tpu.memory_space<vmem_shared>>) offsets(%dma_start3A_84 : memref<128xi32, #tpu.memory_space<vmem>>) semaphore(%arg12 : memref<!tpu.dma_semaphore, #tpu.memory_space<semaphore_mem>>) {add = true}
      %while3A_87 = arith.constant 0 : i32
      scf.yield %while3A_87 : i32
    }
    %while3A_42 = arith.constant 0 : i32
    %while3A_43 = arith.constant 0 : i32
    %while3A_44 = arith.subi %select_n3A_21, %while3A_42 : i32
    %while3A_45 = arith.addi %while3A_42, %while3A_44 : i32
    %while3A_46 = arith.constant 1 : i32
    %while3A_47 = arith.divsi %while3A_44, %while3A_46 : i32
    %while3A_48 = arith.muli %while3A_47, %while3A_46 : i32
    %while3A_49 = arith.addi %while3A_42, %while3A_48 : i32
    %while3A_50 = arith.constant 1 : i32
    %while3A_51 = scf.for %while3A_62 = %while3A_42 to %while3A_49 step %while3A_50 iter_args(%while3A_63 = %while3A_43) -> (i32)  : i32 {
      %dma_wait3A = arith.constant 0 : i32
      %dma_wait3A_64 = arith.constant 0 : i32
      %dma_wait3A_65 = arith.constant 0 : i32
      %dma_wait3A_66 = tpu.memref_slice %arg9[%dma_wait3A, %dma_wait3A_65] : memref<80x128xf32, #tpu.memory_space<vmem>> -> memref<1x128xf32, #tpu.memory_space<vmem>>
      %dma_wait3A_67 = tpu.memref_squeeze %dma_wait3A_66 : memref<1x128xf32, #tpu.memory_space<vmem>> -> memref<128xf32, #tpu.memory_space<vmem>>
      %dma_wait3A_68 = arith.constant 0 : i32
      %dma_wait3A_69 = tpu.memref_slice %arg8[%dma_wait3A_64, %dma_wait3A_68] : memref<80x128xi32, #tpu.memory_space<vmem>> -> memref<1x128xi32, #tpu.memory_space<vmem>>
      %dma_wait3A_70 = tpu.memref_squeeze %dma_wait3A_69 : memref<1x128xi32, #tpu.memory_space<vmem>> -> memref<128xi32, #tpu.memory_space<vmem>>
      %dma_wait3A_71 = arith.constant 0 : i32
      %dma_wait3A_72 = tpu.memref_slice %arg10[%dma_wait3A_71] : memref<10240xf32, #tpu.memory_space<vmem_shared>> -> memref<10240xf32, #tpu.memory_space<vmem_shared>>
      tpu.wait_indirect_dma semaphore(%arg12 : memref<!tpu.dma_semaphore, #tpu.memory_space<semaphore_mem>>) src(%dma_wait3A_67 : memref<128xf32, #tpu.memory_space<vmem>>) dst(%dma_wait3A_72 : memref<10240xf32, #tpu.memory_space<vmem_shared>>)
      %while3A_73 = arith.constant 0 : i32
      scf.yield %while3A_73 : i32
    }
    %while3A_52 = arith.constant 1 : i32
    %while3A_53 = scf.for %while3A_62 = %while3A_49 to %while3A_45 step %while3A_52 iter_args(%while3A_63 = %while3A_51) -> (i32)  : i32 {
      %dma_wait3A = arith.constant 0 : i32
      %dma_wait3A_64 = arith.constant 0 : i32
      %dma_wait3A_65 = arith.constant 0 : i32
      %dma_wait3A_66 = tpu.memref_slice %arg9[%dma_wait3A, %dma_wait3A_65] : memref<80x128xf32, #tpu.memory_space<vmem>> -> memref<1x128xf32, #tpu.memory_space<vmem>>
      %dma_wait3A_67 = tpu.memref_squeeze %dma_wait3A_66 : memref<1x128xf32, #tpu.memory_space<vmem>> -> memref<128xf32, #tpu.memory_space<vmem>>
      %dma_wait3A_68 = arith.constant 0 : i32
      %dma_wait3A_69 = tpu.memref_slice %arg8[%dma_wait3A_64, %dma_wait3A_68] : memref<80x128xi32, #tpu.memory_space<vmem>> -> memref<1x128xi32, #tpu.memory_space<vmem>>
      %dma_wait3A_70 = tpu.memref_squeeze %dma_wait3A_69 : memref<1x128xi32, #tpu.memory_space<vmem>> -> memref<128xi32, #tpu.memory_space<vmem>>
      %dma_wait3A_71 = arith.constant 0 : i32
      %dma_wait3A_72 = tpu.memref_slice %arg10[%dma_wait3A_71] : memref<10240xf32, #tpu.memory_space<vmem_shared>> -> memref<10240xf32, #tpu.memory_space<vmem_shared>>
      tpu.wait_indirect_dma semaphore(%arg12 : memref<!tpu.dma_semaphore, #tpu.memory_space<semaphore_mem>>) src(%dma_wait3A_67 : memref<128xf32, #tpu.memory_space<vmem>>) dst(%dma_wait3A_72 : memref<10240xf32, #tpu.memory_space<vmem_shared>>)
      %while3A_73 = arith.constant 0 : i32
      scf.yield %while3A_73 : i32
    }
    %barrier3A_54 = arith.constant 0 : index
    tpu.barrier barrier_id(%barrier3A_54)
    %mul3A_55 = arith.constant 640 : i32
    %mul3A_56 = arith.muli %arg1, %mul3A_55 : i32
    %mul3A_57 = arith.constant 10240 : i32
    %mul3A_58 = arith.muli %arg0, %mul3A_57 : i32
    %mul3A_59 = arith.constant 640 : i32
    %mul3A_60 = arith.muli %arg1, %mul3A_59 : i32
    %add3A_61 = arith.addi %mul3A_58, %mul3A_60 : i32
    "tpu.region"() ({
      %run_scoped3A = tpu.sem_alloc : memref<!tpu.dma_semaphore, #tpu.memory_space<semaphore_mem>>
      %dma_start3A_62 = tpu.memref_slice %arg6[%add3A_61] : memref<20480xf32, #tpu.memory_space<hbm>> -> memref<640xf32, #tpu.memory_space<hbm>>
      %dma_start3A_63 = tpu.memref_slice %arg10[%mul3A_56] : memref<10240xf32, #tpu.memory_space<vmem_shared>> -> memref<640xf32, #tpu.memory_space<vmem_shared>>
      tpu.enqueue_dma source(%dma_start3A_63 : memref<640xf32, #tpu.memory_space<vmem_shared>>) target(%dma_start3A_62 : memref<640xf32, #tpu.memory_space<hbm>>) target_semaphore(%run_scoped3A : memref<!tpu.dma_semaphore, #tpu.memory_space<semaphore_mem>>)
      %dma_wait3A = tpu.memref_slice %arg6[%add3A_61] : memref<20480xf32, #tpu.memory_space<hbm>> -> memref<640xf32, #tpu.memory_space<hbm>>
      %dma_wait3A_64 = tpu.memref_slice %arg10[%mul3A_56] : memref<10240xf32, #tpu.memory_space<vmem_shared>> -> memref<640xf32, #tpu.memory_space<vmem_shared>>
      tpu.wait_dma2 semaphore(%run_scoped3A : memref<!tpu.dma_semaphore, #tpu.memory_space<semaphore_mem>>) src(%dma_wait3A_64 : memref<640xf32, #tpu.memory_space<vmem_shared>>) dst(%dma_wait3A : memref<640xf32, #tpu.memory_space<hbm>>)
      tpu.yield
    }) : () -> ()
    return
  }
}

module attributes {stable_mosaic.version = 14 : i64} {
  func.func @_h1n_body(%arg0: memref<10000x128xf32, #tpu.memory_space<vmem>>, %arg1: memref<128x128xf32, #tpu.memory_space<vmem>>, %arg2: memref<10000x1xf32, #tpu.memory_space<vmem>>, %arg3: memref<10000x1xf32, #tpu.memory_space<vmem>>, %arg4: memref<10000x128xf32, #tpu.memory_space<vmem>>) attributes {dimension_semantics = [], scalar_prefetch = 0 : i64, scratch_operands = 0 : i64, tpu.core_type = #tpu.core_type<tc>} {
    %get3A = arith.constant 0 : index
    %get3A_0 = arith.constant 0 : index
    %get3A_1 = vector.load %arg2[%get3A, %get3A_0] : memref<10000x1xf32, #tpu.memory_space<vmem>>, vector<10000x1xf32>
    %get3A_2 = arith.constant 0 : index
    %get3A_3 = arith.constant 0 : index
    %get3A_4 = vector.load %arg3[%get3A_2, %get3A_3] : memref<10000x1xf32, #tpu.memory_space<vmem>>, vector<10000x1xf32>
    %add3A = arith.addf %get3A_1, %get3A_4 : vector<10000x1xf32>
    %gt3A = arith.constant 0.000000e+00 : f32
    %gt3A_5 = vector.broadcast %gt3A : f32 to vector<10000x1xf32>
    %gt3A_6 = arith.cmpf ogt, %add3A, %gt3A_5 : vector<10000x1xf32>
    %max3A = arith.constant 1.000000e+00 : f32
    %max3A_7 = vector.broadcast %max3A : f32 to vector<10000x1xf32>
    %max3A_8 = arith.maximumf %add3A, %max3A_7 : vector<10000x1xf32>
    %rsqrt3A = math.rsqrt %max3A_8 : vector<10000x1xf32>
    %jit3A = arith.constant 0.000000e+00 : f32
    %broadcast_in_dim3A = vector.broadcast %jit3A : f32 to vector<10000x1xf32>
    %select_n3A = arith.select %gt3A_6, %rsqrt3A, %broadcast_in_dim3A : vector<10000x1xi1>, vector<10000x1xf32>
    %get3A_9 = arith.constant 0 : index
    %get3A_10 = arith.constant 0 : index
    %get3A_11 = vector.load %arg0[%get3A_9, %get3A_10] : memref<10000x128xf32, #tpu.memory_space<vmem>>, vector<10000x128xf32>
    %get3A_12 = arith.constant 0 : index
    %get3A_13 = arith.constant 0 : index
    %get3A_14 = vector.load %arg1[%get3A_12, %get3A_13] : memref<128x128xf32, #tpu.memory_space<vmem>>, vector<128x128xf32>
    %dot_general3A = arith.constant dense<0.000000e+00> : vector<10000x128xf32>
    %dot_general3A_15 = tpu.matmul %get3A_11, %get3A_14, %dot_general3A {dimension_numbers = #tpu.dot_dimension_numbers<[1], [0], [0], [1], [0, 0, 1, 1], [], []>, transpose_lhs_hint = false} : vector<10000x128xf32>, vector<128x128xf32>, vector<10000x128xf32> -> vector<10000x128xf32>
    %mul3A = vector.broadcast %select_n3A : vector<10000x1xf32> to vector<10000x128xf32>
    %mul3A_16 = arith.mulf %dot_general3A_15, %mul3A : vector<10000x128xf32>
    %swap3A = arith.constant 0 : index
    %swap3A_17 = arith.constant 0 : index
    %swap3A_18 = vector.load %arg4[%swap3A, %swap3A_17] : memref<10000x128xf32, #tpu.memory_space<vmem>>, vector<10000x128xf32>
    tpu.vector_store %arg4[%swap3A, %swap3A_17], %mul3A_16 {strides = array<i32>} : memref<10000x128xf32, #tpu.memory_space<vmem>>, vector<10000x128xf32>,
    return
  }
}

module attributes {stable_mosaic.version = 14 : i64} {
  func.func @_hsn_body(%arg0: memref<10240x128xf32, #tpu.memory_space<vmem>>, %arg1: memref<10240x128xf32, #tpu.memory_space<vmem>>, %arg2: memref<10000x128xf32, #tpu.memory_space<vmem>>, %arg3: memref<10000x1xf32, #tpu.memory_space<vmem>>, %arg4: memref<10000x1xf32, #tpu.memory_space<vmem>>, %arg5: memref<10000x1xf32, #tpu.memory_space<vmem>>, %arg6: memref<10000x1xf32, #tpu.memory_space<vmem>>, %arg7: memref<1x128xf32, #tpu.memory_space<vmem>>, %arg8: memref<1x128xf32, #tpu.memory_space<vmem>>, %arg9: memref<1x128xf32, #tpu.memory_space<vmem>>, %arg10: memref<128x1xf32, #tpu.memory_space<vmem>>, %arg11: memref<10000x128xf32, #tpu.memory_space<vmem>>, %arg12: memref<10000x1xf32, #tpu.memory_space<vmem>>) attributes {dimension_semantics = [], scalar_prefetch = 0 : i64, scratch_operands = 0 : i64, tpu.core_type = #tpu.core_type<tc>} {
    %get3A = arith.constant 0 : index
    %get3A_0 = arith.constant 0 : index
    %get3A_1 = vector.load %arg0[%get3A, %get3A_0] : memref<10240x128xf32, #tpu.memory_space<vmem>>, vector<10000x128xf32>
    %get3A_2 = arith.constant 0 : index
    %get3A_3 = arith.constant 0 : index
    %get3A_4 = vector.load %arg1[%get3A_2, %get3A_3] : memref<10240x128xf32, #tpu.memory_space<vmem>>, vector<10000x128xf32>
    %add3A = arith.addf %get3A_1, %get3A_4 : vector<10000x128xf32>
    %get3A_5 = arith.constant 0 : index
    %get3A_6 = arith.constant 0 : index
    %get3A_7 = vector.load %arg3[%get3A_5, %get3A_6] : memref<10000x1xf32, #tpu.memory_space<vmem>>, vector<10000x1xf32>
    %get3A_8 = arith.constant 0 : index
    %get3A_9 = arith.constant 0 : index
    %get3A_10 = vector.load %arg4[%get3A_8, %get3A_9] : memref<10000x1xf32, #tpu.memory_space<vmem>>, vector<10000x1xf32>
    %add3A_11 = arith.addf %get3A_7, %get3A_10 : vector<10000x1xf32>
    %gt3A = arith.constant 0.000000e+00 : f32
    %gt3A_12 = vector.broadcast %gt3A : f32 to vector<10000x1xf32>
    %gt3A_13 = arith.cmpf ogt, %add3A_11, %gt3A_12 : vector<10000x1xf32>
    %max3A = arith.constant 1.000000e+00 : f32
    %max3A_14 = vector.broadcast %max3A : f32 to vector<10000x1xf32>
    %max3A_15 = arith.maximumf %add3A_11, %max3A_14 : vector<10000x1xf32>
    %rsqrt3A = math.rsqrt %max3A_15 : vector<10000x1xf32>
    %jit3A = arith.constant 0.000000e+00 : f32
    %broadcast_in_dim3A = vector.broadcast %jit3A : f32 to vector<10000x1xf32>
    %select_n3A = arith.select %gt3A_13, %rsqrt3A, %broadcast_in_dim3A : vector<10000x1xi1>, vector<10000x1xf32>
    %mul3A = vector.broadcast %select_n3A : vector<10000x1xf32> to vector<10000x128xf32>
    %mul3A_16 = arith.mulf %add3A, %mul3A : vector<10000x128xf32>
    %get3A_17 = arith.constant 0 : index
    %get3A_18 = arith.constant 0 : index
    %get3A_19 = vector.load %arg7[%get3A_17, %get3A_18] : memref<1x128xf32, #tpu.memory_space<vmem>>, vector<1x128xf32>
    %add3A_20 = vector.broadcast %get3A_19 : vector<1x128xf32> to vector<10000x128xf32>
    %add3A_21 = arith.addf %mul3A_16, %add3A_20 : vector<10000x128xf32>
    %reduce_sum3A = arith.constant dense<0.000000e+00> : vector<128xf32>
    %reduce_sum3A_22 = vector.multi_reduction <add>, %add3A_21, %reduce_sum3A [0] : vector<10000x128xf32> to vector<128xf32>
    %broadcast_in_dim3A_23 = vector.shape_cast %reduce_sum3A_22 : vector<128xf32> to vector<1x128xf32>
    %mul3A_24 = arith.constant 9.99999974E-5 : f32
    %mul3A_25 = vector.broadcast %mul3A_24 : f32 to vector<1x128xf32>
    %mul3A_26 = arith.mulf %broadcast_in_dim3A_23, %mul3A_25 : vector<1x128xf32>
    %sub3A = vector.broadcast %mul3A_26 : vector<1x128xf32> to vector<10000x128xf32>
    %sub3A_27 = arith.subf %add3A_21, %sub3A : vector<10000x128xf32>
    %mul3A_28 = arith.mulf %sub3A_27, %sub3A_27 : vector<10000x128xf32>
    %reduce_sum3A_29 = arith.constant dense<0.000000e+00> : vector<128xf32>
    %reduce_sum3A_30 = vector.multi_reduction <add>, %mul3A_28, %reduce_sum3A_29 [0] : vector<10000x128xf32> to vector<128xf32>
    %broadcast_in_dim3A_31 = vector.shape_cast %reduce_sum3A_30 : vector<128xf32> to vector<1x128xf32>
    %mul3A_32 = arith.constant 9.99999974E-5 : f32
    %mul3A_33 = vector.broadcast %mul3A_32 : f32 to vector<1x128xf32>
    %mul3A_34 = arith.mulf %broadcast_in_dim3A_31, %mul3A_33 : vector<1x128xf32>
    %add3A_35 = arith.constant 9.99999974E-6 : f32
    %add3A_36 = vector.broadcast %add3A_35 : f32 to vector<1x128xf32>
    %add3A_37 = arith.addf %mul3A_34, %add3A_36 : vector<1x128xf32>
    %rsqrt3A_38 = math.rsqrt %add3A_37 : vector<1x128xf32>
    %mul3A_39 = vector.broadcast %rsqrt3A_38 : vector<1x128xf32> to vector<10000x128xf32>
    %mul3A_40 = arith.mulf %sub3A_27, %mul3A_39 : vector<10000x128xf32>
    %get3A_41 = arith.constant 0 : index
    %get3A_42 = arith.constant 0 : index
    %get3A_43 = vector.load %arg8[%get3A_41, %get3A_42] : memref<1x128xf32, #tpu.memory_space<vmem>>, vector<1x128xf32>
    %mul3A_44 = vector.broadcast %get3A_43 : vector<1x128xf32> to vector<10000x128xf32>
    %mul3A_45 = arith.mulf %mul3A_40, %mul3A_44 : vector<10000x128xf32>
    %get3A_46 = arith.constant 0 : index
    %get3A_47 = arith.constant 0 : index
    %get3A_48 = vector.load %arg9[%get3A_46, %get3A_47] : memref<1x128xf32, #tpu.memory_space<vmem>>, vector<1x128xf32>
    %add3A_49 = vector.broadcast %get3A_48 : vector<1x128xf32> to vector<10000x128xf32>
    %add3A_50 = arith.addf %mul3A_45, %add3A_49 : vector<10000x128xf32>
    %get3A_51 = arith.constant 0 : index
    %get3A_52 = arith.constant 0 : index
    %get3A_53 = vector.load %arg2[%get3A_51, %get3A_52] : memref<10000x128xf32, #tpu.memory_space<vmem>>, vector<10000x128xf32>
    %max3A_54 = arith.constant 0.000000e+00 : f32
    %max3A_55 = vector.broadcast %max3A_54 : f32 to vector<10000x128xf32>
    %max3A_56 = arith.maximumf %add3A_50, %max3A_55 : vector<10000x128xf32>
    %add3A_57 = arith.addf %get3A_53, %max3A_56 : vector<10000x128xf32>
    %swap3A = arith.constant 0 : index
    %swap3A_58 = arith.constant 0 : index
    %swap3A_59 = vector.load %arg11[%swap3A, %swap3A_58] : memref<10000x128xf32, #tpu.memory_space<vmem>>, vector<10000x128xf32>
    tpu.vector_store %arg11[%swap3A, %swap3A_58], %add3A_57 {strides = array<i32>} : memref<10000x128xf32, #tpu.memory_space<vmem>>, vector<10000x128xf32>,
    %get3A_60 = arith.constant 0 : index
    %get3A_61 = arith.constant 0 : index
    %get3A_62 = vector.load %arg5[%get3A_60, %get3A_61] : memref<10000x1xf32, #tpu.memory_space<vmem>>, vector<10000x1xf32>
    %get3A_63 = arith.constant 0 : index
    %get3A_64 = arith.constant 0 : index
    %get3A_65 = vector.load %arg6[%get3A_63, %get3A_64] : memref<10000x1xf32, #tpu.memory_space<vmem>>, vector<10000x1xf32>
    %add3A_66 = arith.addf %get3A_62, %get3A_65 : vector<10000x1xf32>
    %gt3A_67 = arith.constant 0.000000e+00 : f32
    %gt3A_68 = vector.broadcast %gt3A_67 : f32 to vector<10000x1xf32>
    %gt3A_69 = arith.cmpf ogt, %add3A_66, %gt3A_68 : vector<10000x1xf32>
    %max3A_70 = arith.constant 1.000000e+00 : f32
    %max3A_71 = vector.broadcast %max3A_70 : f32 to vector<10000x1xf32>
    %max3A_72 = arith.maximumf %add3A_66, %max3A_71 : vector<10000x1xf32>
    %rsqrt3A_73 = math.rsqrt %max3A_72 : vector<10000x1xf32>
    %jit3A_74 = arith.constant 0.000000e+00 : f32
    %broadcast_in_dim3A_75 = vector.broadcast %jit3A_74 : f32 to vector<10000x1xf32>
    %select_n3A_76 = arith.select %gt3A_69, %rsqrt3A_73, %broadcast_in_dim3A_75 : vector<10000x1xi1>, vector<10000x1xf32>
    %get3A_77 = arith.constant 0 : index
    %get3A_78 = arith.constant 0 : index
    %get3A_79 = vector.load %arg10[%get3A_77, %get3A_78] : memref<128x1xf32, #tpu.memory_space<vmem>>, vector<128x1xf32>
    %dot_general3A = arith.constant dense<0.000000e+00> : vector<10000x1xf32>
    %dot_general3A_80 = tpu.matmul %add3A_57, %get3A_79, %dot_general3A {dimension_numbers = #tpu.dot_dimension_numbers<[1], [0], [0], [1], [0, 0, 1, 1], [], []>, transpose_lhs_hint = false} : vector<10000x128xf32>, vector<128x1xf32>, vector<10000x1xf32> -> vector<10000x1xf32>
    %mul3A_81 = arith.mulf %dot_general3A_80, %select_n3A_76 : vector<10000x1xf32>
    %swap3A_82 = arith.constant 0 : index
    %swap3A_83 = arith.constant 0 : index
    %swap3A_84 = vector.load %arg12[%swap3A_82, %swap3A_83] : memref<10000x1xf32, #tpu.memory_space<vmem>>, vector<10000x1xf32>
    tpu.vector_store %arg12[%swap3A_82, %swap3A_83], %mul3A_81 {strides = array<i32>} : memref<10000x1xf32, #tpu.memory_space<vmem>>, vector<10000x1xf32>,
    return
  }
}

module attributes {stable_mosaic.version = 14 : i64} {
  func.func @_sel_body(%arg0: memref<80x128xf32, #tpu.memory_space<vmem>>, %arg1: memref<80x128xf32, #tpu.memory_space<vmem>>, %arg2: memref<80x128xf32, #tpu.memory_space<vmem>>, %arg3: memref<80x128xf32, #tpu.memory_space<vmem>>, %arg4: memref<1x1xf32, #tpu.memory_space<vmem>>, %arg5: memref<80x128xf32, #tpu.memory_space<vmem>>, %arg6: memref<80x128xf32, #tpu.memory_space<vmem>>, %arg7: memref<80x128xf32, #tpu.memory_space<vmem>>) attributes {dimension_semantics = [], scalar_prefetch = 0 : i64, scratch_operands = 0 : i64, tpu.core_type = #tpu.core_type<tc>} {
    %get3A = arith.constant 0 : index
    %get3A_0 = arith.constant 0 : index
    %get3A_1 = vector.load %arg2[%get3A, %get3A_0] : memref<80x128xf32, #tpu.memory_space<vmem>>, vector<80x128xf32>
    %get3A_2 = arith.constant 0 : index
    %get3A_3 = arith.constant 0 : index
    %get3A_4 = vector.load %arg3[%get3A_2, %get3A_3] : memref<80x128xf32, #tpu.memory_space<vmem>>, vector<80x128xf32>
    %add3A = arith.addf %get3A_1, %get3A_4 : vector<80x128xf32>
    %gt3A = arith.constant 0.000000e+00 : f32
    %gt3A_5 = vector.broadcast %gt3A : f32 to vector<80x128xf32>
    %gt3A_6 = arith.cmpf ogt, %add3A, %gt3A_5 : vector<80x128xf32>
    %max3A = arith.constant 1.000000e+00 : f32
    %max3A_7 = vector.broadcast %max3A : f32 to vector<80x128xf32>
    %max3A_8 = arith.maximumf %add3A, %max3A_7 : vector<80x128xf32>
    %rsqrt3A = math.rsqrt %max3A_8 : vector<80x128xf32>
    %jit3A = arith.constant 0.000000e+00 : f32
    %broadcast_in_dim3A = vector.broadcast %jit3A : f32 to vector<80x128xf32>
    %select_n3A = arith.select %gt3A_6, %rsqrt3A, %broadcast_in_dim3A : vector<80x128xi1>, vector<80x128xf32>
    %get3A_9 = arith.constant 0 : index
    %get3A_10 = arith.constant 0 : index
    %get3A_11 = vector.load %arg0[%get3A_9, %get3A_10] : memref<80x128xf32, #tpu.memory_space<vmem>>, vector<80x128xf32>
    %get3A_12 = arith.constant 0 : index
    %get3A_13 = arith.constant 0 : index
    %get3A_14 = vector.load %arg1[%get3A_12, %get3A_13] : memref<80x128xf32, #tpu.memory_space<vmem>>, vector<80x128xf32>
    %add3A_15 = arith.addf %get3A_11, %get3A_14 : vector<80x128xf32>
    %mul3A = arith.mulf %add3A_15, %select_n3A : vector<80x128xf32>
    %get3A_16 = arith.constant 0 : index
    %get3A_17 = arith.constant 0 : index
    %get3A_18 = vector.load %arg4[%get3A_16, %get3A_17] : memref<1x1xf32, #tpu.memory_space<vmem>>, vector<1x1xf32>
    %get3A_19 = vector.extract %get3A_18[0, 0] : f32 from vector<1x1xf32>
    %add3A_20 = vector.broadcast %get3A_19 : f32 to vector<80x128xf32>
    %add3A_21 = arith.addf %mul3A, %add3A_20 : vector<80x128xf32>
    %iota3A = tpu.iota {dimensions = array<i32: 0>} : vector<80x128xi32>
    %iota3A_22 = tpu.iota {dimensions = array<i32: 1>} : vector<80x128xi32>
    %mul3A_23 = arith.constant 128 : i32
    %mul3A_24 = vector.broadcast %mul3A_23 : i32 to vector<80x128xi32>
    %mul3A_25 = arith.muli %iota3A, %mul3A_24 : vector<80x128xi32>
    %add3A_26 = arith.addi %mul3A_25, %iota3A_22 : vector<80x128xi32>
    %lt3A = arith.constant 10000 : i32
    %lt3A_27 = vector.broadcast %lt3A : i32 to vector<80x128xi32>
    %lt3A_28 = arith.cmpi slt, %add3A_26, %lt3A_27 : vector<80x128xi32>
    %bitcast_convert_type3A = tpu.bitcast %add3A_21 : vector<80x128xf32> -> vector<80x128xi32>
    %ge3A = arith.constant 0 : i32
    %ge3A_29 = vector.broadcast %ge3A : i32 to vector<80x128xi32>
    %ge3A_30 = arith.cmpi sge, %bitcast_convert_type3A, %ge3A_29 : vector<80x128xi32>
    %xor3A = arith.constant 2147483647 : i32
    %xor3A_31 = vector.broadcast %xor3A : i32 to vector<80x128xi32>
    %xor3A_32 = arith.xori %bitcast_convert_type3A, %xor3A_31 : vector<80x128xi32>
    %select_n3A_33 = arith.select %ge3A_30, %bitcast_convert_type3A, %xor3A_32 : vector<80x128xi1>, vector<80x128xi32>
    %jit3A_34 = arith.constant -2147483648 : i32
    %broadcast_in_dim3A_35 = vector.broadcast %jit3A_34 : i32 to vector<80x128xi32>
    %select_n3A_36 = arith.select %lt3A_28, %select_n3A_33, %broadcast_in_dim3A_35 : vector<80x128xi1>, vector<80x128xi32>
    %scan3A = arith.constant -2147483648 : i32
    %scan3A_37 = arith.constant 0 : i32
    %scan3A_38 = arith.constant 0 : i32
    %scan3A_39 = arith.constant 32 : i32
    %scan3A_40 = arith.addi %scan3A_38, %scan3A_39 : i32
    %scan3A_41 = arith.constant 1 : i32
    %scan3A_42 = scf.for %scan3A_88 = %scan3A_38 to %scan3A_40 step %scan3A_41 iter_args(%scan3A_89 = %scan3A_37) -> (i32)  : i32 {
      %sub3A_90 = arith.constant 31 : i32
      %sub3A_91 = arith.subi %sub3A_90, %scan3A_88 : i32
      %shift_left3A = arith.constant 1 : i32
      %shift_left3A_92 = arith.shli %shift_left3A, %sub3A_91 : i32
      %or3A_93 = arith.ori %scan3A_89, %shift_left3A_92 : i32
      %xor3A_94 = arith.xori %or3A_93, %scan3A : i32
      %ge3A_95 = vector.broadcast %xor3A_94 : i32 to vector<80x128xi32>
      %ge3A_96 = arith.cmpi sge, %select_n3A_36, %ge3A_95 : vector<80x128xi32>
      %jit3A_97 = arith.constant 1 : i32
      %jit3A_98 = arith.constant 0 : i32
      %broadcast_in_dim3A_99 = vector.broadcast %jit3A_97 : i32 to vector<80x128xi32>
      %broadcast_in_dim3A_100 = vector.broadcast %jit3A_98 : i32 to vector<80x128xi32>
      %select_n3A_101 = arith.select %ge3A_96, %broadcast_in_dim3A_99, %broadcast_in_dim3A_100 : vector<80x128xi1>, vector<80x128xi32>
      %reduce_sum3A_102 = vector.shape_cast %select_n3A_101 : vector<80x128xi32> to vector<1x80x128xi32>
      %reduce_sum3A_103 = arith.constant dense<0> : vector<1xi32>
      %reduce_sum3A_104 = vector.multi_reduction <add>, %reduce_sum3A_102, %reduce_sum3A_103 [1, 2] : vector<1x80x128xi32> to vector<1xi32>
      %reduce_sum3A_105 = vector.shape_cast %reduce_sum3A_104 : vector<1xi32> to vector<1x1x1xi32>
      %reduce_sum3A_106 = vector.extract %reduce_sum3A_105[0, 0, 0] : i32 from vector<1x1x1xi32>
      %ge3A_107 = arith.constant 5000 : i32
      %ge3A_108 = arith.cmpi sge, %reduce_sum3A_106, %ge3A_107 : i32
      %select_n3A_109 = arith.select %ge3A_108, %or3A_93, %scan3A_89 : i32
      scf.yield %select_n3A_109 : i32
    }
    %scan3A_43 = arith.constant 32 : i32
    %xor3A_44 = arith.constant -2147483648 : i32
    %xor3A_45 = arith.xori %scan3A_42, %xor3A_44 : i32
    %gt3A_46 = vector.broadcast %xor3A_45 : i32 to vector<80x128xi32>
    %gt3A_47 = arith.cmpi sgt, %select_n3A_36, %gt3A_46 : vector<80x128xi32>
    %jit3A_48 = arith.constant 1 : i32
    %jit3A_49 = arith.constant 0 : i32
    %broadcast_in_dim3A_50 = vector.broadcast %jit3A_48 : i32 to vector<80x128xi32>
    %broadcast_in_dim3A_51 = vector.broadcast %jit3A_49 : i32 to vector<80x128xi32>
    %select_n3A_52 = arith.select %gt3A_47, %broadcast_in_dim3A_50, %broadcast_in_dim3A_51 : vector<80x128xi1>, vector<80x128xi32>
    %reduce_sum3A = vector.shape_cast %select_n3A_52 : vector<80x128xi32> to vector<1x80x128xi32>
    %reduce_sum3A_53 = arith.constant dense<0> : vector<1xi32>
    %reduce_sum3A_54 = vector.multi_reduction <add>, %reduce_sum3A, %reduce_sum3A_53 [1, 2] : vector<1x80x128xi32> to vector<1xi32>
    %reduce_sum3A_55 = vector.shape_cast %reduce_sum3A_54 : vector<1xi32> to vector<1x1x1xi32>
    %reduce_sum3A_56 = vector.extract %reduce_sum3A_55[0, 0, 0] : i32 from vector<1x1x1xi32>
    %sub3A = arith.constant 5000 : i32
    %sub3A_57 = arith.subi %sub3A, %reduce_sum3A_56 : i32
    %eq3A = vector.broadcast %xor3A_45 : i32 to vector<80x128xi32>
    %eq3A_58 = arith.cmpi eq, %select_n3A_36, %eq3A : vector<80x128xi32>
    %scan3A_59 = arith.constant 0 : i32
    %scan3A_60 = arith.constant 0 : i32
    %scan3A_61 = arith.constant 14 : i32
    %scan3A_62 = arith.addi %scan3A_60, %scan3A_61 : i32
    %scan3A_63 = arith.constant 1 : i32
    %scan3A_64 = scf.for %scan3A_88 = %scan3A_60 to %scan3A_62 step %scan3A_63 iter_args(%scan3A_89 = %scan3A_59) -> (i32)  : i32 {
      %sub3A_90 = arith.constant 13 : i32
      %sub3A_91 = arith.subi %sub3A_90, %scan3A_88 : i32
      %shift_left3A = arith.constant 1 : i32
      %shift_left3A_92 = arith.shli %shift_left3A, %sub3A_91 : i32
      %add3A_93 = arith.addi %scan3A_89, %shift_left3A_92 : i32
      %sub3A_94 = arith.constant 1 : i32
      %sub3A_95 = arith.subi %add3A_93, %sub3A_94 : i32
      %le3A_96 = vector.broadcast %sub3A_95 : i32 to vector<80x128xi32>
      %le3A_97 = arith.cmpi sle, %add3A_26, %le3A_96 : vector<80x128xi32>
      %and3A_98 = arith.andi %eq3A_58, %le3A_97 : vector<80x128xi1>
      %jit3A_99 = arith.constant 1 : i32
      %jit3A_100 = arith.constant 0 : i32
      %broadcast_in_dim3A_101 = vector.broadcast %jit3A_99 : i32 to vector<80x128xi32>
      %broadcast_in_dim3A_102 = vector.broadcast %jit3A_100 : i32 to vector<80x128xi32>
      %select_n3A_103 = arith.select %and3A_98, %broadcast_in_dim3A_101, %broadcast_in_dim3A_102 : vector<80x128xi1>, vector<80x128xi32>
      %reduce_sum3A_104 = vector.shape_cast %select_n3A_103 : vector<80x128xi32> to vector<1x80x128xi32>
      %reduce_sum3A_105 = arith.constant dense<0> : vector<1xi32>
      %reduce_sum3A_106 = vector.multi_reduction <add>, %reduce_sum3A_104, %reduce_sum3A_105 [1, 2] : vector<1x80x128xi32> to vector<1xi32>
      %reduce_sum3A_107 = vector.shape_cast %reduce_sum3A_106 : vector<1xi32> to vector<1x1x1xi32>
      %reduce_sum3A_108 = vector.extract %reduce_sum3A_107[0, 0, 0] : i32 from vector<1x1x1xi32>
      %ge3A_109 = arith.cmpi sge, %reduce_sum3A_108, %sub3A_57 : i32
      %shift_left3A_110 = arith.constant 1 : i32
      %shift_left3A_111 = arith.shli %shift_left3A_110, %sub3A_91 : i32
      %add3A_112 = arith.addi %scan3A_89, %shift_left3A_111 : i32
      %select_n3A_113 = arith.select %ge3A_109, %scan3A_89, %add3A_112 : i32
      scf.yield %select_n3A_113 : i32
    }
    %scan3A_65 = arith.constant 14 : i32
    %gt3A_66 = vector.broadcast %xor3A_45 : i32 to vector<80x128xi32>
    %gt3A_67 = arith.cmpi sgt, %select_n3A_36, %gt3A_66 : vector<80x128xi32>
    %le3A = vector.broadcast %scan3A_64 : i32 to vector<80x128xi32>
    %le3A_68 = arith.cmpi sle, %add3A_26, %le3A : vector<80x128xi32>
    %and3A = arith.andi %eq3A_58, %le3A_68 : vector<80x128xi1>
    %or3A = arith.ori %gt3A_67, %and3A : vector<80x128xi1>
    %tanh3A = math.tanh %add3A_21 : vector<80x128xf32>
    %jit3A_69 = arith.constant 0.000000e+00 : f32
    %broadcast_in_dim3A_70 = vector.broadcast %jit3A_69 : f32 to vector<80x128xf32>
    %select_n3A_71 = arith.select %or3A, %tanh3A, %broadcast_in_dim3A_70 : vector<80x128xi1>, vector<80x128xf32>
    %swap3A = arith.constant 0 : index
    %swap3A_72 = arith.constant 0 : index
    %swap3A_73 = vector.load %arg6[%swap3A, %swap3A_72] : memref<80x128xf32, #tpu.memory_space<vmem>>, vector<80x128xf32>
    tpu.vector_store %arg6[%swap3A, %swap3A_72], %select_n3A_71 {strides = array<i32>} : memref<80x128xf32, #tpu.memory_space<vmem>>, vector<80x128xf32>,
    %mul3A_74 = arith.constant 2.000000e-04 : f32
    %mul3A_75 = vector.broadcast %mul3A_74 : f32 to vector<80x128xf32>
    %mul3A_76 = arith.mulf %select_n3A_71, %mul3A_75 : vector<80x128xf32>
    %swap3A_77 = arith.constant 0 : index
    %swap3A_78 = arith.constant 0 : index
    %swap3A_79 = vector.load %arg5[%swap3A_77, %swap3A_78] : memref<80x128xf32, #tpu.memory_space<vmem>>, vector<80x128xf32>
    tpu.vector_store %arg5[%swap3A_77, %swap3A_78], %mul3A_76 {strides = array<i32>} : memref<80x128xf32, #tpu.memory_space<vmem>>, vector<80x128xf32>,
    %jit3A_80 = arith.constant 1.000000e+00 : f32
    %jit3A_81 = arith.constant 0.000000e+00 : f32
    %broadcast_in_dim3A_82 = vector.broadcast %jit3A_80 : f32 to vector<80x128xf32>
    %broadcast_in_dim3A_83 = vector.broadcast %jit3A_81 : f32 to vector<80x128xf32>
    %select_n3A_84 = arith.select %or3A, %broadcast_in_dim3A_82, %broadcast_in_dim3A_83 : vector<80x128xi1>, vector<80x128xf32>
    %swap3A_85 = arith.constant 0 : index
    %swap3A_86 = arith.constant 0 : index
    %swap3A_87 = vector.load %arg7[%swap3A_85, %swap3A_86] : memref<80x128xf32, #tpu.memory_space<vmem>>, vector<80x128xf32>
    tpu.vector_store %arg7[%swap3A_85, %swap3A_86], %select_n3A_84 {strides = array<i32>} : memref<80x128xf32, #tpu.memory_space<vmem>>, vector<80x128xf32>,
    return
  }
}

module attributes {stable_mosaic.version = 14 : i64} {
  func.func @_readout_body(%arg0: memref<10000x128xf32, #tpu.memory_space<vmem>>, %arg1: memref<10000x1xf32, #tpu.memory_space<vmem>>, %arg2: memref<10000x1xf32, #tpu.memory_space<vmem>>, %arg3: memref<10000x1xf32, #tpu.memory_space<vmem>>, %arg4: memref<256x128xf32, #tpu.memory_space<vmem>>, %arg5: memref<1x128xf32, #tpu.memory_space<vmem>>, %arg6: memref<128x64xf32, #tpu.memory_space<vmem>>, %arg7: memref<1x64xf32, #tpu.memory_space<vmem>>, %arg8: memref<64x10xf32, #tpu.memory_space<vmem>>, %arg9: memref<1x10xf32, #tpu.memory_space<vmem>>, %arg10: memref<1x10xf32, #tpu.memory_space<vmem>>) attributes {dimension_semantics = [], scalar_prefetch = 0 : i64, scratch_operands = 0 : i64, tpu.core_type = #tpu.core_type<tc>} {
    %get3A = arith.constant 0 : index
    %get3A_0 = arith.constant 0 : index
    %get3A_1 = vector.load %arg0[%get3A, %get3A_0] : memref<10000x128xf32, #tpu.memory_space<vmem>>, vector<10000x128xf32>
    %get3A_2 = arith.constant 0 : index
    %get3A_3 = arith.constant 0 : index
    %get3A_4 = vector.load %arg1[%get3A_2, %get3A_3] : memref<10000x1xf32, #tpu.memory_space<vmem>>, vector<10000x1xf32>
    %dot_general3A = arith.constant dense<0.000000e+00> : vector<1x128xf32>
    %dot_general3A_5 = tpu.matmul %get3A_4, %get3A_1, %dot_general3A {dimension_numbers = #tpu.dot_dimension_numbers<[0], [0], [1], [1], [0, 1, 1, 1], [], []>, transpose_lhs_hint = false} : vector<10000x1xf32>, vector<10000x128xf32>, vector<1x128xf32> -> vector<1x128xf32>
    %get3A_6 = arith.constant 0 : index
    %get3A_7 = arith.constant 0 : index
    %get3A_8 = vector.load %arg3[%get3A_6, %get3A_7] : memref<10000x1xf32, #tpu.memory_space<vmem>>, vector<10000x1xf32>
    %gt3A = arith.constant 0.000000e+00 : f32
    %gt3A_9 = vector.broadcast %gt3A : f32 to vector<10000x1xf32>
    %gt3A_10 = arith.cmpf ogt, %get3A_8, %gt3A_9 : vector<10000x1xf32>
    %get3A_11 = arith.constant 0 : index
    %get3A_12 = arith.constant 0 : index
    %get3A_13 = vector.load %arg2[%get3A_11, %get3A_12] : memref<10000x1xf32, #tpu.memory_space<vmem>>, vector<10000x1xf32>
    %mul3A = vector.broadcast %get3A_13 : vector<10000x1xf32> to vector<10000x128xf32>
    %mul3A_14 = arith.mulf %get3A_1, %mul3A : vector<10000x128xf32>
    %jit3A = arith.constant -3.000000e+38 : f32
    %broadcast_in_dim3A = vector.shape_cast %gt3A_10 : vector<10000x1xi1> to vector<10000x1xi1>
    %broadcast_in_dim3A_15 = vector.broadcast %broadcast_in_dim3A : vector<10000x1xi1> to vector<10000x128xi1>
    %broadcast_in_dim3A_16 = vector.broadcast %jit3A : f32 to vector<10000x128xf32>
    %select_n3A = arith.select %broadcast_in_dim3A_15, %mul3A_14, %broadcast_in_dim3A_16 : vector<10000x128xi1>, vector<10000x128xf32>
    %reduce_max3A = arith.constant dense<0xFF800000> : vector<128xf32>
    %reduce_max3A_17 = vector.multi_reduction <maximumf>, %select_n3A, %reduce_max3A [0] : vector<10000x128xf32> to vector<128xf32>
    %broadcast_in_dim3A_18 = vector.shape_cast %reduce_max3A_17 : vector<128xf32> to vector<1x128xf32>
    %concatenate3A = tpu.concatenate %dot_general3A_5, %broadcast_in_dim3A_18 in 1 : vector<1x128xf32>, vector<1x128xf32> -> vector<1x256xf32>
    %get3A_19 = arith.constant 0 : index
    %get3A_20 = arith.constant 0 : index
    %get3A_21 = vector.load %arg4[%get3A_19, %get3A_20] : memref<256x128xf32, #tpu.memory_space<vmem>>, vector<256x128xf32>
    %dot_general3A_22 = arith.constant dense<0.000000e+00> : vector<1x128xf32>
    %dot_general3A_23 = tpu.matmul %concatenate3A, %get3A_21, %dot_general3A_22 {dimension_numbers = #tpu.dot_dimension_numbers<[1], [0], [0], [1], [0, 0, 1, 1], [], []>, transpose_lhs_hint = false} : vector<1x256xf32>, vector<256x128xf32>, vector<1x128xf32> -> vector<1x128xf32>
    %get3A_24 = arith.constant 0 : index
    %get3A_25 = arith.constant 0 : index
    %get3A_26 = vector.load %arg5[%get3A_24, %get3A_25] : memref<1x128xf32, #tpu.memory_space<vmem>>, vector<1x128xf32>
    %add3A = arith.addf %dot_general3A_23, %get3A_26 : vector<1x128xf32>
    %max3A = arith.constant 0.000000e+00 : f32
    %max3A_27 = vector.broadcast %max3A : f32 to vector<1x128xf32>
    %max3A_28 = arith.maximumf %add3A, %max3A_27 : vector<1x128xf32>
    %get3A_29 = arith.constant 0 : index
    %get3A_30 = arith.constant 0 : index
    %get3A_31 = vector.load %arg6[%get3A_29, %get3A_30] : memref<128x64xf32, #tpu.memory_space<vmem>>, vector<128x64xf32>
    %dot_general3A_32 = arith.constant dense<0.000000e+00> : vector<1x64xf32>
    %dot_general3A_33 = tpu.matmul %max3A_28, %get3A_31, %dot_general3A_32 {dimension_numbers = #tpu.dot_dimension_numbers<[1], [0], [0], [1], [0, 0, 1, 1], [], []>, transpose_lhs_hint = false} : vector<1x128xf32>, vector<128x64xf32>, vector<1x64xf32> -> vector<1x64xf32>
    %get3A_34 = arith.constant 0 : index
    %get3A_35 = arith.constant 0 : index
    %get3A_36 = vector.load %arg7[%get3A_34, %get3A_35] : memref<1x64xf32, #tpu.memory_space<vmem>>, vector<1x64xf32>
    %add3A_37 = arith.addf %dot_general3A_33, %get3A_36 : vector<1x64xf32>
    %max3A_38 = arith.constant 0.000000e+00 : f32
    %max3A_39 = vector.broadcast %max3A_38 : f32 to vector<1x64xf32>
    %max3A_40 = arith.maximumf %add3A_37, %max3A_39 : vector<1x64xf32>
    %get3A_41 = arith.constant 0 : index
    %get3A_42 = arith.constant 0 : index
    %get3A_43 = vector.load %arg8[%get3A_41, %get3A_42] : memref<64x10xf32, #tpu.memory_space<vmem>>, vector<64x10xf32>
    %dot_general3A_44 = arith.constant dense<0.000000e+00> : vector<1x10xf32>
    %dot_general3A_45 = tpu.matmul %max3A_40, %get3A_43, %dot_general3A_44 {dimension_numbers = #tpu.dot_dimension_numbers<[1], [0], [0], [1], [0, 0, 1, 1], [], []>, transpose_lhs_hint = false} : vector<1x64xf32>, vector<64x10xf32>, vector<1x10xf32> -> vector<1x10xf32>
    %get3A_46 = arith.constant 0 : index
    %get3A_47 = arith.constant 0 : index
    %get3A_48 = vector.load %arg9[%get3A_46, %get3A_47] : memref<1x10xf32, #tpu.memory_space<vmem>>, vector<1x10xf32>
    %add3A_49 = arith.addf %dot_general3A_45, %get3A_48 : vector<1x10xf32>
    %swap3A = arith.constant 0 : index
    %swap3A_50 = arith.constant 0 : index
    %swap3A_51 = vector.load %arg10[%swap3A, %swap3A_50] : memref<1x10xf32, #tpu.memory_space<vmem>>, vector<1x10xf32>
    tpu.vector_store %arg10[%swap3A, %swap3A_50], %add3A_49 {strides = array<i32>} : memref<1x10xf32, #tpu.memory_space<vmem>>, vector<1x10xf32>,
    return
  }
}

</mosaic_0001>

<sc_bundles>
// kernel: kernel.12.cloned.1.call-start
scs
__scs_entry_jumppad:
0x0: {  	(pc) =	sbr.rel $0x88, $3  }
0x1: {  	(tag) =	ssettag $0x0;
	lr =	simm.s32 $0x1  }
0x2: {  	[smem:$0x3F93] =	sst lr;
	_ =	strace $0xD0000000  }
0x3: {  	_ = 	snop  }
0x4: {  	_ = 	snop  }
0x5: {  	_ = 	snop  }
0x6: {  	_ = 	snop  }
0x7: {  	_ = 	snop  }
__scs_overlays_trampoline_lowered:
0x8: {  	[smem:$0x3FA2] =	sst s0  }
0x9: {  	[smem:$0x3FA3] =	sst s1  }
0xa: {  	[smem:$0x3FA4] =	sst s2  }
0xb: {  	[smem:$0x3FA5] =	sst s3  }
0xc: {  	[smem:$0x3FA6] =	sst s4  }
0xd: {  	[smem:$0x3FA7] =	sst s5  }
0xe: {  	[smem:$0x3FA8] =	sst s6  }
0xf: {  	[smem:$0x3FA9] =	sst s7  }
0x10: {  	[smem:$0x3FAA] =	sst s8  }
0x11: {  	[smem:$0x3FAB] =	sst s9;
	s0 =	simm.s32 @!p0 $0x0  }
0x12: {  	s1 =	sld [smem:$0x3F91];
	s0 =	simm.s32 @p0 $0x1  }
0x13: {  	[smem:$0x3FAC] =	sst s0;
	s0 =	simm.s32 @!p1 $0x0  }
0x14: {  	s2 =	sld [smem:$0x3F90];
	s0 =	simm.s32 @p1 $0x1  }
0x15: {  	[smem:$0x3FAD] =	sst s0;
	s0 =	simm.s32 @!p2 $0x0  }
0x16: {  	s3 =	sld [smem:$0x3FDB];
	s0 =	simm.s32 @p2 $0x1  }
0x17: {  	s4 =	simm.s32 $0x1BF5;
	[smem:$0x3FAF] =	sst s0  }
0x18: {  	s0 =	sld [smem:$0x3F92];
	_ =	swait.ge [sflag:s4], $0x0  }
0x19: {  	s7 =	sld [smem:$0x3F93]  }
0x1a: {  	s8 =	sadd.s32 $0xFFFFE003, lr  }
0x1b: {  	s9 =	sadd.s32 $0xFFFFFEF7, lr;
	s5 =	simm.s32 $0xFFFFFFFF;
	p2 =	slt.u32 s8, $0xFFFFF086  }
0x1c: {  	p1 =	slt.u32 s9, $0xF7A;
	s5 =	simm.s32 @!p2 $0x0  }
0x1d: {  	s5 =	simm.s32 @p1 $0x1;
	p0 =	seq.s32 s7, s2  }
0x1e: {  	s7 =	smul.u32 @!p0 $0xF7A, s2;
	p2 =	seq.s32 @!p0 s5, $0x0  }
0x1f: {  	s9 =	smul.u32 $0xF7A, s1;
	s8 =	simm.s32 @!p0 $0x1BF5;
	p2 =	por !p2, p0  }
0x20: {  	[sflag:s8] =	ssyncset.s32 @!p0 $0xFFFFF086;
	s6 =	sadd.s32 @!p0 s3, s7;
	s7 =	simm.s32 @!p0 $0x108  }
0x21: {  	s3 =	sadd.s32 s3, s9;
	s6 =	sadd.s32 @!p0 $0x88, s6;
	s7 =	simm.s32 @p2 $0x1082  }
0x22: {  	[simem:s7], [sflag:s8] =	dma.local @!p0 [hbm:s6], $0xF7A  }
0x23: {  	s9 =	sor.u32 $0xD0000000, s2;
	s6 =	simm.s32 $0x108;
	_ =	swait.ge @!p0 [sflag:s8], $0x0  }
0x24: {  	s3 =	sadd.s32 $0x88, s3;
	s6 =	simm.s32 @!p1 $0x1082;
	[sflag:s4] =	ssyncset.s32 $0xFFFFF086  }
0x25: {  	[simem:s6], [sflag:s4] =	dma.local [hbm:s3], $0xF7A  }
0x26: {  	[smem:$0x3F93] =	sst s1;
	(tag) =	ssettag s2;
	_ =	strace s9  }
0x27: {  	s1 =	sld [smem:$0x3FA3]  }
0x28: {  	s2 =	sld [smem:$0x3FA4]  }
0x29: {  	s4 =	sld [smem:$0x3FA6]  }
0x2a: {  	p0 =	seq.s32 s5, $0x0;
	s5 =	sld [smem:$0x3FA7]  }
0x2b: {  	s6 =	sld [smem:$0x3FA8]  }
0x2c: {  	s7 =	sld [smem:$0x3FA9]  }
0x2d: {  	s3 =	simm.s32 $0x108;
	s8 =	sld [smem:$0x3FAA]  }
0x2e: {  	s3 =	simm.s32 @!p0 $0x1082;
	s9 =	sld [smem:$0x3FAB]  }
0x2f: {  	lr =	sadd.s32 s0, s3;
	s0 =	sld [smem:$0x3FA2]  }
0x30: {  	s3 =	sld [smem:$0x3FA5]  }
0x31: {  	[smem:$0x3FAE] =	sst s10  }
0x32: {  	s10 =	sld [smem:$0x3FAC];
	_ =	sdelay $0x3  }
0x33: {  	p0 =	seq.s32 s10, $0x1;
	s10 =	sld [smem:$0x3FAE];
	_ =	sdelay $0x3  }
0x34: {  	[smem:$0x3FAE] =	sst s10  }
0x35: {  	s10 =	sld [smem:$0x3FAD];
	_ =	sdelay $0x3  }
0x36: {  	p1 =	seq.s32 s10, $0x1;
	s10 =	sld [smem:$0x3FAE];
	_ =	sdelay $0x3  }
0x37: {  	[smem:$0x3FAE] =	sst s10  }
0x38: {  	s10 =	sld [smem:$0x3FAF]  }
0x39: {  	_ = 	snop;
	(pc) =	sbr.ind lr, $3  }
0x3a: {  	_ = 	snop  }
0x3b: {  	_ = 	snop  }
0x3c: {  	p2 =	seq.s32 s10, $0x1;
	s10 =	sld [smem:$0x3FAE]  }
0x3d: {  	_ =	shalt  }
0x3e: {  	_ =	shalt  }
0x3f: {  	_ =	shalt  }
0x40: {  	_ =	shalt  }
0x41: {  	_ =	shalt  }
0x42: {  	_ =	shalt  }
0x43: {  	_ =	shalt  }
0x44: {  	_ =	shalt  }
0x45: {  	_ =	shalt  }
0x46: {  	_ =	shalt  }
0x47: {  	_ =	shalt  }
0x48: {  	_ =	shalt  }
0x49: {  	_ =	shalt  }
0x4a: {  	_ =	shalt  }
0x4b: {  	_ =	shalt  }
0x4c: {  	_ =	shalt  }
0x4d: {  	_ =	shalt  }
0x4e: {  	_ =	shalt  }
0x4f: {  	_ =	shalt  }
0x50: {  	_ =	shalt  }
0x51: {  	_ =	shalt  }
0x52: {  	_ =	shalt  }
0x53: {  	_ =	shalt  }
0x54: {  	_ =	shalt  }
0x55: {  	_ =	shalt  }
0x56: {  	_ =	shalt  }
0x57: {  	_ =	shalt  }
0x58: {  	_ =	shalt  }
0x59: {  	_ =	shalt  }
0x5a: {  	_ =	shalt  }
0x5b: {  	_ =	shalt  }
0x5c: {  	_ =	shalt  }
0x5d: {  	_ =	shalt  }
0x5e: {  	_ =	shalt  }
0x5f: {  	_ =	shalt  }
0x60: {  	_ =	shalt  }
0x61: {  	_ =	shalt  }
0x62: {  	_ =	shalt  }
0x63: {  	_ =	shalt  }
0x64: {  	_ =	shalt  }
0x65: {  	_ =	shalt  }
0x66: {  	_ =	shalt  }
0x67: {  	_ =	shalt  }
0x68: {  	_ =	shalt  }
0x69: {  	_ =	shalt  }
0x6a: {  	_ =	shalt  }
0x6b: {  	_ =	shalt  }
0x6c: {  	_ =	shalt  }
0x6d: {  	_ =	shalt  }
0x6e: {  	_ =	shalt  }
0x6f: {  	_ =	shalt  }
0x70: {  	_ =	shalt  }
0x71: {  	_ =	shalt  }
0x72: {  	_ =	shalt  }
0x73: {  	_ =	shalt  }
0x74: {  	_ =	shalt  }
0x75: {  	_ =	shalt  }
0x76: {  	_ =	shalt  }
0x77: {  	_ =	shalt  }
0x78: {  	_ =	shalt  }
0x79: {  	_ =	shalt  }
0x7a: {  	_ =	shalt  }
0x7b: {  	_ =	shalt  }
0x7c: {  	_ =	shalt  }
0x7d: {  	_ =	shalt  }
0x7e: {  	_ =	shalt  }
0x7f: {  	_ =	shalt  }
0x80: {  	_ =	shalt  }
0x81: {  	_ =	shalt  }
0x82: {  	_ =	shalt  }
0x83: {  	_ =	shalt  }
0x84: {  	_ =	shalt  }
0x85: {  	_ =	shalt  }
0x86: {  	_ =	shalt  }
0x87: {  	_ =	shalt  }
.Lfunc_end0:
.L_simem_size_0:
called_computation.1_lowered:
.L_overlay_start_0:
0x88: {  	s2 =	sld [smem:$0x3FD9]  }
0x89: {  	s3 =	sld [smem:$0x3FFE];
	_ =	sdelay $0x1  }
0x8a: {  	s1 =	srdreg.scid  }
0x8b: {  	s0 =	sand.u32 $0x1, s1  }
0x8c: {  	s16 =	sshll.u32 s0, $0xA;
	s2 =	sadd.s32 s3, s2  }
0x8d: {  	s2 =	sadd.s32 s2, s16  }
0x8e: {  	[smem:$0x3FBA] =	sst s2  }
0x8f: {  	_ = 	snop  }
0x90: {  	(tm) =	ssettm $0x1  }
0x91: {  	s17 =	sld [smem:$0x3FFB];
	_ =	sdelay $0x3  }
0x92: {  	_ =	strace s17  }
0x93: {  	s2 =	sld [smem:$0x3FFC];
	_ =	sdelay $0x3  }
0x94: {  	_ =	strace s2  }
0x95: {  	s2 =	sld [smem:$0x3FFD];
	_ =	sdelay $0x3  }
0x96: {  	_ =	strace s2  }
0x97: {  	_ =	strace $0x8FFFFFFF  }
0x98: {  	s18 =	sld [smem:$0x3FDB];
	_ =	sdelay $0x1  }
0x99: {  	s19 =	simm.s32 $_scs_section_size  }
0x9a: {  	s4 =	simm.s32 $_size__tile_overlayer_lowered;
	s5 =	simm.s32 $_tile_overlayer_lowered  }
0x9b: {  	s22 =	simm.s32 $0x1BFF;
	s21 =	sshll.u32 s5, $0x1;
	s2 =	sadd.s32 s19, s18  }
0x9c: {  	s6 =	simm.s32 $0x0;
	s20 =	sshll.u32 s4, $0x1;
	s4 =	sadd.s32 s21, s2  }
0x9d: {  	[timem:s6], [sflag:s22] =	dma.local [hbm:s4], s20  }
0x9e: {  	_ =	swait.ge [sflag:s22], s20  }
0x9f: {  	s3 =	ssub.s32 $0x0, s20;
	[sflag:s22] =	ssyncset.done $0x0  }
0xa0: {  	[sflag:s22] =	ssyncadd.s32 s3;
	_ =	sdelay $0x1  }
0xa1: {  	s23 =	simm.s32 $0x1B8B  }
0xa2: {  	_ =	swait.ge [sflag:s23], $0x1  }
0xa3: {  	[sflag:s23] =	ssyncset.done $0x0  }
0xa4: {  	s25 =	simm.s32 $0x1B8E;
	s24 =	sld [smem:$0x3FFE];
	[sflag:s23] =	ssyncadd.s32 $0xFFFFFFFF  }
0xa5: {  	s26 =	simm.s32 $execute0_lowered;
	[smem:$0x3FD2] =	sst s25  }
0xa6: {  	s4 =	sshll.u32 s26, $0x1;
	_ =	strace $0x80000049;
	[dreg:$0x1] =	wrdreg $0xFFFFFFFF  }
0xa7: {  	s28 =	simm.s32 $_size_execute0_lowered;
	s2 =	sadd.s32 s2, s4;
	[dreg:$0x0] =	wrdreg $0x0  }
0xa8: {  	s4 =	sshll.u32 s28, $0x1;
	[dreg:$0x2] =	wrdreg s2  }
0xa9: {  	[dreg:$0x3] =	wrdreg s4  }
0xaa: {  	[dreg:$0x4] =	wrdreg $0xC0  }
0xab: {  	_ =	task [dreg:s6], $0x5FFFF  }
0xac: {  	[dreg:$0x1] =	wrdreg $0xFFFFFFFF  }
0xad: {  	[dreg:$0x0] =	wrdreg $0x60  }
0xae: {  	[dreg:$0x2] =	wrdreg s24  }
0xaf: {  	[dreg:$0x3] =	wrdreg $0x90000  }
0xb0: {  	[dreg:$0x4] =	wrdreg $0x9  }
0xb1: {  	_ =	task.clear_ibuf [dreg:s6], $0x5FFFF;
	_ =	strace $0x90000049  }
0xb2: {  	s29 =	simm.s32 $0x9;
	_ =	strace $0x8000004B  }
0xb3: {  	_ =	swait.ge [sflag:s29], $0x1  }
0xb4: {  	[sflag:s29] =	ssyncadd.s32 $0xFFFFFFFF  }
0xb5: {  	_ =	strace $0x9000004B  }
0xb6: {  	_ =	sfence  }
0xb7: {  	s30 =	sld [smem:$0x0];
	_ =	sdelay $0x2  }
0xb8: {  	s31 =	sshll.u32 s1, $0xD;
	s1 =	sshrl.u32 s1, $0x2  }
0xb9: {  	s3 =	sand.u32 $0x4000, s31;
	s1 =	sadd.s32 s1, s30  }
0xba: {  	s0 =	sor.u32 s3, s0;
	s1 =	sshll.u32 s1, $0x11  }
0xbb: {  	s0 =	sor.u32 s1, s0  }
0xbc: {  	s0 =	sadd.s32 $0x8F2B, s0  }
0xbd: {  	[sflag:s0] =	ssyncadd.remote.s32 $0x1  }
0xbe: {  	_ =	sfence.sel $0xFFFF  }
0xbf: {  	[dreg:$0x0] =	wrdreg $0xFFFFFFFF;
	(pc) =	sbr.abs _section_cstart, $3  }
0xc0: {  	[dreg:$0x1] =	wrdreg $0xFFFFFFFF  }
0xc1: {  	_ =	task.clear_ibuf [dreg:s6], $0x2FFFF;
	_ =	strace $0x9FFFFFFF  }
0xc2: {  	(tm) =	ssettm $0x7FFFFFFF  }
0xc3: {  	_ =	shalt  }
tec
execute0_lowered:
.L_overlay_start_1:
0x0: {  	(tag) =	ssettag $0x1  }
0x1: {  	s0 =	srdreg.scid;
	s5 =	rddreg [dreg:$0x0]  }
0x2: {  	s4 =	stileid.u32;
	s1 =	rddreg [dreg:$0x1];
	s2 =	simm.s32 $0x0  }
0x3: {  	s15 =	simm.s32 $0x100;
	s16 =	simm.s32 $0x880;
	[smem:$0x7FF] =	sst s2  }
0x4: {  	s17 =	simm.s32 $0x180;
	_ =	strace $0x8000004A;
	[dreg:$0x5] =	wrdreg s15  }
0x5: {  	s18 =	simm.s32 $0x900;
	s19 =	simm.s32 $0x200;
	[dreg:$0x6] =	wrdreg s16  }
0x6: {  	s20 =	simm.s32 $0x980;
	s21 =	simm.s32 $0x280;
	[dreg:$0x7] =	wrdreg s17  }
0x7: {  	s22 =	simm.s32 $0xA00;
	s23 =	simm.s32 $0x300;
	[dreg:$0x8] =	wrdreg s18  }
0x8: {  	s24 =	simm.s32 $0xA80;
	s25 =	simm.s32 $0x380;
	[dreg:$0x9] =	wrdreg s19  }
0x9: {  	s28 =	simm.s32 $0xD80;
	s29 =	simm.s32 $0x680;
	[dreg:$0xa] =	wrdreg s20  }
0xa: {  	s30 =	simm.s32 $0xE00;
	s31 =	simm.s32 $0x700;
	[dreg:$0xb] =	wrdreg s21  }
0xb: {  	s0 =	sand.u32 $0x1, s0;
	s6 =	smul.u32 $0x2800, s4;
	[dreg:$0xc] =	wrdreg s22  }
0xc: {  	s9 =	smul.u32 $0x50000, s4;
	s26 =	sshll.u32 s4, $0x6;
	[dreg:$0xd] =	wrdreg s23  }
0xd: {  	s3 =	smul.u32 $0x28000, s0;
	s8 =	ssub.s32 $0x2, s0;
	[dreg:$0xe] =	wrdreg s24  }
0xe: {  	p0 =	seq.s32 s0, $0x1;
	s15 =	simm.s32 $0x5000;
	[dreg:$0xf] =	wrdreg s25  }
0xf: {  	s16 =	simm.s32 $0x1;
	s17 =	simm.s32 $0x2;
	s18 =	simm.s32 $0x400  }
0x10: {  	s19 =	simm.s32 $0xB80;
	s20 =	simm.s32 $0x480;
	s21 =	simm.s32 $0xC00  }
0x11: {  	s22 =	simm.s32 $0x500;
	s23 =	simm.s32 $0xC80;
	s24 =	simm.s32 $0x580  }
0x12: {  	s25 =	simm.s32 $0xD00;
	s0 =	simm.s32 $0xE80;
	s10 =	sshrl.u32 s8, $0x1  }
0x13: {  	s9 =	sshrl.u32 s9, $0x2;
	s3 =	sadd.s32 s6, s3;
	s6 =	sadd.s32 s6, s5  }
0x14: {  	s8 =	ssub.s32 s8, s10;
	s9 =	sadd.s32 s9, s1;
	s10 =	sor.u32 $0x1C03, s26  }
0x15: {  	s26 =	simm.s32 $0xB00;
	s3 =	sshrl.u32 s3, $0x3;
	s11 =	sadd.s32 $0xA2A00, s6  }
0x16: {  	s14 =	smax.u32 s8, $0x1;
	s8 =	smov.u32 s10;
	[dreg:$0x10] =	wrdreg s26  }
0x17: {  	s9 =	sshrl.u32 s9, $0x3;
	s10 =	simm.s32 $0x3;
	[dreg:$0x11] =	wrdreg s11  }
0x18: {  	s26 =	simm.s32 $0x600;
	s7 =	sadd.s32 s3, s5;
	[dreg:$0x14] =	wrdreg s14  }
0x19: {  	s3 =	sadd.s32 $0x7B800, s5;
	s11 =	sadd.s32 $0x140000, s1;
	[dreg:$0x12] =	wrdreg s8  }
0x1a: {  	s5 =	sadd.s32 $0xCAA00, s5;
	s14 =	simm.s32 $0x1000;
	[dreg:$0x16] =	wrdreg s9  }
0x1b: {  	[dreg:$0x13] =	wrdreg s5;
	s12 =	sadd.s32 $0x23400, s7;
	s13 =	sadd.s32 $0x19400, s7  }
0x1c: {  	s5 =	simm.s32 $0xF2E00;
	s7 =	simm.s32 $0xF80;
	[dreg:$0x3] =	wrdreg s12  }
0x1d: {  	[dreg:$0x4] =	wrdreg s13;
	s5 =	simm.s32 @!p0 $0xCAE00;
	p0 =	sne.s32 s4, $0x0  }
0x1e: {  	s12 =	simm.s32 $0x800;
	s13 =	simm.s32 $0x80;
	s5 =	sadd.s32 s5, s6  }
0x1f: {  	s4 =	sshrl.u32 @!p0 s11, $0x3;
	s6 =	simm.s32 $0xF00;
	[dreg:$0x15] =	wrdreg s5  }
0x20: {  	s11 =	simm.s32 $0x0;
	[dreg:$0x17] =	wrdreg s4;
	s4 =	simm.s32 $0x780  }
.LBB2_1:
0x21: {  	[dreg:$0x18] =	wrdreg s11  }
0x22: {  	s5 =	rddreg [dreg:$0x11]  }
0x23: {  	[spmem:s9], [sflag:s8] =	dma.local [hbm:s5], $0x2800  }
0x24: {  	_ =	swait.ge [sflag:s10], $0x2800  }
0x25: {  	[sflag:s10] =	ssyncset.done $0x0;
	s5 =	rddreg [dreg:$0x13]  }
0x26: {  	s9 =	rddreg [dreg:$0x17];
	[sflag:s10] =	ssyncadd.s32 $0xFFFFD800  }
0x27: {  	[spmem:s9], [sflag:s8] =	dma.local @!p0 [hbm:s5], $0x400  }
0x28: {  	s5 =	simm.s32 @!p0 $0x3  }
0x29: {  	_ =	swait.ge @!p0 [sflag:s5], $0x400  }
0x2a: {  	[sflag:s5] =	ssyncset.done @!p0 $0x0  }
0x2b: {  	[sflag:s5] =	ssyncadd.s32 @!p0 $0xFFFFFC00  }
0x2c: {  	[bflag:$0x0] =	sbarrier.arrive $0xFFFF  }
0x2d: {  	s9 =	rddreg [dreg:$0x4]  }
0x2e: {  	s5 =	sadd.s32 $0x0, s9  }
0x2f: {  	[tilespmem:s2], [sflag:$0x3] =	stream.linear.gather [hbm4b:s5+s2], $0x800, $0x38;
	[tilespmem:$0x1D200] =	vst v63  }
0x30: {  	_ =	swait.ge [sflag:s10], $0x800  }
0x31: {  	s11 =	rddreg [dreg:$0x3];
	[sflag:s10] =	ssyncset.done $0x0  }
0x32: {  	[sflag:s10] =	ssyncadd.s32 $0xFFFFF800;
	s5 =	sadd.s32 $0x0, s11  }
0x33: {  	[tilespmem:s12], [sflag:$0x3] =	stream.linear.gather [hbm4b:s5+s2], $0x800, $0x38;
	[tilespmem:$0x1D200] =	vst v63  }
0x34: {  	_ =	swait.ge [sflag:s10], $0x800  }
0x35: {  	[sflag:s10] =	ssyncset.done $0x0  }
0x36: {  	[sflag:s10] =	ssyncadd.s32 $0xFFFFF800  }
0x37: {  	[tilespmem:s14], [sflag:$0x1] =	stream.indirect.gather [hbm4b:s3+s13], $0x80, s2, s13, $0xb8;
	[tilespmem:$0x1D200] =	vst v63  }
0x38: {  	_ = 	snop  }
0x39: {  	[tilespmem:s15], [sflag:$0x2] =	stream.indirect.gather [hbm4b:s3+s13], $0x80, s13, s13, $0xb8;
	[tilespmem:$0x1D200] =	vst v63  }
0x3a: {  	_ =	swait.ge [sflag:s16], $0x4000  }
0x3b: {  	[sflag:s16] =	ssyncset.done $0x0  }
0x3c: {  	[sflag:s16] =	ssyncadd.s32 $0xFFFFC000  }
0x3d: {  	[spmem:s1] =	stream.indirect.scatter.add.f32 [tilespmem:s14], [sflag:$0x3], $0x80, s12, s13, $0xb8;
	[tilespmem:$0x1D200] =	vst v63  }
0x3e: {  	_ =	swait.ge [sflag:s10], $0x4000  }
0x3f: {  	[sflag:s10] =	ssyncset.done $0x0  }
0x40: {  	s8 =	rddreg [dreg:$0x5];
	[sflag:s10] =	ssyncadd.s32 $0xFFFFC000  }
0x41: {  	[tilespmem:s14], [sflag:$0x1] =	stream.indirect.gather [hbm4b:s3+s13], $0x80, s8, s13, $0xb8;
	[tilespmem:$0x1D200] =	vst v63  }
0x42: {  	_ =	swait.ge [sflag:s17], $0x4000  }
0x43: {  	[sflag:s17] =	ssyncset.done $0x0  }
0x44: {  	s9 =	rddreg [dreg:$0x6];
	[sflag:s17] =	ssyncadd.s32 $0xFFFFC000  }
0x45: {  	[spmem:s1] =	stream.indirect.scatter.add.f32 [tilespmem:s15], [sflag:$0x3], $0x80, s9, s13, $0xb8;
	[tilespmem:$0x1D200] =	vst v63  }
0x46: {  	_ =	swait.ge [sflag:s10], $0x4000  }
0x47: {  	[sflag:s10] =	ssyncset.done $0x0  }
0x48: {  	s11 =	rddreg [dreg:$0x7];
	[sflag:s10] =	ssyncadd.s32 $0xFFFFC000  }
0x49: {  	[tilespmem:s15], [sflag:$0x2] =	stream.indirect.gather [hbm4b:s3+s13], $0x80, s11, s13, $0xb8;
	[tilespmem:$0x1D200] =	vst v63  }
0x4a: {  	_ =	swait.ge [sflag:s16], $0x4000  }
0x4b: {  	[sflag:s16] =	ssyncset.done $0x0  }
0x4c: {  	s8 =	rddreg [dreg:$0x8];
	[sflag:s16] =	ssyncadd.s32 $0xFFFFC000  }
0x4d: {  	[spmem:s1] =	stream.indirect.scatter.add.f32 [tilespmem:s14], [sflag:$0x3], $0x80, s8, s13, $0xb8;
	[tilespmem:$0x1D200] =	vst v63  }
0x4e: {  	_ =	swait.ge [sflag:s10], $0x4000  }
0x4f: {  	[sflag:s10] =	ssyncset.done $0x0  }
0x50: {  	s9 =	rddreg [dreg:$0x9];
	[sflag:s10] =	ssyncadd.s32 $0xFFFFC000  }
0x51: {  	[tilespmem:s14], [sflag:$0x1] =	stream.indirect.gather [hbm4b:s3+s13], $0x80, s9, s13, $0xb8;
	[tilespmem:$0x1D200] =	vst v63  }
0x52: {  	_ =	swait.ge [sflag:s17], $0x4000  }
0x53: {  	[sflag:s17] =	ssyncset.done $0x0  }
0x54: {  	s11 =	rddreg [dreg:$0xa];
	[sflag:s17] =	ssyncadd.s32 $0xFFFFC000  }
0x55: {  	[spmem:s1] =	stream.indirect.scatter.add.f32 [tilespmem:s15], [sflag:$0x3], $0x80, s11, s13, $0xb8;
	[tilespmem:$0x1D200] =	vst v63  }
0x56: {  	_ =	swait.ge [sflag:s10], $0x4000  }
0x57: {  	[sflag:s10] =	ssyncset.done $0x0  }
0x58: {  	s8 =	rddreg [dreg:$0xb];
	[sflag:s10] =	ssyncadd.s32 $0xFFFFC000  }
0x59: {  	[tilespmem:s15], [sflag:$0x2] =	stream.indirect.gather [hbm4b:s3+s13], $0x80, s8, s13, $0xb8;
	[tilespmem:$0x1D200] =	vst v63  }
0x5a: {  	_ =	swait.ge [sflag:s16], $0x4000  }
0x5b: {  	[sflag:s16] =	ssyncset.done $0x0  }
0x5c: {  	s9 =	rddreg [dreg:$0xc];
	[sflag:s16] =	ssyncadd.s32 $0xFFFFC000  }
0x5d: {  	[spmem:s1] =	stream.indirect.scatter.add.f32 [tilespmem:s14], [sflag:$0x3], $0x80, s9, s13, $0xb8;
	[tilespmem:$0x1D200] =	vst v63  }
0x5e: {  	_ =	swait.ge [sflag:s10], $0x4000  }
0x5f: {  	[sflag:s10] =	ssyncset.done $0x0  }
0x60: {  	s11 =	rddreg [dreg:$0xd];
	[sflag:s10] =	ssyncadd.s32 $0xFFFFC000  }
0x61: {  	[tilespmem:s14], [sflag:$0x1] =	stream.indirect.gather [hbm4b:s3+s13], $0x80, s11, s13, $0xb8;
	[tilespmem:$0x1D200] =	vst v63  }
0x62: {  	_ =	swait.ge [sflag:s17], $0x4000  }
0x63: {  	[sflag:s17] =	ssyncset.done $0x0  }
0x64: {  	s8 =	rddreg [dreg:$0xe];
	[sflag:s17] =	ssyncadd.s32 $0xFFFFC000  }
0x65: {  	[spmem:s1] =	stream.indirect.scatter.add.f32 [tilespmem:s15], [sflag:$0x3], $0x80, s8, s13, $0xb8;
	[tilespmem:$0x1D200] =	vst v63  }
0x66: {  	_ =	swait.ge [sflag:s10], $0x4000  }
0x67: {  	[sflag:s10] =	ssyncset.done $0x0  }
0x68: {  	s9 =	rddreg [dreg:$0xf];
	[sflag:s10] =	ssyncadd.s32 $0xFFFFC000  }
0x69: {  	[tilespmem:s15], [sflag:$0x2] =	stream.indirect.gather [hbm4b:s3+s13], $0x80, s9, s13, $0xb8;
	[tilespmem:$0x1D200] =	vst v63  }
0x6a: {  	_ =	swait.ge [sflag:s16], $0x4000  }
0x6b: {  	[sflag:s16] =	ssyncset.done $0x0  }
0x6c: {  	s11 =	rddreg [dreg:$0x10];
	[sflag:s16] =	ssyncadd.s32 $0xFFFFC000  }
0x6d: {  	[spmem:s1] =	stream.indirect.scatter.add.f32 [tilespmem:s14], [sflag:$0x3], $0x80, s11, s13, $0xb8;
	[tilespmem:$0x1D200] =	vst v63  }
0x6e: {  	_ =	swait.ge [sflag:s10], $0x4000  }
0x6f: {  	[sflag:s10] =	ssyncset.done $0x0  }
0x70: {  	[sflag:s10] =	ssyncadd.s32 $0xFFFFC000  }
0x71: {  	[tilespmem:s14], [sflag:$0x1] =	stream.indirect.gather [hbm4b:s3+s13], $0x80, s18, s13, $0xb8;
	[tilespmem:$0x1D200] =	vst v63  }
0x72: {  	_ =	swait.ge [sflag:s17], $0x4000  }
0x73: {  	[sflag:s17] =	ssyncset.done $0x0  }
0x74: {  	[sflag:s17] =	ssyncadd.s32 $0xFFFFC000  }
0x75: {  	[spmem:s1] =	stream.indirect.scatter.add.f32 [tilespmem:s15], [sflag:$0x3], $0x80, s19, s13, $0xb8;
	[tilespmem:$0x1D200] =	vst v63  }
0x76: {  	_ =	swait.ge [sflag:s10], $0x4000  }
0x77: {  	[sflag:s10] =	ssyncset.done $0x0  }
0x78: {  	[sflag:s10] =	ssyncadd.s32 $0xFFFFC000  }
0x79: {  	[tilespmem:s15], [sflag:$0x2] =	stream.indirect.gather [hbm4b:s3+s13], $0x80, s20, s13, $0xb8;
	[tilespmem:$0x1D200] =	vst v63  }
0x7a: {  	_ =	swait.ge [sflag:s16], $0x4000  }
0x7b: {  	[sflag:s16] =	ssyncset.done $0x0  }
0x7c: {  	[sflag:s16] =	ssyncadd.s32 $0xFFFFC000  }
0x7d: {  	[spmem:s1] =	stream.indirect.scatter.add.f32 [tilespmem:s14], [sflag:$0x3], $0x80, s21, s13, $0xb8;
	[tilespmem:$0x1D200] =	vst v63  }
0x7e: {  	_ =	swait.ge [sflag:s10], $0x4000  }
0x7f: {  	[sflag:s10] =	ssyncset.done $0x0  }
0x80: {  	[sflag:s10] =	ssyncadd.s32 $0xFFFFC000  }
0x81: {  	[tilespmem:s14], [sflag:$0x1] =	stream.indirect.gather [hbm4b:s3+s13], $0x80, s22, s13, $0xb8;
	[tilespmem:$0x1D200] =	vst v63  }
0x82: {  	_ =	swait.ge [sflag:s17], $0x4000  }
0x83: {  	[sflag:s17] =	ssyncset.done $0x0  }
0x84: {  	[sflag:s17] =	ssyncadd.s32 $0xFFFFC000  }
0x85: {  	[spmem:s1] =	stream.indirect.scatter.add.f32 [tilespmem:s15], [sflag:$0x3], $0x80, s23, s13, $0xb8;
	[tilespmem:$0x1D200] =	vst v63  }
0x86: {  	_ =	swait.ge [sflag:s10], $0x4000  }
0x87: {  	[sflag:s10] =	ssyncset.done $0x0  }
0x88: {  	[sflag:s10] =	ssyncadd.s32 $0xFFFFC000  }
0x89: {  	[tilespmem:s15], [sflag:$0x2] =	stream.indirect.gather [hbm4b:s3+s13], $0x80, s24, s13, $0xb8;
	[tilespmem:$0x1D200] =	vst v63  }
0x8a: {  	_ =	swait.ge [sflag:s16], $0x4000  }
0x8b: {  	[sflag:s16] =	ssyncset.done $0x0  }
0x8c: {  	[sflag:s16] =	ssyncadd.s32 $0xFFFFC000  }
0x8d: {  	[spmem:s1] =	stream.indirect.scatter.add.f32 [tilespmem:s14], [sflag:$0x3], $0x80, s25, s13, $0xb8;
	[tilespmem:$0x1D200] =	vst v63  }
0x8e: {  	_ =	swait.ge [sflag:s10], $0x4000  }
0x8f: {  	[sflag:s10] =	ssyncset.done $0x0  }
0x90: {  	[sflag:s10] =	ssyncadd.s32 $0xFFFFC000  }
0x91: {  	[tilespmem:s14], [sflag:$0x1] =	stream.indirect.gather [hbm4b:s3+s13], $0x80, s26, s13, $0xb8;
	[tilespmem:$0x1D200] =	vst v63  }
0x92: {  	_ =	swait.ge [sflag:s17], $0x4000  }
0x93: {  	[sflag:s17] =	ssyncset.done $0x0  }
0x94: {  	[sflag:s17] =	ssyncadd.s32 $0xFFFFC000  }
0x95: {  	[spmem:s1] =	stream.indirect.scatter.add.f32 [tilespmem:s15], [sflag:$0x3], $0x80, s28, s13, $0xb8;
	[tilespmem:$0x1D200] =	vst v63  }
0x96: {  	_ =	swait.ge [sflag:s10], $0x4000  }
0x97: {  	[sflag:s10] =	ssyncset.done $0x0  }
0x98: {  	[sflag:s10] =	ssyncadd.s32 $0xFFFFC000  }
0x99: {  	[tilespmem:s15], [sflag:$0x2] =	stream.indirect.gather [hbm4b:s3+s13], $0x80, s29, s13, $0xb8;
	[tilespmem:$0x1D200] =	vst v63  }
0x9a: {  	_ =	swait.ge [sflag:s16], $0x4000  }
0x9b: {  	[sflag:s16] =	ssyncset.done $0x0  }
0x9c: {  	[sflag:s16] =	ssyncadd.s32 $0xFFFFC000  }
0x9d: {  	[spmem:s1] =	stream.indirect.scatter.add.f32 [tilespmem:s14], [sflag:$0x3], $0x80, s30, s13, $0xb8;
	[tilespmem:$0x1D200] =	vst v63  }
0x9e: {  	_ =	swait.ge [sflag:s10], $0x4000  }
0x9f: {  	[sflag:s10] =	ssyncset.done $0x0  }
0xa0: {  	[sflag:s10] =	ssyncadd.s32 $0xFFFFC000  }
0xa1: {  	[tilespmem:s14], [sflag:$0x1] =	stream.indirect.gather [hbm4b:s3+s13], $0x80, s31, s13, $0xb8;
	[tilespmem:$0x1D200] =	vst v63  }
0xa2: {  	_ =	swait.ge [sflag:s17], $0x4000  }
0xa3: {  	[sflag:s17] =	ssyncset.done $0x0  }
0xa4: {  	[sflag:s17] =	ssyncadd.s32 $0xFFFFC000  }
0xa5: {  	[spmem:s1] =	stream.indirect.scatter.add.f32 [tilespmem:s15], [sflag:$0x3], $0x80, s0, s13, $0xb8;
	[tilespmem:$0x1D200] =	vst v63  }
0xa6: {  	_ =	swait.ge [sflag:s10], $0x4000  }
0xa7: {  	[sflag:s10] =	ssyncset.done $0x0  }
0xa8: {  	[sflag:s10] =	ssyncadd.s32 $0xFFFFC000  }
0xa9: {  	[tilespmem:s15], [sflag:$0x2] =	stream.indirect.gather [hbm4b:s3+s13], $0x80, s4, s13, $0xb8;
	[tilespmem:$0x1D200] =	vst v63  }
0xaa: {  	_ =	swait.ge [sflag:s16], $0x4000  }
0xab: {  	[sflag:s16] =	ssyncset.done $0x0  }
0xac: {  	[sflag:s16] =	ssyncadd.s32 $0xFFFFC000  }
0xad: {  	[spmem:s1] =	stream.indirect.scatter.add.f32 [tilespmem:s14], [sflag:$0x3], $0x80, s6, s13, $0xb8;
	[tilespmem:$0x1D200] =	vst v63  }
0xae: {  	_ =	swait.ge [sflag:s10], $0x4000  }
0xaf: {  	[sflag:s10] =	ssyncset.done $0x0  }
0xb0: {  	[sflag:s10] =	ssyncadd.s32 $0xFFFFC000  }
0xb1: {  	_ =	swait.ge [sflag:s17], $0x4000  }
0xb2: {  	[sflag:s17] =	ssyncset.done $0x0  }
0xb3: {  	[sflag:s17] =	ssyncadd.s32 $0xFFFFC000  }
0xb4: {  	[spmem:s1] =	stream.indirect.scatter.add.f32 [tilespmem:s15], [sflag:$0x3], $0x80, s7, s13, $0xb8;
	[tilespmem:$0x1D200] =	vst v63  }
0xb5: {  	s9 =	simm.s32 $0x200;
	_ =	swait.ge [sflag:s10], $0x4000  }
0xb6: {  	s11 =	simm.s32 $0x100;
	s5 =	rddreg [dreg:$0x4];
	[sflag:s10] =	ssyncset.done $0x0  }
.LBB2_2:
0xb7: {  	[sflag:s10] =	ssyncadd.s32 $0xFFFFC000;
	s5 =	sadd.s32 s11, s5  }
0xb8: {  	[tilespmem:s2], [sflag:$0x3] =	stream.linear.gather [hbm4b:s5+s2], $0x800, $0x38;
	[tilespmem:$0x1D200] =	vst v63  }
0xb9: {  	_ =	swait.ge [sflag:s10], $0x800  }
0xba: {  	s5 =	rddreg [dreg:$0x3];
	[sflag:s10] =	ssyncset.done $0x0  }
0xbb: {  	[sflag:s10] =	ssyncadd.s32 $0xFFFFF800;
	s5 =	sadd.s32 s11, s5  }
0xbc: {  	[tilespmem:s12], [sflag:$0x3] =	stream.linear.gather [hbm4b:s5+s2], $0x800, $0x38;
	[tilespmem:$0x1D200] =	vst v63  }
0xbd: {  	_ =	swait.ge [sflag:s10], $0x800  }
0xbe: {  	[sflag:s10] =	ssyncset.done $0x0  }
0xbf: {  	[sflag:s10] =	ssyncadd.s32 $0xFFFFF800  }
0xc0: {  	[tilespmem:s14], [sflag:$0x1] =	stream.indirect.gather [hbm4b:s3+s13], $0x80, s2, s13, $0xb8;
	[tilespmem:$0x1D200] =	vst v63  }
0xc1: {  	_ = 	snop  }
0xc2: {  	[tilespmem:s15], [sflag:$0x2] =	stream.indirect.gather [hbm4b:s3+s13], $0x80, s13, s13, $0xb8;
	[tilespmem:$0x1D200] =	vst v63  }
0xc3: {  	_ =	swait.ge [sflag:s16], $0x4000  }
0xc4: {  	[sflag:s16] =	ssyncset.done $0x0  }
0xc5: {  	[sflag:s16] =	ssyncadd.s32 $0xFFFFC000  }
0xc6: {  	[spmem:s1] =	stream.indirect.scatter.add.f32 [tilespmem:s14], [sflag:$0x3], $0x80, s12, s13, $0xb8;
	[tilespmem:$0x1D200] =	vst v63  }
0xc7: {  	_ =	swait.ge [sflag:s10], $0x4000  }
0xc8: {  	s8 =	smov.u32 s9;
	[sflag:s10] =	ssyncset.done $0x0  }
0xc9: {  	s11 =	smov.u32 s8;
	s8 =	rddreg [dreg:$0x5];
	[sflag:s10] =	ssyncadd.s32 $0xFFFFC000  }
0xca: {  	[tilespmem:s14], [sflag:$0x1] =	stream.indirect.gather [hbm4b:s3+s13], $0x80, s8, s13, $0xb8;
	[tilespmem:$0x1D200] =	vst v63  }
0xcb: {  	_ =	swait.ge [sflag:s17], $0x4000  }
0xcc: {  	[sflag:s17] =	ssyncset.done $0x0  }
0xcd: {  	s8 =	rddreg [dreg:$0x6];
	[sflag:s17] =	ssyncadd.s32 $0xFFFFC000  }
0xce: {  	[spmem:s1] =	stream.indirect.scatter.add.f32 [tilespmem:s15], [sflag:$0x3], $0x80, s8, s13, $0xb8;
	[tilespmem:$0x1D200] =	vst v63  }
0xcf: {  	_ =	swait.ge [sflag:s10], $0x4000  }
0xd0: {  	[sflag:s10] =	ssyncset.done $0x0  }
0xd1: {  	s8 =	rddreg [dreg:$0x7];
	[sflag:s10] =	ssyncadd.s32 $0xFFFFC000  }
0xd2: {  	[tilespmem:s15], [sflag:$0x2] =	stream.indirect.gather [hbm4b:s3+s13], $0x80, s8, s13, $0xb8;
	[tilespmem:$0x1D200] =	vst v63  }
0xd3: {  	_ =	swait.ge [sflag:s16], $0x4000  }
0xd4: {  	[sflag:s16] =	ssyncset.done $0x0  }
0xd5: {  	s8 =	rddreg [dreg:$0x8];
	[sflag:s16] =	ssyncadd.s32 $0xFFFFC000  }
0xd6: {  	[spmem:s1] =	stream.indirect.scatter.add.f32 [tilespmem:s14], [sflag:$0x3], $0x80, s8, s13, $0xb8;
	[tilespmem:$0x1D200] =	vst v63  }
0xd7: {  	_ =	swait.ge [sflag:s10], $0x4000  }
0xd8: {  	[sflag:s10] =	ssyncset.done $0x0  }
0xd9: {  	s8 =	rddreg [dreg:$0x9];
	[sflag:s10] =	ssyncadd.s32 $0xFFFFC000  }
0xda: {  	[tilespmem:s14], [sflag:$0x1] =	stream.indirect.gather [hbm4b:s3+s13], $0x80, s8, s13, $0xb8;
	[tilespmem:$0x1D200] =	vst v63  }
0xdb: {  	_ =	swait.ge [sflag:s17], $0x4000  }
0xdc: {  	[sflag:s17] =	ssyncset.done $0x0  }
0xdd: {  	s8 =	rddreg [dreg:$0xa];
	[sflag:s17] =	ssyncadd.s32 $0xFFFFC000  }
0xde: {  	[spmem:s1] =	stream.indirect.scatter.add.f32 [tilespmem:s15], [sflag:$0x3], $0x80, s8, s13, $0xb8;
	[tilespmem:$0x1D200] =	vst v63  }
0xdf: {  	_ =	swait.ge [sflag:s10], $0x4000  }
0xe0: {  	[sflag:s10] =	ssyncset.done $0x0  }
0xe1: {  	s8 =	rddreg [dreg:$0xb];
	[sflag:s10] =	ssyncadd.s32 $0xFFFFC000  }
0xe2: {  	[tilespmem:s15], [sflag:$0x2] =	stream.indirect.gather [hbm4b:s3+s13], $0x80, s8, s13, $0xb8;
	[tilespmem:$0x1D200] =	vst v63  }
0xe3: {  	_ =	swait.ge [sflag:s16], $0x4000  }
0xe4: {  	[sflag:s16] =	ssyncset.done $0x0  }
0xe5: {  	s8 =	rddreg [dreg:$0xc];
	[sflag:s16] =	ssyncadd.s32 $0xFFFFC000  }
0xe6: {  	[spmem:s1] =	stream.indirect.scatter.add.f32 [tilespmem:s14], [sflag:$0x3], $0x80, s8, s13, $0xb8;
	[tilespmem:$0x1D200] =	vst v63  }
0xe7: {  	_ =	swait.ge [sflag:s10], $0x4000  }
0xe8: {  	[sflag:s10] =	ssyncset.done $0x0  }
0xe9: {  	s8 =	rddreg [dreg:$0xd];
	[sflag:s10] =	ssyncadd.s32 $0xFFFFC000  }
0xea: {  	[tilespmem:s14], [sflag:$0x1] =	stream.indirect.gather [hbm4b:s3+s13], $0x80, s8, s13, $0xb8;
	[tilespmem:$0x1D200] =	vst v63  }
0xeb: {  	_ =	swait.ge [sflag:s17], $0x4000  }
0xec: {  	[sflag:s17] =	ssyncset.done $0x0  }
0xed: {  	s8 =	rddreg [dreg:$0xe];
	[sflag:s17] =	ssyncadd.s32 $0xFFFFC000  }
0xee: {  	[spmem:s1] =	stream.indirect.scatter.add.f32 [tilespmem:s15], [sflag:$0x3], $0x80, s8, s13, $0xb8;
	[tilespmem:$0x1D200] =	vst v63  }
0xef: {  	_ =	swait.ge [sflag:s10], $0x4000  }
0xf0: {  	[sflag:s10] =	ssyncset.done $0x0  }
0xf1: {  	s8 =	rddreg [dreg:$0xf];
	[sflag:s10] =	ssyncadd.s32 $0xFFFFC000  }
0xf2: {  	[tilespmem:s15], [sflag:$0x2] =	stream.indirect.gather [hbm4b:s3+s13], $0x80, s8, s13, $0xb8;
	[tilespmem:$0x1D200] =	vst v63  }
0xf3: {  	_ =	swait.ge [sflag:s16], $0x4000  }
0xf4: {  	[sflag:s16] =	ssyncset.done $0x0  }
0xf5: {  	s8 =	rddreg [dreg:$0x10];
	[sflag:s16] =	ssyncadd.s32 $0xFFFFC000  }
0xf6: {  	[spmem:s1] =	stream.indirect.scatter.add.f32 [tilespmem:s14], [sflag:$0x3], $0x80, s8, s13, $0xb8;
	[tilespmem:$0x1D200] =	vst v63  }
0xf7: {  	_ =	swait.ge [sflag:s10], $0x4000  }
0xf8: {  	[sflag:s10] =	ssyncset.done $0x0  }
0xf9: {  	[sflag:s10] =	ssyncadd.s32 $0xFFFFC000  }
0xfa: {  	[tilespmem:s14], [sflag:$0x1] =	stream.indirect.gather [hbm4b:s3+s13], $0x80, s18, s13, $0xb8;
	[tilespmem:$0x1D200] =	vst v63  }
0xfb: {  	_ =	swait.ge [sflag:s17], $0x4000  }
0xfc: {  	[sflag:s17] =	ssyncset.done $0x0  }
0xfd: {  	[sflag:s17] =	ssyncadd.s32 $0xFFFFC000  }
0xfe: {  	[spmem:s1] =	stream.indirect.scatter.add.f32 [tilespmem:s15], [sflag:$0x3], $0x80, s19, s13, $0xb8;
	[tilespmem:$0x1D200] =	vst v63  }
0xff: {  	_ =	swait.ge [sflag:s10], $0x4000  }
0x100: {  	[sflag:s10] =	ssyncset.done $0x0  }
0x101: {  	[sflag:s10] =	ssyncadd.s32 $0xFFFFC000  }
0x102: {  	[tilespmem:s15], [sflag:$0x2] =	stream.indirect.gather [hbm4b:s3+s13], $0x80, s20, s13, $0xb8;
	[tilespmem:$0x1D200] =	vst v63  }
0x103: {  	_ =	swait.ge [sflag:s16], $0x4000  }
0x104: {  	[sflag:s16] =	ssyncset.done $0x0  }
0x105: {  	[sflag:s16] =	ssyncadd.s32 $0xFFFFC000  }
0x106: {  	[spmem:s1] =	stream.indirect.scatter.add.f32 [tilespmem:s14], [sflag:$0x3], $0x80, s21, s13, $0xb8;
	[tilespmem:$0x1D200] =	vst v63  }
0x107: {  	_ =	swait.ge [sflag:s10], $0x4000  }
0x108: {  	[sflag:s10] =	ssyncset.done $0x0  }
0x109: {  	[sflag:s10] =	ssyncadd.s32 $0xFFFFC000  }
0x10a: {  	[tilespmem:s14], [sflag:$0x1] =	stream.indirect.gather [hbm4b:s3+s13], $0x80, s22, s13, $0xb8;
	[tilespmem:$0x1D200] =	vst v63  }
0x10b: {  	_ =	swait.ge [sflag:s17], $0x4000  }
0x10c: {  	[sflag:s17] =	ssyncset.done $0x0  }
0x10d: {  	[sflag:s17] =	ssyncadd.s32 $0xFFFFC000  }
0x10e: {  	[spmem:s1] =	stream.indirect.scatter.add.f32 [tilespmem:s15], [sflag:$0x3], $0x80, s23, s13, $0xb8;
	[tilespmem:$0x1D200] =	vst v63  }
0x10f: {  	_ =	swait.ge [sflag:s10], $0x4000  }
0x110: {  	[sflag:s10] =	ssyncset.done $0x0  }
0x111: {  	[sflag:s10] =	ssyncadd.s32 $0xFFFFC000  }
0x112: {  	[tilespmem:s15], [sflag:$0x2] =	stream.indirect.gather [hbm4b:s3+s13], $0x80, s24, s13, $0xb8;
	[tilespmem:$0x1D200] =	vst v63  }
0x113: {  	_ =	swait.ge [sflag:s16], $0x4000  }
0x114: {  	[sflag:s16] =	ssyncset.done $0x0  }
0x115: {  	[sflag:s16] =	ssyncadd.s32 $0xFFFFC000  }
0x116: {  	[spmem:s1] =	stream.indirect.scatter.add.f32 [tilespmem:s14], [sflag:$0x3], $0x80, s25, s13, $0xb8;
	[tilespmem:$0x1D200] =	vst v63  }
0x117: {  	_ =	swait.ge [sflag:s10], $0x4000  }
0x118: {  	[sflag:s10] =	ssyncset.done $0x0  }
0x119: {  	[sflag:s10] =	ssyncadd.s32 $0xFFFFC000  }
0x11a: {  	[tilespmem:s14], [sflag:$0x1] =	stream.indirect.gather [hbm4b:s3+s13], $0x80, s26, s13, $0xb8;
	[tilespmem:$0x1D200] =	vst v63  }
0x11b: {  	_ =	swait.ge [sflag:s17], $0x4000  }
0x11c: {  	[sflag:s17] =	ssyncset.done $0x0  }
0x11d: {  	[sflag:s17] =	ssyncadd.s32 $0xFFFFC000  }
0x11e: {  	[spmem:s1] =	stream.indirect.scatter.add.f32 [tilespmem:s15], [sflag:$0x3], $0x80, s28, s13, $0xb8;
	[tilespmem:$0x1D200] =	vst v63  }
0x11f: {  	_ =	swait.ge [sflag:s10], $0x4000  }
0x120: {  	[sflag:s10] =	ssyncset.done $0x0  }
0x121: {  	[sflag:s10] =	ssyncadd.s32 $0xFFFFC000  }
0x122: {  	[tilespmem:s15], [sflag:$0x2] =	stream.indirect.gather [hbm4b:s3+s13], $0x80, s29, s13, $0xb8;
	[tilespmem:$0x1D200] =	vst v63  }
0x123: {  	_ =	swait.ge [sflag:s16], $0x4000  }
0x124: {  	[sflag:s16] =	ssyncset.done $0x0  }
0x125: {  	[sflag:s16] =	ssyncadd.s32 $0xFFFFC000  }
0x126: {  	[spmem:s1] =	stream.indirect.scatter.add.f32 [tilespmem:s14], [sflag:$0x3], $0x80, s30, s13, $0xb8;
	[tilespmem:$0x1D200] =	vst v63  }
0x127: {  	_ =	swait.ge [sflag:s10], $0x4000  }
0x128: {  	[sflag:s10] =	ssyncset.done $0x0  }
0x129: {  	[sflag:s10] =	ssyncadd.s32 $0xFFFFC000  }
0x12a: {  	[tilespmem:s14], [sflag:$0x1] =	stream.indirect.gather [hbm4b:s3+s13], $0x80, s31, s13, $0xb8;
	[tilespmem:$0x1D200] =	vst v63  }
0x12b: {  	_ =	swait.ge [sflag:s17], $0x4000  }
0x12c: {  	[sflag:s17] =	ssyncset.done $0x0  }
0x12d: {  	[sflag:s17] =	ssyncadd.s32 $0xFFFFC000  }
0x12e: {  	[spmem:s1] =	stream.indirect.scatter.add.f32 [tilespmem:s15], [sflag:$0x3], $0x80, s0, s13, $0xb8;
	[tilespmem:$0x1D200] =	vst v63  }
0x12f: {  	_ =	swait.ge [sflag:s10], $0x4000  }
0x130: {  	[sflag:s10] =	ssyncset.done $0x0  }
0x131: {  	[sflag:s10] =	ssyncadd.s32 $0xFFFFC000  }
0x132: {  	[tilespmem:s15], [sflag:$0x2] =	stream.indirect.gather [hbm4b:s3+s13], $0x80, s4, s13, $0xb8;
	[tilespmem:$0x1D200] =	vst v63  }
0x133: {  	_ =	swait.ge [sflag:s16], $0x4000  }
0x134: {  	[sflag:s16] =	ssyncset.done $0x0  }
0x135: {  	[sflag:s16] =	ssyncadd.s32 $0xFFFFC000  }
0x136: {  	[spmem:s1] =	stream.indirect.scatter.add.f32 [tilespmem:s14], [sflag:$0x3], $0x80, s6, s13, $0xb8;
	[tilespmem:$0x1D200] =	vst v63  }
0x137: {  	_ =	swait.ge [sflag:s10], $0x4000  }
0x138: {  	[sflag:s10] =	ssyncset.done $0x0  }
0x139: {  	[sflag:s10] =	ssyncadd.s32 $0xFFFFC000  }
0x13a: {  	p1 =	sne.s32 s9, $0x400;
	_ =	swait.ge [sflag:s17], $0x4000  }
.Ltmp0:
0x13b: {  	[sflag:s17] =	ssyncset.done $0x0;
	(pc) =	sbr.rel @p1 .LBB2_2-.Ltmp0, $4  }
0x13c: {  	[sflag:s17] =	ssyncadd.s32 $0xFFFFC000  }
0x13d: {  	[spmem:s1] =	stream.indirect.scatter.add.f32 [tilespmem:s15], [sflag:$0x3], $0x80, s7, s13, $0xb8;
	[tilespmem:$0x1D200] =	vst v63  }
0x13e: {  	_ =	swait.ge [sflag:s10], $0x4000  }
0x13f: {  	s9 =	sadd.s32 $0x100, s9;
	s5 =	rddreg [dreg:$0x4];
	[sflag:s10] =	ssyncset.done $0x0  }
0x140: {  	[sflag:s10] =	ssyncadd.s32 $0xFFFFC000;
	s5 =	sadd.s32 s11, s5  }
0x141: {  	[tilespmem:s2], [sflag:$0x3] =	stream.linear.gather [hbm4b:s5+s2], $0x800, $0x38;
	[tilespmem:$0x1D200] =	vst v63  }
0x142: {  	_ =	swait.ge [sflag:s10], $0x800  }
0x143: {  	s9 =	rddreg [dreg:$0x3];
	[sflag:s10] =	ssyncset.done $0x0  }
0x144: {  	s5 =	sadd.s32 s11, s9;
	[sflag:s10] =	ssyncadd.s32 $0xFFFFF800  }
0x145: {  	[tilespmem:s12], [sflag:$0x3] =	stream.linear.gather [hbm4b:s5+s2], $0x800, $0x38;
	[tilespmem:$0x1D200] =	vst v63  }
0x146: {  	_ =	swait.ge [sflag:s10], $0x800  }
0x147: {  	[sflag:s10] =	ssyncset.done $0x0  }
0x148: {  	[sflag:s10] =	ssyncadd.s32 $0xFFFFF800  }
0x149: {  	[tilespmem:s14], [sflag:$0x1] =	stream.indirect.gather [hbm4b:s3+s13], $0x80, s2, s13, $0xb8;
	[tilespmem:$0x1D200] =	vst v63  }
0x14a: {  	_ = 	snop  }
0x14b: {  	[tilespmem:s15], [sflag:$0x2] =	stream.indirect.gather [hbm4b:s3+s13], $0x80, s13, s13, $0xb8;
	[tilespmem:$0x1D200] =	vst v63  }
0x14c: {  	_ =	swait.ge [sflag:s16], $0x4000  }
0x14d: {  	[sflag:s16] =	ssyncset.done $0x0  }
0x14e: {  	[sflag:s16] =	ssyncadd.s32 $0xFFFFC000  }
0x14f: {  	[spmem:s1] =	stream.indirect.scatter.add.f32 [tilespmem:s14], [sflag:$0x3], $0x80, s12, s13, $0xb8;
	[tilespmem:$0x1D200] =	vst v63  }
0x150: {  	_ =	swait.ge [sflag:s10], $0x4000  }
0x151: {  	[sflag:s10] =	ssyncset.done $0x0  }
0x152: {  	s11 =	rddreg [dreg:$0x5];
	[sflag:s10] =	ssyncadd.s32 $0xFFFFC000  }
0x153: {  	[tilespmem:s14], [sflag:$0x1] =	stream.indirect.gather [hbm4b:s3+s13], $0x80, s11, s13, $0xb8;
	[tilespmem:$0x1D200] =	vst v63  }
0x154: {  	_ =	swait.ge [sflag:s17], $0x4000  }
0x155: {  	[sflag:s17] =	ssyncset.done $0x0  }
0x156: {  	s8 =	rddreg [dreg:$0x6];
	[sflag:s17] =	ssyncadd.s32 $0xFFFFC000  }
0x157: {  	[spmem:s1] =	stream.indirect.scatter.add.f32 [tilespmem:s15], [sflag:$0x3], $0x80, s8, s13, $0xb8;
	[tilespmem:$0x1D200] =	vst v63  }
0x158: {  	_ =	swait.ge [sflag:s10], $0x4000  }
0x159: {  	[sflag:s10] =	ssyncset.done $0x0  }
0x15a: {  	s9 =	rddreg [dreg:$0x7];
	[sflag:s10] =	ssyncadd.s32 $0xFFFFC000  }
0x15b: {  	[tilespmem:s15], [sflag:$0x2] =	stream.indirect.gather [hbm4b:s3+s13], $0x80, s9, s13, $0xb8;
	[tilespmem:$0x1D200] =	vst v63  }
0x15c: {  	_ =	swait.ge [sflag:s16], $0x4000  }
0x15d: {  	[sflag:s16] =	ssyncset.done $0x0  }
0x15e: {  	s11 =	rddreg [dreg:$0x8];
	[sflag:s16] =	ssyncadd.s32 $0xFFFFC000  }
0x15f: {  	[spmem:s1] =	stream.indirect.scatter.add.f32 [tilespmem:s14], [sflag:$0x3], $0x80, s11, s13, $0xb8;
	[tilespmem:$0x1D200] =	vst v63  }
0x160: {  	_ =	swait.ge [sflag:s10], $0x4000  }
0x161: {  	[sflag:s10] =	ssyncset.done $0x0  }
0x162: {  	s8 =	rddreg [dreg:$0x9];
	[sflag:s10] =	ssyncadd.s32 $0xFFFFC000  }
0x163: {  	[tilespmem:s14], [sflag:$0x1] =	stream.indirect.gather [hbm4b:s3+s13], $0x80, s8, s13, $0xb8;
	[tilespmem:$0x1D200] =	vst v63  }
0x164: {  	_ =	swait.ge [sflag:s17], $0x4000  }
0x165: {  	[sflag:s17] =	ssyncset.done $0x0  }
0x166: {  	s9 =	rddreg [dreg:$0xa];
	[sflag:s17] =	ssyncadd.s32 $0xFFFFC000  }
0x167: {  	[spmem:s1] =	stream.indirect.scatter.add.f32 [tilespmem:s15], [sflag:$0x3], $0x80, s9, s13, $0xb8;
	[tilespmem:$0x1D200] =	vst v63  }
0x168: {  	_ =	swait.ge [sflag:s10], $0x4000  }
0x169: {  	[sflag:s10] =	ssyncset.done $0x0  }
0x16a: {  	s11 =	rddreg [dreg:$0xb];
	[sflag:s10] =	ssyncadd.s32 $0xFFFFC000  }
0x16b: {  	[tilespmem:s15], [sflag:$0x2] =	stream.indirect.gather [hbm4b:s3+s13], $0x80, s11, s13, $0xb8;
	[tilespmem:$0x1D200] =	vst v63  }
0x16c: {  	_ =	swait.ge [sflag:s16], $0x4000  }
0x16d: {  	[sflag:s16] =	ssyncset.done $0x0  }
0x16e: {  	s8 =	rddreg [dreg:$0xc];
	[sflag:s16] =	ssyncadd.s32 $0xFFFFC000  }
0x16f: {  	[spmem:s1] =	stream.indirect.scatter.add.f32 [tilespmem:s14], [sflag:$0x3], $0x80, s8, s13, $0xb8;
	[tilespmem:$0x1D200] =	vst v63  }
0x170: {  	_ =	swait.ge [sflag:s10], $0x4000  }
0x171: {  	[sflag:s10] =	ssyncset.done $0x0  }
0x172: {  	s9 =	rddreg [dreg:$0xd];
	[sflag:s10] =	ssyncadd.s32 $0xFFFFC000  }
0x173: {  	[tilespmem:s14], [sflag:$0x1] =	stream.indirect.gather [hbm4b:s3+s13], $0x80, s9, s13, $0xb8;
	[tilespmem:$0x1D200] =	vst v63  }
0x174: {  	_ =	swait.ge [sflag:s17], $0x4000  }
0x175: {  	[sflag:s17] =	ssyncset.done $0x0  }
0x176: {  	s11 =	rddreg [dreg:$0xe];
	[sflag:s17] =	ssyncadd.s32 $0xFFFFC000  }
0x177: {  	[spmem:s1] =	stream.indirect.scatter.add.f32 [tilespmem:s15], [sflag:$0x3], $0x80, s11, s13, $0xb8;
	[tilespmem:$0x1D200] =	vst v63  }
0x178: {  	_ =	swait.ge [sflag:s10], $0x4000  }
0x179: {  	[sflag:s10] =	ssyncset.done $0x0  }
0x17a: {  	s8 =	rddreg [dreg:$0xf];
	[sflag:s10] =	ssyncadd.s32 $0xFFFFC000  }
0x17b: {  	[tilespmem:s15], [sflag:$0x2] =	stream.indirect.gather [hbm4b:s3+s13], $0x80, s8, s13, $0xb8;
	[tilespmem:$0x1D200] =	vst v63  }
0x17c: {  	_ =	swait.ge [sflag:s16], $0x4000  }
0x17d: {  	[sflag:s16] =	ssyncset.done $0x0  }
0x17e: {  	s9 =	rddreg [dreg:$0x10];
	[sflag:s16] =	ssyncadd.s32 $0xFFFFC000  }
0x17f: {  	[spmem:s1] =	stream.indirect.scatter.add.f32 [tilespmem:s14], [sflag:$0x3], $0x80, s9, s13, $0xb8;
	[tilespmem:$0x1D200] =	vst v63  }
0x180: {  	_ =	swait.ge [sflag:s10], $0x4000  }
0x181: {  	[sflag:s10] =	ssyncset.done $0x0  }
0x182: {  	[sflag:s10] =	ssyncadd.s32 $0xFFFFC000  }
0x183: {  	[tilespmem:s14], [sflag:$0x1] =	stream.indirect.gather [hbm4b:s3+s13], $0x80, s18, s13, $0xb8;
	[tilespmem:$0x1D200] =	vst v63  }
0x184: {  	_ =	swait.ge [sflag:s17], $0x4000  }
0x185: {  	[sflag:s17] =	ssyncset.done $0x0  }
0x186: {  	[sflag:s17] =	ssyncadd.s32 $0xFFFFC000  }
0x187: {  	[spmem:s1] =	stream.indirect.scatter.add.f32 [tilespmem:s15], [sflag:$0x3], $0x80, s19, s13, $0xb8;
	[tilespmem:$0x1D200] =	vst v63  }
0x188: {  	_ =	swait.ge [sflag:s10], $0x4000  }
0x189: {  	[sflag:s10] =	ssyncset.done $0x0  }
0x18a: {  	[sflag:s10] =	ssyncadd.s32 $0xFFFFC000  }
0x18b: {  	[tilespmem:s15], [sflag:$0x2] =	stream.indirect.gather [hbm4b:s3+s13], $0x80, s20, s13, $0xb8;
	[tilespmem:$0x1D200] =	vst v63  }
0x18c: {  	_ =	swait.ge [sflag:s16], $0x4000  }
0x18d: {  	[sflag:s16] =	ssyncset.done $0x0  }
0x18e: {  	[sflag:s16] =	ssyncadd.s32 $0xFFFFC000  }
0x18f: {  	[spmem:s1] =	stream.indirect.scatter.add.f32 [tilespmem:s14], [sflag:$0x3], $0x80, s21, s13, $0xb8;
	[tilespmem:$0x1D200] =	vst v63  }
0x190: {  	_ =	swait.ge [sflag:s10], $0x4000  }
0x191: {  	[sflag:s10] =	ssyncset.done $0x0  }
0x192: {  	[sflag:s10] =	ssyncadd.s32 $0xFFFFC000  }
0x193: {  	[tilespmem:s14], [sflag:$0x1] =	stream.indirect.gather [hbm4b:s3+s13], $0x80, s22, s13, $0xb8;
	[tilespmem:$0x1D200] =	vst v63  }
0x194: {  	_ =	swait.ge [sflag:s17], $0x4000  }
0x195: {  	[sflag:s17] =	ssyncset.done $0x0  }
0x196: {  	[sflag:s17] =	ssyncadd.s32 $0xFFFFC000  }
0x197: {  	[spmem:s1] =	stream.indirect.scatter.add.f32 [tilespmem:s15], [sflag:$0x3], $0x80, s23, s13, $0xb8;
	[tilespmem:$0x1D200] =	vst v63  }
0x198: {  	_ =	swait.ge [sflag:s10], $0x4000  }
0x199: {  	[sflag:s10] =	ssyncset.done $0x0  }
0x19a: {  	[sflag:s10] =	ssyncadd.s32 $0xFFFFC000  }
0x19b: {  	[tilespmem:s15], [sflag:$0x2] =	stream.indirect.gather [hbm4b:s3+s13], $0x80, s24, s13, $0xb8;
	[tilespmem:$0x1D200] =	vst v63  }
0x19c: {  	_ =	swait.ge [sflag:s16], $0x4000  }
0x19d: {  	[sflag:s16] =	ssyncset.done $0x0  }
0x19e: {  	[sflag:s16] =	ssyncadd.s32 $0xFFFFC000  }
0x19f: {  	[spmem:s1] =	stream.indirect.scatter.add.f32 [tilespmem:s14], [sflag:$0x3], $0x80, s25, s13, $0xb8;
	[tilespmem:$0x1D200] =	vst v63  }
0x1a0: {  	_ =	swait.ge [sflag:s10], $0x4000  }
0x1a1: {  	[sflag:s10] =	ssyncset.done $0x0  }
0x1a2: {  	[sflag:s10] =	ssyncadd.s32 $0xFFFFC000  }
0x1a3: {  	[tilespmem:s14], [sflag:$0x1] =	stream.indirect.gather [hbm4b:s3+s13], $0x80, s26, s13, $0xb8;
	[tilespmem:$0x1D200] =	vst v63  }
0x1a4: {  	_ =	swait.ge [sflag:s17], $0x4000  }
0x1a5: {  	[sflag:s17] =	ssyncset.done $0x0  }
0x1a6: {  	[sflag:s17] =	ssyncadd.s32 $0xFFFFC000  }
0x1a7: {  	[spmem:s1] =	stream.indirect.scatter.add.f32 [tilespmem:s15], [sflag:$0x3], $0x80, s28, s13, $0xb8;
	[tilespmem:$0x1D200] =	vst v63  }
0x1a8: {  	_ =	swait.ge [sflag:s10], $0x4000  }
0x1a9: {  	[sflag:s10] =	ssyncset.done $0x0  }
0x1aa: {  	[sflag:s10] =	ssyncadd.s32 $0xFFFFC000  }
0x1ab: {  	[tilespmem:s15], [sflag:$0x2] =	stream.indirect.gather [hbm4b:s3+s13], $0x80, s29, s13, $0xb8;
	[tilespmem:$0x1D200] =	vst v63  }
0x1ac: {  	_ =	swait.ge [sflag:s16], $0x4000  }
0x1ad: {  	[sflag:s16] =	ssyncset.done $0x0  }
0x1ae: {  	[sflag:s16] =	ssyncadd.s32 $0xFFFFC000  }
0x1af: {  	[spmem:s1] =	stream.indirect.scatter.add.f32 [tilespmem:s14], [sflag:$0x3], $0x80, s30, s13, $0xb8;
	[tilespmem:$0x1D200] =	vst v63  }
0x1b0: {  	_ =	swait.ge [sflag:s10], $0x4000  }
0x1b1: {  	[sflag:s10] =	ssyncset.done $0x0  }
0x1b2: {  	[sflag:s10] =	ssyncadd.s32 $0xFFFFC000  }
0x1b3: {  	[tilespmem:s14], [sflag:$0x1] =	stream.indirect.gather [hbm4b:s3+s13], $0x80, s31, s13, $0xb8;
	[tilespmem:$0x1D200] =	vst v63  }
0x1b4: {  	_ =	swait.ge [sflag:s17], $0x4000  }
0x1b5: {  	[sflag:s17] =	ssyncset.done $0x0  }
0x1b6: {  	[sflag:s17] =	ssyncadd.s32 $0xFFFFC000  }
0x1b7: {  	[spmem:s1] =	stream.indirect.scatter.add.f32 [tilespmem:s15], [sflag:$0x3], $0x80, s0, s13, $0xb8;
	[tilespmem:$0x1D200] =	vst v63  }
0x1b8: {  	_ =	swait.ge [sflag:s10], $0x4000  }
0x1b9: {  	[sflag:s10] =	ssyncset.done $0x0  }
0x1ba: {  	[sflag:s10] =	ssyncadd.s32 $0xFFFFC000  }
0x1bb: {  	[tilespmem:s15], [sflag:$0x2] =	stream.indirect.gather [hbm4b:s3+s13], $0x80, s4, s13, $0xb8;
	[tilespmem:$0x1D200] =	vst v63  }
0x1bc: {  	_ =	swait.ge [sflag:s16], $0x4000  }
0x1bd: {  	[sflag:s16] =	ssyncset.done $0x0  }
0x1be: {  	[sflag:s16] =	ssyncadd.s32 $0xFFFFC000  }
0x1bf: {  	[spmem:s1] =	stream.indirect.scatter.add.f32 [tilespmem:s14], [sflag:$0x3], $0x80, s6, s13, $0xb8;
	[tilespmem:$0x1D200] =	vst v63  }
0x1c0: {  	_ =	swait.ge [sflag:s10], $0x4000  }
0x1c1: {  	[sflag:s10] =	ssyncset.done $0x0  }
0x1c2: {  	[sflag:s10] =	ssyncadd.s32 $0xFFFFC000  }
0x1c3: {  	_ =	swait.ge [sflag:s17], $0x4000  }
0x1c4: {  	[sflag:s17] =	ssyncset.done $0x0  }
0x1c5: {  	[sflag:s17] =	ssyncadd.s32 $0xFFFFC000  }
0x1c6: {  	[spmem:s1] =	stream.indirect.scatter.add.f32 [tilespmem:s15], [sflag:$0x3], $0x80, s7, s13, $0xb8;
	[tilespmem:$0x1D200] =	vst v63  }
0x1c7: {  	_ =	swait.ge [sflag:s10], $0x4000  }
0x1c8: {  	[sflag:s10] =	ssyncset.done $0x0  }
0x1c9: {  	[sflag:s10] =	ssyncadd.s32 $0xFFFFC000  }
0x1ca: {  	[bflag:$0x0] =	sbarrier.arrive $0xFFFF  }
0x1cb: {  	s8 =	rddreg [dreg:$0x12]  }
0x1cc: {  	s11 =	rddreg [dreg:$0x15]  }
0x1cd: {  	s9 =	rddreg [dreg:$0x16]  }
0x1ce: {  	[hbm:s11], [sflag:s8] =	dma.local [spmem:s9], $0x2800  }
0x1cf: {  	_ =	swait.ge [sflag:s10], $0x2800  }
0x1d0: {  	s5 =	rddreg [dreg:$0x18]  }
0x1d1: {  	s11 =	sadd.s32 $0x1, s5;
	s5 =	rddreg [dreg:$0x14]  }
0x1d2: {  	p1 =	sne.s32 s11, s5  }
.Ltmp1:
0x1d3: {  	_ = 	snop;
	(pc) =	sbr.rel @p1 .LBB2_1-.Ltmp1, $3  }
0x1d4: {  	_ =	sdelay $0x1  }
0x1d5: {  	[sflag:s10] =	ssyncset.done $0x0  }
0x1d6: {  	[sflag:s10] =	ssyncadd.s32 $0xFFFFD800  }
0x1d7: {  	_ =	sfence.sel $0x180000  }
0x1d8: {  	[bflag:$0x0] =	sbarrier.arrive $0xFFFF  }
0x1d9: {  	_ =	strace $0x9000004A  }
0x1da: {  	[bflag:$0x2] =	sbarrier.arrive $0xFFFF  }
0x1db: {  	s0 =	rddreg [dreg:$0x2]  }
0x1dc: {  	s0 =	sadd.s32 @!p0 $0x100000, s0  }
0x1dd: {  	[sflag:s0] =	ssyncadd.tile.s32 @!p0 $0x1;
	_ =	shalt  }
.Lfunc_end2:
_tile_overlayer_lowered:
.L_overlay_start_2:
0x1de: {  	(tag) =	ssettag $0x2  }
0x1df: {  	s0 =	rddreg [dreg:$0x0];
	s2 =	stileid.u32  }
0x1e0: {  	s1 =	rddreg [dreg:$0x1];
	p0 =	sne.s32 s2, $0x0  }
0x1e1: {  	s3 =	rddreg [dreg:$0x2];
	[bflag:$0x3] =	sbarrier.arrive $0xFFFF;
	s2 =	simm.s32 @!p0 $0x1C03  }
0x1e2: {  	[timem:s3], [sflag:s2] =	dma.local @!p0 [hbm:s0], s1  }
0x1e3: {  	s0 =	simm.s32 @!p0 $0x3  }
0x1e4: {  	_ =	swait.ge @!p0 [sflag:s0], s1  }
0x1e5: {  	s1 =	ssub.s32 @!p0 $0x0, s1;
	[sflag:s0] =	ssyncset.done @!p0 $0x0  }
0x1e6: {  	[sflag:s0] =	ssyncadd.s32 @!p0 s1  }
0x1e7: {  	[bflag:$0x3] =	sbarrier.arrive $0xFFFF  }
0x1e8: {  	_ =	shalt  }

// kernel: kernel.15.cloned.1.call-start
scs
__scs_entry_jumppad:
0x0: {  	(pc) =	sbr.rel $0x88, $3  }
0x1: {  	(tag) =	ssettag $0x0;
	lr =	simm.s32 $0x1  }
0x2: {  	[smem:$0x3F93] =	sst lr;
	_ =	strace $0xD0000000  }
0x3: {  	_ = 	snop  }
0x4: {  	_ = 	snop  }
0x5: {  	_ = 	snop  }
0x6: {  	_ = 	snop  }
0x7: {  	_ = 	snop  }
__scs_overlays_trampoline_lowered:
0x8: {  	[smem:$0x3FA2] =	sst s0  }
0x9: {  	[smem:$0x3FA3] =	sst s1  }
0xa: {  	[smem:$0x3FA4] =	sst s2  }
0xb: {  	[smem:$0x3FA5] =	sst s3  }
0xc: {  	[smem:$0x3FA6] =	sst s4  }
0xd: {  	[smem:$0x3FA7] =	sst s5  }
0xe: {  	[smem:$0x3FA8] =	sst s6  }
0xf: {  	[smem:$0x3FA9] =	sst s7  }
0x10: {  	[smem:$0x3FAA] =	sst s8  }
0x11: {  	[smem:$0x3FAB] =	sst s9;
	s0 =	simm.s32 @!p0 $0x0  }
0x12: {  	s1 =	sld [smem:$0x3F91];
	s0 =	simm.s32 @p0 $0x1  }
0x13: {  	[smem:$0x3FAC] =	sst s0;
	s0 =	simm.s32 @!p1 $0x0  }
0x14: {  	s2 =	sld [smem:$0x3F90];
	s0 =	simm.s32 @p1 $0x1  }
0x15: {  	[smem:$0x3FAD] =	sst s0;
	s0 =	simm.s32 @!p2 $0x0  }
0x16: {  	s3 =	sld [smem:$0x3FDB];
	s0 =	simm.s32 @p2 $0x1  }
0x17: {  	s4 =	simm.s32 $0x1BF5;
	[smem:$0x3FAF] =	sst s0  }
0x18: {  	s0 =	sld [smem:$0x3F92];
	_ =	swait.ge [sflag:s4], $0x0  }
0x19: {  	s7 =	sld [smem:$0x3F93]  }
0x1a: {  	s8 =	sadd.s32 $0xFFFFE003, lr  }
0x1b: {  	s9 =	sadd.s32 $0xFFFFFEF7, lr;
	s5 =	simm.s32 $0xFFFFFFFF;
	p2 =	slt.u32 s8, $0xFFFFF086  }
0x1c: {  	p1 =	slt.u32 s9, $0xF7A;
	s5 =	simm.s32 @!p2 $0x0  }
0x1d: {  	s5 =	simm.s32 @p1 $0x1;
	p0 =	seq.s32 s7, s2  }
0x1e: {  	s7 =	smul.u32 @!p0 $0xF7A, s2;
	p2 =	seq.s32 @!p0 s5, $0x0  }
0x1f: {  	s9 =	smul.u32 $0xF7A, s1;
	s8 =	simm.s32 @!p0 $0x1BF5;
	p2 =	por !p2, p0  }
0x20: {  	[sflag:s8] =	ssyncset.s32 @!p0 $0xFFFFF086;
	s6 =	sadd.s32 @!p0 s3, s7;
	s7 =	simm.s32 @!p0 $0x108  }
0x21: {  	s3 =	sadd.s32 s3, s9;
	s6 =	sadd.s32 @!p0 $0x88, s6;
	s7 =	simm.s32 @p2 $0x1082  }
0x22: {  	[simem:s7], [sflag:s8] =	dma.local @!p0 [hbm:s6], $0xF7A  }
0x23: {  	s9 =	sor.u32 $0xD0000000, s2;
	s6 =	simm.s32 $0x108;
	_ =	swait.ge @!p0 [sflag:s8], $0x0  }
0x24: {  	s3 =	sadd.s32 $0x88, s3;
	s6 =	simm.s32 @!p1 $0x1082;
	[sflag:s4] =	ssyncset.s32 $0xFFFFF086  }
0x25: {  	[simem:s6], [sflag:s4] =	dma.local [hbm:s3], $0xF7A  }
0x26: {  	[smem:$0x3F93] =	sst s1;
	(tag) =	ssettag s2;
	_ =	strace s9  }
0x27: {  	s1 =	sld [smem:$0x3FA3]  }
0x28: {  	s2 =	sld [smem:$0x3FA4]  }
0x29: {  	s4 =	sld [smem:$0x3FA6]  }
0x2a: {  	p0 =	seq.s32 s5, $0x0;
	s5 =	sld [smem:$0x3FA7]  }
0x2b: {  	s6 =	sld [smem:$0x3FA8]  }
0x2c: {  	s7 =	sld [smem:$0x3FA9]  }
0x2d: {  	s3 =	simm.s32 $0x108;
	s8 =	sld [smem:$0x3FAA]  }
0x2e: {  	s3 =	simm.s32 @!p0 $0x1082;
	s9 =	sld [smem:$0x3FAB]  }
0x2f: {  	lr =	sadd.s32 s0, s3;
	s0 =	sld [smem:$0x3FA2]  }
0x30: {  	s3 =	sld [smem:$0x3FA5]  }
0x31: {  	[smem:$0x3FAE] =	sst s10  }
0x32: {  	s10 =	sld [smem:$0x3FAC];
	_ =	sdelay $0x3  }
0x33: {  	p0 =	seq.s32 s10, $0x1;
	s10 =	sld [smem:$0x3FAE];
	_ =	sdelay $0x3  }
0x34: {  	[smem:$0x3FAE] =	sst s10  }
0x35: {  	s10 =	sld [smem:$0x3FAD];
	_ =	sdelay $0x3  }
0x36: {  	p1 =	seq.s32 s10, $0x1;
	s10 =	sld [smem:$0x3FAE];
	_ =	sdelay $0x3  }
0x37: {  	[smem:$0x3FAE] =	sst s10  }
0x38: {  	s10 =	sld [smem:$0x3FAF]  }
0x39: {  	_ = 	snop;
	(pc) =	sbr.ind lr, $3  }
0x3a: {  	_ = 	snop  }
0x3b: {  	_ = 	snop  }
0x3c: {  	p2 =	seq.s32 s10, $0x1;
	s10 =	sld [smem:$0x3FAE]  }
0x3d: {  	_ =	shalt  }
0x3e: {  	_ =	shalt  }
0x3f: {  	_ =	shalt  }
0x40: {  	_ =	shalt  }
0x41: {  	_ =	shalt  }
0x42: {  	_ =	shalt  }
0x43: {  	_ =	shalt  }
0x44: {  	_ =	shalt  }
0x45: {  	_ =	shalt  }
0x46: {  	_ =	shalt  }
0x47: {  	_ =	shalt  }
0x48: {  	_ =	shalt  }
0x49: {  	_ =	shalt  }
0x4a: {  	_ =	shalt  }
0x4b: {  	_ =	shalt  }
0x4c: {  	_ =	shalt  }
0x4d: {  	_ =	shalt  }
0x4e: {  	_ =	shalt  }
0x4f: {  	_ =	shalt  }
0x50: {  	_ =	shalt  }
0x51: {  	_ =	shalt  }
0x52: {  	_ =	shalt  }
0x53: {  	_ =	shalt  }
0x54: {  	_ =	shalt  }
0x55: {  	_ =	shalt  }
0x56: {  	_ =	shalt  }
0x57: {  	_ =	shalt  }
0x58: {  	_ =	shalt  }
0x59: {  	_ =	shalt  }
0x5a: {  	_ =	shalt  }
0x5b: {  	_ =	shalt  }
0x5c: {  	_ =	shalt  }
0x5d: {  	_ =	shalt  }
0x5e: {  	_ =	shalt  }
0x5f: {  	_ =	shalt  }
0x60: {  	_ =	shalt  }
0x61: {  	_ =	shalt  }
0x62: {  	_ =	shalt  }
0x63: {  	_ =	shalt  }
0x64: {  	_ =	shalt  }
0x65: {  	_ =	shalt  }
0x66: {  	_ =	shalt  }
0x67: {  	_ =	shalt  }
0x68: {  	_ =	shalt  }
0x69: {  	_ =	shalt  }
0x6a: {  	_ =	shalt  }
0x6b: {  	_ =	shalt  }
0x6c: {  	_ =	shalt  }
0x6d: {  	_ =	shalt  }
0x6e: {  	_ =	shalt  }
0x6f: {  	_ =	shalt  }
0x70: {  	_ =	shalt  }
0x71: {  	_ =	shalt  }
0x72: {  	_ =	shalt  }
0x73: {  	_ =	shalt  }
0x74: {  	_ =	shalt  }
0x75: {  	_ =	shalt  }
0x76: {  	_ =	shalt  }
0x77: {  	_ =	shalt  }
0x78: {  	_ =	shalt  }
0x79: {  	_ =	shalt  }
0x7a: {  	_ =	shalt  }
0x7b: {  	_ =	shalt  }
0x7c: {  	_ =	shalt  }
0x7d: {  	_ =	shalt  }
0x7e: {  	_ =	shalt  }
0x7f: {  	_ =	shalt  }
0x80: {  	_ =	shalt  }
0x81: {  	_ =	shalt  }
0x82: {  	_ =	shalt  }
0x83: {  	_ =	shalt  }
0x84: {  	_ =	shalt  }
0x85: {  	_ =	shalt  }
0x86: {  	_ =	shalt  }
0x87: {  	_ =	shalt  }
.Lfunc_end0:
.L_simem_size_0:
called_computation.2_lowered:
.L_overlay_start_0:
0x88: {  	s2 =	sld [smem:$0x3FD9]  }
0x89: {  	s3 =	sld [smem:$0x3FFE];
	_ =	sdelay $0x1  }
0x8a: {  	s1 =	srdreg.scid  }
0x8b: {  	s0 =	sand.u32 $0x1, s1  }
0x8c: {  	s16 =	sshll.u32 s0, $0xA;
	s2 =	sadd.s32 s3, s2  }
0x8d: {  	s2 =	sadd.s32 s2, s16  }
0x8e: {  	[smem:$0x3FBA] =	sst s2  }
0x8f: {  	_ = 	snop  }
0x90: {  	(tm) =	ssettm $0x1  }
0x91: {  	s17 =	sld [smem:$0x3FFB];
	_ =	sdelay $0x3  }
0x92: {  	_ =	strace s17  }
0x93: {  	s2 =	sld [smem:$0x3FFC];
	_ =	sdelay $0x3  }
0x94: {  	_ =	strace s2  }
0x95: {  	s2 =	sld [smem:$0x3FFD];
	_ =	sdelay $0x3  }
0x96: {  	_ =	strace s2  }
0x97: {  	_ =	strace $0x8FFFFFFF  }
0x98: {  	s18 =	sld [smem:$0x3FDB];
	_ =	sdelay $0x1  }
0x99: {  	s19 =	simm.s32 $_scs_section_size  }
0x9a: {  	s4 =	simm.s32 $_size__tile_overlayer_lowered;
	s5 =	simm.s32 $_tile_overlayer_lowered  }
0x9b: {  	s22 =	simm.s32 $0x1BFF;
	s21 =	sshll.u32 s5, $0x1;
	s2 =	sadd.s32 s19, s18  }
0x9c: {  	s6 =	simm.s32 $0x0;
	s20 =	sshll.u32 s4, $0x1;
	s4 =	sadd.s32 s21, s2  }
0x9d: {  	[timem:s6], [sflag:s22] =	dma.local [hbm:s4], s20  }
0x9e: {  	_ =	swait.ge [sflag:s22], s20  }
0x9f: {  	s3 =	ssub.s32 $0x0, s20;
	[sflag:s22] =	ssyncset.done $0x0  }
0xa0: {  	[sflag:s22] =	ssyncadd.s32 s3;
	_ =	sdelay $0x1  }
0xa1: {  	s23 =	simm.s32 $0x1B8B  }
0xa2: {  	_ =	swait.ge [sflag:s23], $0x1  }
0xa3: {  	[sflag:s23] =	ssyncset.done $0x0  }
0xa4: {  	s25 =	simm.s32 $0x1B8E;
	s24 =	sld [smem:$0x3FFE];
	[sflag:s23] =	ssyncadd.s32 $0xFFFFFFFF  }
0xa5: {  	s26 =	simm.s32 $execute0_lowered;
	[smem:$0x3FD2] =	sst s25  }
0xa6: {  	s4 =	sshll.u32 s26, $0x1;
	_ =	strace $0x8000004C;
	[dreg:$0x1] =	wrdreg $0xFFFFFFFF  }
0xa7: {  	s28 =	simm.s32 $_size_execute0_lowered;
	s2 =	sadd.s32 s2, s4;
	[dreg:$0x0] =	wrdreg $0x0  }
0xa8: {  	s4 =	sshll.u32 s28, $0x1;
	[dreg:$0x2] =	wrdreg s2  }
0xa9: {  	[dreg:$0x3] =	wrdreg s4  }
0xaa: {  	[dreg:$0x4] =	wrdreg $0xC0  }
0xab: {  	_ =	task [dreg:s6], $0x5FFFF  }
0xac: {  	[dreg:$0x1] =	wrdreg $0xFFFFFFFF  }
0xad: {  	[dreg:$0x0] =	wrdreg $0x60  }
0xae: {  	[dreg:$0x2] =	wrdreg s24  }
0xaf: {  	[dreg:$0x3] =	wrdreg $0x78000  }
0xb0: {  	[dreg:$0x4] =	wrdreg $0x9  }
0xb1: {  	_ =	task.clear_ibuf [dreg:s6], $0x5FFFF;
	_ =	strace $0x9000004C  }
0xb2: {  	s29 =	simm.s32 $0x9;
	_ =	strace $0x8000004E  }
0xb3: {  	_ =	swait.ge [sflag:s29], $0x1  }
0xb4: {  	[sflag:s29] =	ssyncadd.s32 $0xFFFFFFFF  }
0xb5: {  	_ =	strace $0x9000004E  }
0xb6: {  	_ =	sfence  }
0xb7: {  	s30 =	sld [smem:$0x0];
	_ =	sdelay $0x2  }
0xb8: {  	s31 =	sshll.u32 s1, $0xD;
	s1 =	sshrl.u32 s1, $0x2  }
0xb9: {  	s3 =	sand.u32 $0x4000, s31;
	s1 =	sadd.s32 s1, s30  }
0xba: {  	s0 =	sor.u32 s3, s0;
	s1 =	sshll.u32 s1, $0x11  }
0xbb: {  	s0 =	sor.u32 s1, s0  }
0xbc: {  	s0 =	sadd.s32 $0x8F2B, s0  }
0xbd: {  	[sflag:s0] =	ssyncadd.remote.s32 $0x1  }
0xbe: {  	_ =	sfence.sel $0xFFFF  }
0xbf: {  	[dreg:$0x0] =	wrdreg $0xFFFFFFFF;
	(pc) =	sbr.abs _section_cstart, $3  }
0xc0: {  	[dreg:$0x1] =	wrdreg $0xFFFFFFFF  }
0xc1: {  	_ =	task.clear_ibuf [dreg:s6], $0x2FFFF;
	_ =	strace $0x9FFFFFFF  }
0xc2: {  	(tm) =	ssettm $0x7FFFFFFF  }
0xc3: {  	_ =	shalt  }
tec
execute0_lowered:
.L_overlay_start_1:
0x0: {  	(tag) =	ssettag $0x1  }
0x1: {  	s10 =	rddreg [dreg:$0x0]  }
0x2: {  	s2 =	rddreg [dreg:$0x1]  }
0x3: {  	s0 =	rddreg [dreg:$0x2]  }
0x4: {  	s3 =	simm.s32 $0x0;
	s1 =	stileid.u32;
	s4 =	srdreg.scid  }
0x5: {  	s18 =	simm.s32 $0x80;
	s19 =	simm.s32 $0x1;
	s20 =	simm.s32 $0x2  }
0x6: {  	s21 =	simm.s32 $0x0;
	[smem:$0x7FF] =	sst s3;
	s5 =	smul.u32 $0x280, s1  }
0x7: {  	s6 =	sand.u32 $0x1, s4;
	s11 =	sadd.s32 $0xDC00, s10;
	s12 =	sadd.s32 $0x3E00, s10  }
0x8: {  	s4 =	sadd.s32 $0x18000, s10;
	s31 =	sshll.u32 s1, $0x6;
	_ =	strace $0x8000004D  }
0x9: {  	s7 =	smul.u32 $0x2800, s6;
	s8 =	sshll.u32 s6, $0x4;
	s6 =	ssub.s32 $0x2, s6  }
0xa: {  	s9 =	sshrl.u32 s5, $0x3;
	s15 =	sor.u32 s1, s8;
	s29 =	sshrl.u32 s6, $0x1  }
0xb: {  	s16 =	sadd.s32 s5, s2;
	s7 =	sadd.s32 s5, s7;
	s8 =	smul.u32 $0x2400, s15  }
0xc: {  	s9 =	sadd.s32 s9, s10;
	s14 =	ssub.s32 s6, s29;
	s6 =	sor.u32 $0x1C03, s31  }
0xd: {  	s17 =	smul.u32 $0x500, s15;
	p0 =	sgt.u32 s15, $0x17;
	s7 =	sshrl.u32 s7, $0x3  }
0xe: {  	s5 =	sadd.s32 $0x17A00, s9;
	s9 =	sadd.s32 $0x17800, s10;
	s14 =	smax.u32 s14, $0x1  }
0xf: {  	p2 =	sne.s32 @p0 s15, $0x1F;
	s15 =	sshrl.u32 s16, $0x3;
	s16 =	simm.s32 $0x3  }
0x10: {  	s13 =	sadd.s32 s7, s10;
	s30 =	sshrl.u32 s8, $0x3;
	s10 =	sadd.s32 $0xDA00, s10  }
0x11: {  	p1 =	por p2, !p0;
	p2 =	por !p2, !p0;
	s8 =	sadd.s32 $0xC00, s30  }
0x12: {  	s13 =	sadd.s32 $0x18600, s13;
	s7 =	sadd.s32 s11, s8;
	s8 =	sadd.s32 s12, s8  }
0x13: {  	s11 =	sadd.s32 s11, s17;
	s12 =	sadd.s32 s12, s17;
	s17 =	simm.s32 $0x5000  }
.LBB2_1:
0x14: {  	[spmem:s15], [sflag:s6] =	dma.local [hbm:s5], $0x50  }
0x15: {  	_ =	swait.ge [sflag:s16], $0x50  }
0x16: {  	[sflag:s16] =	ssyncset.done $0x0  }
0x17: {  	s22 =	simm.s32 @p0 $0x0;
	s23 =	simm.s32 @p0 $0x3;
	[sflag:s16] =	ssyncadd.s32 $0xFFFFFFB0  }
0x18: {  	[tilespmem:s22], [sflag:$0x3] =	stream.linear.gather @p0 [hbm4b:s7+s22], $0x2400, $0x38;
	[tilespmem:$0x7A80] =	vst v63  }
0x19: {  	_ =	swait.ge @p0 [sflag:s23], $0x2400  }
0x1a: {  	[sflag:s23] =	ssyncset.done @p0 $0x0  }
0x1b: {  	s24 =	simm.s32 @p0 $0x2800;
	[sflag:s23] =	ssyncadd.s32 @p0 $0xFFFFDC00  }
0x1c: {  	[tilespmem:s24], [sflag:$0x3] =	stream.linear.gather @p0 [hbm4b:s8+s22], $0x2400, $0x38;
	[tilespmem:$0x7A80] =	vst v63  }
0x1d: {  	_ =	swait.ge @p0 [sflag:s23], $0x2400  }
0x1e: {  	[sflag:s23] =	ssyncset.done @p0 $0x0  }
0x1f: {  	s22 =	simm.s32 @!p1 $0x0;
	[sflag:s23] =	ssyncadd.s32 @p0 $0xFFFFDC00;
	s23 =	simm.s32 @!p1 $0x2400  }
0x20: {  	[tilespmem:s23], [sflag:$0x3] =	stream.linear.gather @!p1 [hbm4b:s9+s22], $0x200, $0x38;
	[tilespmem:$0x7A80] =	vst v63  }
0x21: {  	s23 =	simm.s32 @!p1 $0x3  }
0x22: {  	_ =	swait.ge @!p1 [sflag:s23], $0x200  }
0x23: {  	[sflag:s23] =	ssyncset.done @!p1 $0x0  }
0x24: {  	s24 =	simm.s32 @!p1 $0x4C00;
	[sflag:s23] =	ssyncadd.s32 @!p1 $0xFFFFFE00  }
0x25: {  	[tilespmem:s24], [sflag:$0x3] =	stream.linear.gather @!p1 [hbm4b:s10+s22], $0x200, $0x38;
	[tilespmem:$0x7A80] =	vst v63  }
0x26: {  	_ =	swait.ge @!p1 [sflag:s23], $0x200  }
0x27: {  	[sflag:s23] =	ssyncset.done @!p1 $0x0  }
0x28: {  	s22 =	simm.s32 @!p0 $0x0;
	[sflag:s23] =	ssyncadd.s32 @!p1 $0xFFFFFE00;
	s23 =	simm.s32 @!p0 $0x3  }
0x29: {  	[tilespmem:s22], [sflag:$0x3] =	stream.linear.gather @!p0 [hbm4b:s11+s22], $0x2800, $0x38;
	[tilespmem:$0x7A80] =	vst v63  }
0x2a: {  	_ =	swait.ge @!p0 [sflag:s23], $0x2800  }
0x2b: {  	[sflag:s23] =	ssyncset.done @!p0 $0x0  }
0x2c: {  	s24 =	simm.s32 @!p0 $0x2800;
	[sflag:s23] =	ssyncadd.s32 @!p0 $0xFFFFD800  }
0x2d: {  	[tilespmem:s24], [sflag:$0x3] =	stream.linear.gather @!p0 [hbm4b:s12+s22], $0x2800, $0x38;
	[tilespmem:$0x7A80] =	vst v63  }
0x2e: {  	s22 =	simm.s32 @p0 $0x48;
	_ =	swait.ge @!p0 [sflag:s23], $0x2800  }
0x2f: {  	s22 =	simm.s32 @p2 $0x4C;
	[sflag:s23] =	ssyncset.done @!p0 $0x0  }
0x30: {  	s22 =	simm.s32 @!p0 $0x50;
	[sflag:s23] =	ssyncadd.s32 @!p0 $0xFFFFD800  }
0x31: {  	p3 =	sne.s32 s22, $0x2;
	[bflag:$0x0] =	sbarrier.arrive $0xFFFF  }
0x32: {  	[tilespmem:s17], [sflag:$0x1] =	stream.indirect.gather [hbm4b:s4+s18], $0x1, s3, s18, $0xb8;
	[tilespmem:$0x7A80] =	vst v63  }
.Ltmp0:
0x33: {  	s23 =	simm.s32 $0x5080;
	(pc) =	sbr.rel @!p3 .LBB2_3-.Ltmp0, $4  }
0x34: {  	[tilespmem:s23], [sflag:$0x1] =	stream.indirect.gather [hbm4b:s4+s18], $0x1, s18, s18, $0xb8;
	[tilespmem:$0x7A80] =	vst v63  }
0x35: {  	s28 =	simm.s32 $0x2800;
	s25 =	simm.s32 $0x2;
	_ =	swait.ge [sflag:s19], $0x80  }
0x36: {  	s26 =	simm.s32 $0x5100;
	s30 =	simm.s32 $0x5000;
	[sflag:s19] =	ssyncset.done $0x0  }
0x37: {  	s29 =	simm.s32 $0x100;
	s24 =	simm.s32 $0x2880;
	[sflag:s19] =	ssyncadd.s32 $0xFFFFFF80  }
.LBB2_2:
0x38: {  	s23 =	smov.u32 s26;
	s25 =	sadd.s32 $0x1, s25  }
0x39: {  	[spmem:s2] =	stream.indirect.scatter.add.f32 [tilespmem:s30], [sflag:$0x2], $0x1, s28, s18, $0xb8;
	[tilespmem:$0x7A80] =	vst v63  }
0x3a: {  	p3 =	sne.s32 s22, s25  }
.Ltmp1:
0x3b: {  	s30 =	smov.u32 s26;
	(pc) =	sbr.rel @p3 .LBB2_2-.Ltmp1, $4  }
0x3c: {  	[tilespmem:s26], [sflag:$0x1] =	stream.indirect.gather [hbm4b:s4+s18], $0x1, s29, s18, $0xb8;
	[tilespmem:$0x7A80] =	vst v63  }
0x3d: {  	s28 =	smov.u32 s24;
	_ =	swait.ge [sflag:s19], $0x80  }
0x3e: {  	s24 =	sadd.s32 $0x80, s24;
	s26 =	sadd.s32 $0x80, s26;
	[sflag:s19] =	ssyncset.done $0x0  }
0x3f: {  	s30 =	sadd.s32 $0xFFFFFF80, s30;
	s29 =	sadd.s32 $0x80, s29;
	[sflag:s19] =	ssyncadd.s32 $0xFFFFFF80  }
.LBB2_3:
0x40: {  	[spmem:s2] =	stream.indirect.scatter.add.f32 [tilespmem:s30], [sflag:$0x2], $0x1, s28, s18, $0xb8;
	[tilespmem:$0x7A80] =	vst v63  }
0x41: {  	p3 =	sne.s32 s22, $0x1;
	_ =	swait.ge [sflag:s19], $0x80  }
.Ltmp2:
0x42: {  	[sflag:s19] =	ssyncset.done $0x0;
	(pc) =	sbr.rel @!p3 .LBB2_5-.Ltmp2, $4  }
0x43: {  	[sflag:s19] =	ssyncadd.s32 $0xFFFFFF80  }
0x44: {  	[spmem:s2] =	stream.indirect.scatter.add.f32 [tilespmem:s23], [sflag:$0x2], $0x1, s24, s18, $0xb8;
	[tilespmem:$0x7A80] =	vst v63  }
0x45: {  	_ =	swait.ge [sflag:s20], $0x80  }
0x46: {  	s22 =	sadd.s32 $0xFFFFFFFF, s22;
	[sflag:s20] =	ssyncset.done $0x0  }
.LBB2_4:
0x47: {  	p3 =	sne.s32 s22, $0x1;
	s22 =	sadd.s32 $0xFFFFFFFF, s22;
	[sflag:s20] =	ssyncadd.s32 $0xFFFFFF80  }
.Ltmp3:
0x48: {  	(pc) =	sbr.rel @p3 .LBB2_4-.Ltmp3, $3  }
0x49: {  	_ =	sdelay $0x1  }
0x4a: {  	_ =	swait.ge [sflag:s20], $0x80  }
0x4b: {  	[sflag:s20] =	ssyncset.done $0x0  }
.LBB2_5:
0x4c: {  	s21 =	sadd.s32 $0x1, s21  }
0x4d: {  	[sflag:s20] =	ssyncadd.s32 $0xFFFFFF80;
	p3 =	sne.s32 s21, s14  }
.Ltmp4:
0x4e: {  	[bflag:$0x0] =	sbarrier.arrive $0xFFFF;
	(pc) =	sbr.rel @p3 .LBB2_1-.Ltmp4, $4  }
0x4f: {  	[hbm:s13], [sflag:s6] =	dma.local [spmem:s15], $0x50  }
0x50: {  	_ =	swait.ge [sflag:s16], $0x50  }
0x51: {  	[sflag:s16] =	ssyncset.done $0x0  }
0x52: {  	[sflag:s16] =	ssyncadd.s32 $0xFFFFFFB0  }
0x53: {  	_ =	sfence.sel $0x180000  }
0x54: {  	[bflag:$0x0] =	sbarrier.arrive $0xFFFF  }
0x55: {  	p0 =	sne.s32 s1, $0x0;
	_ =	strace $0x9000004D  }
0x56: {  	s0 =	sadd.s32 @!p0 $0x100000, s0;
	[bflag:$0x2] =	sbarrier.arrive $0xFFFF  }
0x57: {  	[sflag:s0] =	ssyncadd.tile.s32 @!p0 $0x1;
	_ =	shalt  }
.Lfunc_end2:
_tile_overlayer_lowered:
.L_overlay_start_2:
0x58: {  	(tag) =	ssettag $0x2  }
0x59: {  	s0 =	rddreg [dreg:$0x0];
	s2 =	stileid.u32  }
0x5a: {  	s1 =	rddreg [dreg:$0x1];
	p0 =	sne.s32 s2, $0x0  }
0x5b: {  	s3 =	rddreg [dreg:$0x2];
	[bflag:$0x3] =	sbarrier.arrive $0xFFFF;
	s2 =	simm.s32 @!p0 $0x1C03  }
0x5c: {  	[timem:s3], [sflag:s2] =	dma.local @!p0 [hbm:s0], s1  }
0x5d: {  	s0 =	simm.s32 @!p0 $0x3  }
0x5e: {  	_ =	swait.ge @!p0 [sflag:s0], s1  }
0x5f: {  	s1 =	ssub.s32 @!p0 $0x0, s1;
	[sflag:s0] =	ssyncset.done @!p0 $0x0  }
0x60: {  	[sflag:s0] =	ssyncadd.s32 @!p0 s1  }
0x61: {  	[bflag:$0x3] =	sbarrier.arrive $0xFFFF  }
0x62: {  	_ =	shalt  }

// kernel: kernel.9.cloned.1.call-start
scs
__scs_entry_jumppad:
0x0: {  	(pc) =	sbr.rel $0x88, $3  }
0x1: {  	(tag) =	ssettag $0x0;
	lr =	simm.s32 $0x1  }
0x2: {  	[smem:$0x3F93] =	sst lr;
	_ =	strace $0xD0000000  }
0x3: {  	_ = 	snop  }
0x4: {  	_ = 	snop  }
0x5: {  	_ = 	snop  }
0x6: {  	_ = 	snop  }
0x7: {  	_ = 	snop  }
__scs_overlays_trampoline_lowered:
0x8: {  	[smem:$0x3FA2] =	sst s0  }
0x9: {  	[smem:$0x3FA3] =	sst s1  }
0xa: {  	[smem:$0x3FA4] =	sst s2  }
0xb: {  	[smem:$0x3FA5] =	sst s3  }
0xc: {  	[smem:$0x3FA6] =	sst s4  }
0xd: {  	[smem:$0x3FA7] =	sst s5  }
0xe: {  	[smem:$0x3FA8] =	sst s6  }
0xf: {  	[smem:$0x3FA9] =	sst s7  }
0x10: {  	[smem:$0x3FAA] =	sst s8  }
0x11: {  	[smem:$0x3FAB] =	sst s9;
	s0 =	simm.s32 @!p0 $0x0  }
0x12: {  	s1 =	sld [smem:$0x3F91];
	s0 =	simm.s32 @p0 $0x1  }
0x13: {  	[smem:$0x3FAC] =	sst s0;
	s0 =	simm.s32 @!p1 $0x0  }
0x14: {  	s2 =	sld [smem:$0x3F90];
	s0 =	simm.s32 @p1 $0x1  }
0x15: {  	[smem:$0x3FAD] =	sst s0;
	s0 =	simm.s32 @!p2 $0x0  }
0x16: {  	s3 =	sld [smem:$0x3FDB];
	s0 =	simm.s32 @p2 $0x1  }
0x17: {  	s4 =	simm.s32 $0x1BF5;
	[smem:$0x3FAF] =	sst s0  }
0x18: {  	s0 =	sld [smem:$0x3F92];
	_ =	swait.ge [sflag:s4], $0x0  }
0x19: {  	s7 =	sld [smem:$0x3F93]  }
0x1a: {  	s8 =	sadd.s32 $0xFFFFE003, lr  }
0x1b: {  	s9 =	sadd.s32 $0xFFFFFEF7, lr;
	s5 =	simm.s32 $0xFFFFFFFF;
	p2 =	slt.u32 s8, $0xFFFFF086  }
0x1c: {  	p1 =	slt.u32 s9, $0xF7A;
	s5 =	simm.s32 @!p2 $0x0  }
0x1d: {  	s5 =	simm.s32 @p1 $0x1;
	p0 =	seq.s32 s7, s2  }
0x1e: {  	s7 =	smul.u32 @!p0 $0xF7A, s2;
	p2 =	seq.s32 @!p0 s5, $0x0  }
0x1f: {  	s9 =	smul.u32 $0xF7A, s1;
	s8 =	simm.s32 @!p0 $0x1BF5;
	p2 =	por !p2, p0  }
0x20: {  	[sflag:s8] =	ssyncset.s32 @!p0 $0xFFFFF086;
	s6 =	sadd.s32 @!p0 s3, s7;
	s7 =	simm.s32 @!p0 $0x108  }
0x21: {  	s3 =	sadd.s32 s3, s9;
	s6 =	sadd.s32 @!p0 $0x88, s6;
	s7 =	simm.s32 @p2 $0x1082  }
0x22: {  	[simem:s7], [sflag:s8] =	dma.local @!p0 [hbm:s6], $0xF7A  }
0x23: {  	s9 =	sor.u32 $0xD0000000, s2;
	s6 =	simm.s32 $0x108;
	_ =	swait.ge @!p0 [sflag:s8], $0x0  }
0x24: {  	s3 =	sadd.s32 $0x88, s3;
	s6 =	simm.s32 @!p1 $0x1082;
	[sflag:s4] =	ssyncset.s32 $0xFFFFF086  }
0x25: {  	[simem:s6], [sflag:s4] =	dma.local [hbm:s3], $0xF7A  }
0x26: {  	[smem:$0x3F93] =	sst s1;
	(tag) =	ssettag s2;
	_ =	strace s9  }
0x27: {  	s1 =	sld [smem:$0x3FA3]  }
0x28: {  	s2 =	sld [smem:$0x3FA4]  }
0x29: {  	s4 =	sld [smem:$0x3FA6]  }
0x2a: {  	p0 =	seq.s32 s5, $0x0;
	s5 =	sld [smem:$0x3FA7]  }
0x2b: {  	s6 =	sld [smem:$0x3FA8]  }
0x2c: {  	s7 =	sld [smem:$0x3FA9]  }
0x2d: {  	s3 =	simm.s32 $0x108;
	s8 =	sld [smem:$0x3FAA]  }
0x2e: {  	s3 =	simm.s32 @!p0 $0x1082;
	s9 =	sld [smem:$0x3FAB]  }
0x2f: {  	lr =	sadd.s32 s0, s3;
	s0 =	sld [smem:$0x3FA2]  }
0x30: {  	s3 =	sld [smem:$0x3FA5]  }
0x31: {  	[smem:$0x3FAE] =	sst s10  }
0x32: {  	s10 =	sld [smem:$0x3FAC];
	_ =	sdelay $0x3  }
0x33: {  	p0 =	seq.s32 s10, $0x1;
	s10 =	sld [smem:$0x3FAE];
	_ =	sdelay $0x3  }
0x34: {  	[smem:$0x3FAE] =	sst s10  }
0x35: {  	s10 =	sld [smem:$0x3FAD];
	_ =	sdelay $0x3  }
0x36: {  	p1 =	seq.s32 s10, $0x1;
	s10 =	sld [smem:$0x3FAE];
	_ =	sdelay $0x3  }
0x37: {  	[smem:$0x3FAE] =	sst s10  }
0x38: {  	s10 =	sld [smem:$0x3FAF]  }
0x39: {  	_ = 	snop;
	(pc) =	sbr.ind lr, $3  }
0x3a: {  	_ = 	snop  }
0x3b: {  	_ = 	snop  }
0x3c: {  	p2 =	seq.s32 s10, $0x1;
	s10 =	sld [smem:$0x3FAE]  }
0x3d: {  	_ =	shalt  }
0x3e: {  	_ =	shalt  }
0x3f: {  	_ =	shalt  }
0x40: {  	_ =	shalt  }
0x41: {  	_ =	shalt  }
0x42: {  	_ =	shalt  }
0x43: {  	_ =	shalt  }
0x44: {  	_ =	shalt  }
0x45: {  	_ =	shalt  }
0x46: {  	_ =	shalt  }
0x47: {  	_ =	shalt  }
0x48: {  	_ =	shalt  }
0x49: {  	_ =	shalt  }
0x4a: {  	_ =	shalt  }
0x4b: {  	_ =	shalt  }
0x4c: {  	_ =	shalt  }
0x4d: {  	_ =	shalt  }
0x4e: {  	_ =	shalt  }
0x4f: {  	_ =	shalt  }
0x50: {  	_ =	shalt  }
0x51: {  	_ =	shalt  }
0x52: {  	_ =	shalt  }
0x53: {  	_ =	shalt  }
0x54: {  	_ =	shalt  }
0x55: {  	_ =	shalt  }
0x56: {  	_ =	shalt  }
0x57: {  	_ =	shalt  }
0x58: {  	_ =	shalt  }
0x59: {  	_ =	shalt  }
0x5a: {  	_ =	shalt  }
0x5b: {  	_ =	shalt  }
0x5c: {  	_ =	shalt  }
0x5d: {  	_ =	shalt  }
0x5e: {  	_ =	shalt  }
0x5f: {  	_ =	shalt  }
0x60: {  	_ =	shalt  }
0x61: {  	_ =	shalt  }
0x62: {  	_ =	shalt  }
0x63: {  	_ =	shalt  }
0x64: {  	_ =	shalt  }
0x65: {  	_ =	shalt  }
0x66: {  	_ =	shalt  }
0x67: {  	_ =	shalt  }
0x68: {  	_ =	shalt  }
0x69: {  	_ =	shalt  }
0x6a: {  	_ =	shalt  }
0x6b: {  	_ =	shalt  }
0x6c: {  	_ =	shalt  }
0x6d: {  	_ =	shalt  }
0x6e: {  	_ =	shalt  }
0x6f: {  	_ =	shalt  }
0x70: {  	_ =	shalt  }
0x71: {  	_ =	shalt  }
0x72: {  	_ =	shalt  }
0x73: {  	_ =	shalt  }
0x74: {  	_ =	shalt  }
0x75: {  	_ =	shalt  }
0x76: {  	_ =	shalt  }
0x77: {  	_ =	shalt  }
0x78: {  	_ =	shalt  }
0x79: {  	_ =	shalt  }
0x7a: {  	_ =	shalt  }
0x7b: {  	_ =	shalt  }
0x7c: {  	_ =	shalt  }
0x7d: {  	_ =	shalt  }
0x7e: {  	_ =	shalt  }
0x7f: {  	_ =	shalt  }
0x80: {  	_ =	shalt  }
0x81: {  	_ =	shalt  }
0x82: {  	_ =	shalt  }
0x83: {  	_ =	shalt  }
0x84: {  	_ =	shalt  }
0x85: {  	_ =	shalt  }
0x86: {  	_ =	shalt  }
0x87: {  	_ =	shalt  }
.Lfunc_end0:
.L_simem_size_0:
called_computation_lowered:
.L_overlay_start_0:
0x88: {  	s2 =	sld [smem:$0x3FD9]  }
0x89: {  	s3 =	sld [smem:$0x3FFE];
	_ =	sdelay $0x1  }
0x8a: {  	s1 =	srdreg.scid  }
0x8b: {  	s0 =	sand.u32 $0x1, s1  }
0x8c: {  	s16 =	sshll.u32 s0, $0xA;
	s2 =	sadd.s32 s3, s2  }
0x8d: {  	s2 =	sadd.s32 s2, s16  }
0x8e: {  	[smem:$0x3FBA] =	sst s2  }
0x8f: {  	_ = 	snop  }
0x90: {  	(tm) =	ssettm $0x1  }
0x91: {  	s17 =	sld [smem:$0x3FFB];
	_ =	sdelay $0x3  }
0x92: {  	_ =	strace s17  }
0x93: {  	s2 =	sld [smem:$0x3FFC];
	_ =	sdelay $0x3  }
0x94: {  	_ =	strace s2  }
0x95: {  	s2 =	sld [smem:$0x3FFD];
	_ =	sdelay $0x3  }
0x96: {  	_ =	strace s2  }
0x97: {  	_ =	strace $0x8FFFFFFF  }
0x98: {  	s18 =	sld [smem:$0x3FDB];
	_ =	sdelay $0x1  }
0x99: {  	s19 =	simm.s32 $_scs_section_size  }
0x9a: {  	s4 =	simm.s32 $_size__tile_overlayer_lowered;
	s5 =	simm.s32 $_tile_overlayer_lowered  }
0x9b: {  	s22 =	simm.s32 $0x1BFF;
	s21 =	sshll.u32 s5, $0x1;
	s2 =	sadd.s32 s19, s18  }
0x9c: {  	s6 =	simm.s32 $0x0;
	s20 =	sshll.u32 s4, $0x1;
	s4 =	sadd.s32 s21, s2  }
0x9d: {  	[timem:s6], [sflag:s22] =	dma.local [hbm:s4], s20  }
0x9e: {  	_ =	swait.ge [sflag:s22], s20  }
0x9f: {  	s3 =	ssub.s32 $0x0, s20;
	[sflag:s22] =	ssyncset.done $0x0  }
0xa0: {  	[sflag:s22] =	ssyncadd.s32 s3;
	_ =	sdelay $0x1  }
0xa1: {  	s23 =	simm.s32 $0x1B8B  }
0xa2: {  	_ =	swait.ge [sflag:s23], $0x1  }
0xa3: {  	[sflag:s23] =	ssyncset.done $0x0  }
0xa4: {  	s25 =	simm.s32 $0x1B8E;
	s24 =	sld [smem:$0x3FFE];
	[sflag:s23] =	ssyncadd.s32 $0xFFFFFFFF  }
0xa5: {  	s26 =	simm.s32 $execute0_lowered;
	[smem:$0x3FD2] =	sst s25  }
0xa6: {  	s4 =	sshll.u32 s26, $0x1;
	_ =	strace $0x80000046;
	[dreg:$0x1] =	wrdreg $0xFFFFFFFF  }
0xa7: {  	s28 =	simm.s32 $_size_execute0_lowered;
	s2 =	sadd.s32 s2, s4;
	[dreg:$0x0] =	wrdreg $0x0  }
0xa8: {  	s4 =	sshll.u32 s28, $0x1;
	[dreg:$0x2] =	wrdreg s2  }
0xa9: {  	[dreg:$0x3] =	wrdreg s4  }
0xaa: {  	[dreg:$0x4] =	wrdreg $0xC0  }
0xab: {  	_ =	task [dreg:s6], $0x5FFFF  }
0xac: {  	[dreg:$0x1] =	wrdreg $0xFFFFFFFF  }
0xad: {  	[dreg:$0x0] =	wrdreg $0x60  }
0xae: {  	[dreg:$0x2] =	wrdreg s24  }
0xaf: {  	[dreg:$0x3] =	wrdreg $0x50800  }
0xb0: {  	[dreg:$0x4] =	wrdreg $0x53000  }
0xb1: {  	[dreg:$0x5] =	wrdreg $0x9  }
0xb2: {  	_ =	task.clear_ibuf [dreg:s6], $0x6FFFF;
	_ =	strace $0x90000046  }
0xb3: {  	s29 =	simm.s32 $0x9;
	_ =	strace $0x80000048  }
0xb4: {  	_ =	swait.ge [sflag:s29], $0x1  }
0xb5: {  	[sflag:s29] =	ssyncadd.s32 $0xFFFFFFFF  }
0xb6: {  	_ =	strace $0x90000048  }
0xb7: {  	_ =	sfence  }
0xb8: {  	s30 =	sld [smem:$0x0];
	_ =	sdelay $0x2  }
0xb9: {  	s31 =	sshll.u32 s1, $0xD;
	s1 =	sshrl.u32 s1, $0x2  }
0xba: {  	s3 =	sand.u32 $0x4000, s31;
	s1 =	sadd.s32 s1, s30  }
0xbb: {  	s0 =	sor.u32 s3, s0;
	s1 =	sshll.u32 s1, $0x11  }
0xbc: {  	s0 =	sor.u32 s1, s0  }
0xbd: {  	s0 =	sadd.s32 $0x8F2B, s0  }
0xbe: {  	[sflag:s0] =	ssyncadd.remote.s32 $0x1  }
0xbf: {  	_ =	sfence.sel $0xFFFF  }
0xc0: {  	[dreg:$0x0] =	wrdreg $0xFFFFFFFF;
	(pc) =	sbr.abs _section_cstart, $3  }
0xc1: {  	[dreg:$0x1] =	wrdreg $0xFFFFFFFF  }
0xc2: {  	_ =	task.clear_ibuf [dreg:s6], $0x2FFFF;
	_ =	strace $0x9FFFFFFF  }
0xc3: {  	(tm) =	ssettm $0x7FFFFFFF  }
tec
execute0_lowered:
.L_overlay_start_1:
0x0: {  	(tag) =	ssettag $0x1  }
0x1: {  	s10 =	rddreg [dreg:$0x0]  }
0x2: {  	s1 =	rddreg [dreg:$0x1]  }
0x3: {  	s3 =	rddreg [dreg:$0x2]  }
0x4: {  	s0 =	rddreg [dreg:$0x3];
	s4 =	simm.s32 $0x0  }
0x5: {  	s2 =	stileid.u32;
	s5 =	srdreg.scid;
	s17 =	simm.s32 $0x2  }
0x6: {  	s20 =	simm.s32 $0x5000;
	s21 =	simm.s32 $0x1;
	s22 =	simm.s32 $0x0  }
0x7: {  	[smem:$0x7FF] =	sst s4;
	s7 =	smul.u32 $0x280, s2;
	s5 =	sand.u32 $0x1, s5  }
0x8: {  	s11 =	sadd.s32 $0xDC00, s10;
	s12 =	sadd.s32 $0x3E00, s10;
	s29 =	sshll.u32 s2, $0x6  }
0x9: {  	_ =	strace $0x80000047;
	s8 =	smul.u32 $0x2800, s5;
	s9 =	sshll.u32 s5, $0x4  }
0xa: {  	s5 =	ssub.s32 $0x2, s5;
	s6 =	sshrl.u32 s7, $0x3;
	s19 =	sor.u32 s2, s9  }
0xb: {  	s28 =	sshrl.u32 s5, $0x1;
	s16 =	sadd.s32 s7, s1;
	s18 =	sadd.s32 s7, s3  }
0xc: {  	s9 =	sadd.s32 $0x17800, s10;
	s6 =	sadd.s32 s6, s10;
	s13 =	smul.u32 $0x2400, s19  }
0xd: {  	s8 =	sadd.s32 s7, s8;
	s15 =	ssub.s32 s5, s28;
	s31 =	smul.u32 $0x500, s19  }
0xe: {  	p0 =	sgt.u32 s19, $0x17;
	s16 =	sshrl.u32 s16, $0x3;
	s18 =	sshrl.u32 s18, $0x3  }
0xf: {  	s8 =	sshrl.u32 s8, $0x3;
	s5 =	sadd.s32 $0x17A00, s6;
	s6 =	sor.u32 $0x1C02, s29  }
0x10: {  	s15 =	smax.u32 s15, $0x1;
	p2 =	sne.s32 @p0 s19, $0x1F;
	s19 =	simm.s32 $0x80  }
0x11: {  	s14 =	sadd.s32 s8, s10;
	s30 =	sshrl.u32 s13, $0x3;
	s10 =	sadd.s32 $0xDA00, s10  }
0x12: {  	p1 =	por p2, !p0;
	p2 =	por !p2, !p0;
	s8 =	sadd.s32 $0xC00, s30  }
0x13: {  	s13 =	sadd.s32 $0x18000, s14;
	s14 =	sadd.s32 $0x18A00, s14;
	s7 =	sadd.s32 s11, s8  }
0x14: {  	v0 =	vimm.f32 $1.000000000e+00;
	s8 =	sadd.s32 s12, s8;
	s11 =	sadd.s32 s11, s31;
	s12 =	sadd.s32 s12, s31  }
.LBB2_1:
0x15: {  	[spmem:s16], [sflag:s6] =	dma.local [hbm:s5], $0x50  }
0x16: {  	_ =	swait.ge [sflag:s17], $0x50  }
0x17: {  	[sflag:s17] =	ssyncset.done $0x0  }
0x18: {  	[sflag:s17] =	ssyncadd.s32 $0xFFFFFFB0  }
0x19: {  	[spmem:s18], [sflag:s6] =	dma.local [hbm:s5], $0x50  }
0x1a: {  	_ =	swait.ge [sflag:s17], $0x50  }
0x1b: {  	[sflag:s17] =	ssyncset.done $0x0  }
0x1c: {  	[sflag:s17] =	ssyncadd.s32 $0xFFFFFFB0  }
0x1d: {  	[tilespmem:$0x5000] =	vst v0  }
0x1e: {  	[tilespmem:$0x5010] =	vst v0  }
0x1f: {  	[tilespmem:$0x5020] =	vst v0  }
0x20: {  	[tilespmem:$0x5030] =	vst v0  }
0x21: {  	[tilespmem:$0x5040] =	vst v0  }
0x22: {  	[tilespmem:$0x5050] =	vst v0  }
0x23: {  	[tilespmem:$0x5060] =	vst v0  }
0x24: {  	s23 =	simm.s32 @p0 $0x0;
	s24 =	simm.s32 @p0 $0x2;
	[tilespmem:$0x5070] =	vst v0  }
0x25: {  	[tilespmem:s23], [sflag:$0x2] =	stream.linear.gather @p0 [hbm4b:s7+s23], $0x2400, $0x38;
	[tilespmem:$0x5580] =	vst v63  }
0x26: {  	_ =	swait.ge @p0 [sflag:s24], $0x2400  }
0x27: {  	[sflag:s24] =	ssyncset.done @p0 $0x0  }
0x28: {  	s25 =	simm.s32 @p0 $0x2800;
	[sflag:s24] =	ssyncadd.s32 @p0 $0xFFFFDC00  }
0x29: {  	[tilespmem:s25], [sflag:$0x2] =	stream.linear.gather @p0 [hbm4b:s8+s23], $0x2400, $0x38;
	[tilespmem:$0x5580] =	vst v63  }
0x2a: {  	_ =	swait.ge @p0 [sflag:s24], $0x2400  }
0x2b: {  	[sflag:s24] =	ssyncset.done @p0 $0x0  }
0x2c: {  	s23 =	simm.s32 @!p1 $0x0;
	[sflag:s24] =	ssyncadd.s32 @p0 $0xFFFFDC00;
	s24 =	simm.s32 @!p1 $0x2400  }
0x2d: {  	[tilespmem:s24], [sflag:$0x2] =	stream.linear.gather @!p1 [hbm4b:s9+s23], $0x200, $0x38;
	[tilespmem:$0x5580] =	vst v63  }
0x2e: {  	s24 =	simm.s32 @!p1 $0x2  }
0x2f: {  	_ =	swait.ge @!p1 [sflag:s24], $0x200  }
0x30: {  	[sflag:s24] =	ssyncset.done @!p1 $0x0  }
0x31: {  	s25 =	simm.s32 @!p1 $0x4C00;
	[sflag:s24] =	ssyncadd.s32 @!p1 $0xFFFFFE00  }
0x32: {  	[tilespmem:s25], [sflag:$0x2] =	stream.linear.gather @!p1 [hbm4b:s10+s23], $0x200, $0x38;
	[tilespmem:$0x5580] =	vst v63  }
0x33: {  	_ =	swait.ge @!p1 [sflag:s24], $0x200  }
0x34: {  	[sflag:s24] =	ssyncset.done @!p1 $0x0  }
0x35: {  	s23 =	simm.s32 @!p0 $0x0;
	[sflag:s24] =	ssyncadd.s32 @!p1 $0xFFFFFE00;
	s24 =	simm.s32 @!p0 $0x2  }
0x36: {  	[tilespmem:s23], [sflag:$0x2] =	stream.linear.gather @!p0 [hbm4b:s11+s23], $0x2800, $0x38;
	[tilespmem:$0x5580] =	vst v63  }
0x37: {  	_ =	swait.ge @!p0 [sflag:s24], $0x2800  }
0x38: {  	[sflag:s24] =	ssyncset.done @!p0 $0x0  }
0x39: {  	s25 =	simm.s32 @!p0 $0x2800;
	[sflag:s24] =	ssyncadd.s32 @!p0 $0xFFFFD800  }
0x3a: {  	[tilespmem:s25], [sflag:$0x2] =	stream.linear.gather @!p0 [hbm4b:s12+s23], $0x2800, $0x38;
	[tilespmem:$0x5580] =	vst v63  }
0x3b: {  	s23 =	simm.s32 @p0 $0x48  }
0x3c: {  	s23 =	simm.s32 @p2 $0x4C  }
0x3d: {  	_ =	swait.ge @!p0 [sflag:s24], $0x2800;
	s23 =	simm.s32 @!p0 $0x50  }
0x3e: {  	[sflag:s24] =	ssyncset.done @!p0 $0x0;
	p3 =	sne.s32 s23, $0x1  }
.Ltmp0:
0x3f: {  	[sflag:s24] =	ssyncadd.s32 @!p0 $0xFFFFD800;
	(pc) =	sbr.rel @!p3 .LBB2_3-.Ltmp0, $4  }
0x40: {  	[bflag:$0x0] =	sbarrier.arrive $0xFFFF  }
0x41: {  	[spmem:s1] =	stream.indirect.scatter.add.f32 [tilespmem:s20], [sflag:$0x1], $0x1, s4, s19, $0xb8;
	[tilespmem:$0x5580] =	vst v63  }
0x42: {  	s26 =	simm.s32 $0x80;
	s24 =	simm.s32 $0x2800;
	s25 =	sadd.s32 $0xFFFFFFFF, s23  }
0x43: {  	[spmem:s3] =	stream.indirect.scatter.add.f32 [tilespmem:s20], [sflag:$0x1], $0x1, s24, s19, $0xb8;
	[tilespmem:$0x5580] =	vst v63  }
.LBB2_2:
0x44: {  	[spmem:s1] =	stream.indirect.scatter.add.f32 [tilespmem:s20], [sflag:$0x1], $0x1, s26, s19, $0xb8;
	[tilespmem:$0x5580] =	vst v63  }
0x45: {  	p3 =	sne.s32 s25, $0x1  }
.Ltmp1:
0x46: {  	s25 =	sadd.s32 $0xFFFFFFFF, s25;
	(pc) =	sbr.rel @p3 .LBB2_2-.Ltmp1, $4  }
0x47: {  	s24 =	sadd.s32 $0x80, s24  }
0x48: {  	[spmem:s3] =	stream.indirect.scatter.add.f32 [tilespmem:s20], [sflag:$0x1], $0x1, s24, s19, $0xb8;
	[tilespmem:$0x5580] =	vst v63  }
0x49: {  	_ = 	snop  }
0x4a: {  	s26 =	sadd.s32 $0x80, s26  }
.LBB2_3:
0x4b: {  	s23 =	sshll.u32 s23, $0x1  }
0x4c: {  	p3 =	sne.s32 s23, $0x1  }
.Ltmp2:
0x4d: {  	_ = 	snop;
	(pc) =	sbr.rel @!p3 .LBB2_5-.Ltmp2, $3  }
0x4e: {  	_ =	sdelay $0x1  }
0x4f: {  	_ =	swait.ge [sflag:s21], $0x80  }
0x50: {  	s23 =	sadd.s32 $0xFFFFFFFF, s23;
	[sflag:s21] =	ssyncset.done $0x0  }
.LBB2_4:
0x51: {  	p3 =	sne.s32 s23, $0x1;
	s23 =	sadd.s32 $0xFFFFFFFF, s23;
	[sflag:s21] =	ssyncadd.s32 $0xFFFFFF80  }
.Ltmp3:
0x52: {  	(pc) =	sbr.rel @p3 .LBB2_4-.Ltmp3, $3  }
0x53: {  	_ =	sdelay $0x1  }
0x54: {  	_ =	swait.ge [sflag:s21], $0x80  }
0x55: {  	[sflag:s21] =	ssyncset.done $0x0  }
.LBB2_5:
0x56: {  	[sflag:s21] =	ssyncadd.s32 $0xFFFFFF80  }
0x57: {  	[bflag:$0x0] =	sbarrier.arrive $0xFFFF  }
0x58: {  	[hbm:s13], [sflag:s6] =	dma.local [spmem:s16], $0x50  }
0x59: {  	s22 =	sadd.s32 $0x1, s22;
	_ =	swait.ge [sflag:s17], $0x50  }
0x5a: {  	p3 =	sne.s32 s22, s15;
	[sflag:s17] =	ssyncset.done $0x0  }
.Ltmp4:
0x5b: {  	[sflag:s17] =	ssyncadd.s32 $0xFFFFFFB0;
	(pc) =	sbr.rel @p3 .LBB2_1-.Ltmp4, $4  }
0x5c: {  	[hbm:s14], [sflag:s6] =	dma.local [spmem:s18], $0x50  }
0x5d: {  	_ =	swait.ge [sflag:s17], $0x50  }
0x5e: {  	[sflag:s17] =	ssyncset.done $0x0  }
0x5f: {  	[sflag:s17] =	ssyncadd.s32 $0xFFFFFFB0  }
0x60: {  	_ =	sfence.sel $0x180000  }
0x61: {  	[bflag:$0x0] =	sbarrier.arrive $0xFFFF  }
0x62: {  	p0 =	sne.s32 s2, $0x0;
	_ =	strace $0x90000047  }
0x63: {  	s0 =	sadd.s32 @!p0 $0x100000, s0;
	[bflag:$0x2] =	sbarrier.arrive $0xFFFF  }
0x64: {  	[sflag:s0] =	ssyncadd.tile.s32 @!p0 $0x1;
	_ =	shalt  }
.Lfunc_end2:
_tile_overlayer_lowered:
.L_overlay_start_2:
0x65: {  	(tag) =	ssettag $0x2  }
0x66: {  	s0 =	rddreg [dreg:$0x0];
	s2 =	stileid.u32  }
0x67: {  	s1 =	rddreg [dreg:$0x1];
	p0 =	sne.s32 s2, $0x0  }
0x68: {  	s3 =	rddreg [dreg:$0x2];
	[bflag:$0x3] =	sbarrier.arrive $0xFFFF;
	s2 =	simm.s32 @!p0 $0x1C02  }
0x69: {  	[timem:s3], [sflag:s2] =	dma.local @!p0 [hbm:s0], s1  }
0x6a: {  	s0 =	simm.s32 @!p0 $0x2  }
0x6b: {  	_ =	swait.ge @!p0 [sflag:s0], s1  }
0x6c: {  	s1 =	ssub.s32 @!p0 $0x0, s1;
	[sflag:s0] =	ssyncset.done @!p0 $0x0  }
0x6d: {  	[sflag:s0] =	ssyncadd.s32 @!p0 s1  }
0x6e: {  	[bflag:$0x3] =	sbarrier.arrive $0xFFFF  }
0x6f: {  	_ =	shalt  }

</sc_bundles>
